<compile_context>
chip_gen: v7x
topology: tpu7x:2x2x1
jax: 0.10.2.dev20260603
libtpu: 0.0.44.dev20260713+nightly
codegen_flags: <defaults>
</compile_context>

<pallas_src>
import functools

import jax
import jax.numpy as jnp
from jax import lax
from jax.experimental import pallas as pl
from jax.experimental.pallas import tpu as pltpu
from jax.experimental.pallas import tpu_sc as plsc

_N = 10000
_E = 320000
_H = 8
_C = 128
_HC = _H * _C

_NC = 2
_NS = 16

_K1 = 16
_EP1 = _E // _NS
_IT1 = _EP1 // _K1
_K2 = 8
_EP2 = _E // (_NC * _NS)
_IT2 = _EP2 // _K2
_RCH = 8
_NRC = _N // _RCH
_RIT = -(-_NRC // _NS)

_RB = 400


def _edge_body(t_hbm, h_hbm, src_hbm, dst_hbm, out_hbm,
               t_sh, denom_sh, acc_sh,
               src1_v, dst1_v, ts_v, td_v, ex_v,
               src2_v, dst2_v, hrows_v, ts2_v, td2_v, den_v, attn_v, msg_v,
               zd_v, stage_v):
    c = lax.axis_index("c")
    s = lax.axis_index("s")
    zero16 = jnp.zeros((16,), jnp.float32)
    rot8 = (lax.iota(jnp.int32, 16) + 8) % 16

    def zrow_d(i, carry):
        zd_v[i, :] = zero16
        return carry

    lax.fori_loop(0, _RCH, zrow_d, None)

    def zrow_a(i, carry):
        for j in range(_C // 16):
            stage_v[i, pl.ds(j * 16, 16)] = zero16
        return carry

    lax.fori_loop(0, _RCH, zrow_a, None)

    def zcopy(i, carry):
        k = s + i * _NS

        @pl.when(k < _NRC)
        def _():
            r = pl.ds(k * _RCH, _RCH)
            pltpu.sync_copy(zd_v, denom_sh.at[r])
            pltpu.sync_copy(stage_v, acc_sh.at[r])
            pltpu.sync_copy(t_hbm.at[r], t_sh.at[r])

        return carry

    lax.fori_loop(0, _RIT, zcopy, None)
    plsc.subcore_barrier()

    def p1(g, carry):
        base = s * _EP1 + g * _K1
        pltpu.sync_copy(src_hbm.at[pl.ds(base, _K1)], src1_v)
        pltpu.sync_copy(dst_hbm.at[pl.ds(base, _K1)], dst1_v)
        pltpu.sync_copy(t_sh.at[src1_v], ts_v)
        pltpu.sync_copy(t_sh.at[dst1_v], td_v)

        def ew(i, cc):
            v = ts_v[i, :] + td_v[i, :][rot8]
            ex_v[i, :] = jnp.exp(jnp.maximum(v, 0.2 * v))
            return cc

        lax.fori_loop(0, _K1, ew, None)
        pltpu.sync_copy(ex_v, denom_sh.at[dst1_v], add=True)
        return carry

    lax.fori_loop(0, _IT1, p1, None)
    plsc.subcore_barrier()

    def p2(g, carry):
        base = c * (_E // _NC) + s * _EP2 + g * _K2
        pltpu.sync_copy(src_hbm.at[pl.ds(base, _K2)], src2_v)
        pltpu.sync_copy(dst_hbm.at[pl.ds(base, _K2)], dst2_v)
        pltpu.sync_copy(h_hbm.at[src2_v], hrows_v)
        pltpu.sync_copy(t_sh.at[src2_v], ts2_v)
        pltpu.sync_copy(t_sh.at[dst2_v], td2_v)
        pltpu.sync_copy(denom_sh.at[dst2_v], den_v)

        def ew2(i, cc):
            v = ts2_v[i, :] + td2_v[i, :][rot8]
            ex = jnp.exp(jnp.maximum(v, 0.2 * v))
            attn_v[pl.ds(i * 16, 16)] = ex / (den_v[i, :] + 1e-16)
            return cc

        lax.fori_loop(0, _K2, ew2, None)

        def per_edge(k, cc):
            arow = attn_v[pl.ds(k * 16, 16)]
            accs = [zero16] * (_C // 16)
            for h in range(_H):
                a = jnp.full((16,), arow[h], jnp.float32)
                accs = [accs[j] + a * hrows_v[k, pl.ds(h * _C + j * 16, 16)]
                        for j in range(_C // 16)]
            for j in range(_C // 16):
                msg_v[k, pl.ds(j * 16, 16)] = accs[j]
            return cc

        lax.fori_loop(0, _K2, per_edge, None)
        pltpu.sync_copy(msg_v, acc_sh.at[dst2_v], add=True)
        return carry

    lax.fori_loop(0, _IT2, p2, None)
    plsc.subcore_barrier()

    def wout(i, carry):
        k = s + i * _NS

        @pl.when(k < _NRC)
        def _():
            r = pl.ds(k * _RCH, _RCH)
            pltpu.sync_copy(acc_sh.at[r], stage_v)
            pltpu.sync_copy(stage_v, out_hbm.at[c, r])

        return carry

    lax.fori_loop(0, _RIT, wout, None)


@functools.cache
def _edge_call():
  return pl.kernel(
    _edge_body,
    out_type=jax.ShapeDtypeStruct((_NC, _N, _C), jnp.float32),
    mesh=plsc.VectorSubcoreMesh(core_axis_name="c", subcore_axis_name="s",
                                num_cores=_NC, num_subcores=_NS),
    scratch_types=[
        pltpu.VMEM_SHARED((_N, 16), jnp.float32),
        pltpu.VMEM_SHARED((_N, 16), jnp.float32),
        pltpu.VMEM_SHARED((_N, _C), jnp.float32),
        pltpu.VMEM((_K1,), jnp.int32),
        pltpu.VMEM((_K1,), jnp.int32),
        pltpu.VMEM((_K1, 16), jnp.float32),
        pltpu.VMEM((_K1, 16), jnp.float32),
        pltpu.VMEM((_K1, 16), jnp.float32),
        pltpu.VMEM((_K2,), jnp.int32),
        pltpu.VMEM((_K2,), jnp.int32),
        pltpu.VMEM((_K2, _HC), jnp.float32),
        pltpu.VMEM((_K2, 16), jnp.float32),
        pltpu.VMEM((_K2, 16), jnp.float32),
        pltpu.VMEM((_K2, 16), jnp.float32),
        pltpu.VMEM((_K2 * 16,), jnp.float32),
        pltpu.VMEM((_K2, _C), jnp.float32),
        pltpu.VMEM((_RCH, 16), jnp.float32),
        pltpu.VMEM((_RCH, _C), jnp.float32),
    ],
  )


def _mm_first(x, W, Wt):
    def body(x_ref, w_ref, wt_ref, h_ref, t_ref):
        xb = x_ref[...]
        h_ref[...] = jnp.dot(xb, w_ref[...], preferred_element_type=jnp.float32)
        t_ref[...] = jnp.dot(xb, wt_ref[...], preferred_element_type=jnp.float32)

    return pl.pallas_call(
        body,
        grid=(_N // _RB,),
        in_specs=[
            pl.BlockSpec((_RB, _C), lambda i: (i, 0)),
            pl.BlockSpec((_C, _HC), lambda i: (0, 0)),
            pl.BlockSpec((_C, 16), lambda i: (0, 0)),
        ],
        out_specs=[
            pl.BlockSpec((_RB, _HC), lambda i: (i, 0)),
            pl.BlockSpec((_RB, 16), lambda i: (i, 0)),
        ],
        out_shape=[
            jax.ShapeDtypeStruct((_N, _HC), jnp.float32),
            jax.ShapeDtypeStruct((_N, 16), jnp.float32),
        ],
    )(x, W, Wt)


def _mm_mid(p0, p1, b, W, Wt):
    def body(p0_ref, p1_ref, b_ref, w_ref, wt_ref, h_ref, t_ref):
        xb = (p0_ref[...] + p1_ref[...]) * (1.0 / _H) + b_ref[...]
        xb = jnp.where(xb > 0, xb, jnp.exp(xb) - 1.0)
        h_ref[...] = jnp.dot(xb, w_ref[...], preferred_element_type=jnp.float32)
        t_ref[...] = jnp.dot(xb, wt_ref[...], preferred_element_type=jnp.float32)

    return pl.pallas_call(
        body,
        grid=(_N // _RB,),
        in_specs=[
            pl.BlockSpec((_RB, _C), lambda i: (i, 0)),
            pl.BlockSpec((_RB, _C), lambda i: (i, 0)),
            pl.BlockSpec((1, _C), lambda i: (0, 0)),
            pl.BlockSpec((_C, _HC), lambda i: (0, 0)),
            pl.BlockSpec((_C, 16), lambda i: (0, 0)),
        ],
        out_specs=[
            pl.BlockSpec((_RB, _HC), lambda i: (i, 0)),
            pl.BlockSpec((_RB, 16), lambda i: (i, 0)),
        ],
        out_shape=[
            jax.ShapeDtypeStruct((_N, _HC), jnp.float32),
            jax.ShapeDtypeStruct((_N, 16), jnp.float32),
        ],
    )(p0, p1, b, W, Wt)


def _mm_final(q0, q1, b, Wo, bo):
    def body(q0_ref, q1_ref, b_ref, wo_ref, bo_ref, o_ref):
        xb = (q0_ref[...] + q1_ref[...]) * (1.0 / _H) + b_ref[...]
        xb = jnp.where(xb > 0, xb, jnp.exp(xb) - 1.0)
        o_ref[...] = (jnp.dot(xb, wo_ref[...],
                              preferred_element_type=jnp.float32)
                      + bo_ref[...])

    return pl.pallas_call(
        body,
        grid=(_N // _RB,),
        in_specs=[
            pl.BlockSpec((_RB, _C), lambda i: (i, 0)),
            pl.BlockSpec((_RB, _C), lambda i: (i, 0)),
            pl.BlockSpec((1, _C), lambda i: (0, 0)),
            pl.BlockSpec((_C, _C), lambda i: (0, 0)),
            pl.BlockSpec((1, _C), lambda i: (0, 0)),
        ],
        out_specs=pl.BlockSpec((_RB, _C), lambda i: (i, 0)),
        out_shape=jax.ShapeDtypeStruct((_N, _C), jnp.float32),
    )(q0, q1, b, Wo, bo)


def _fold(W, att):
    return jnp.einsum('dhc,hc->dh', W.reshape(W.shape[0], _H, _C), att[0])


def kernel(x, edge_index, W1, att_src1, att_dst1, b1,
           W2, att_src2, att_dst2, b2, Wo, bo):
    src = edge_index[0].astype(jnp.int32)
    dst = edge_index[1].astype(jnp.int32)
    Wt1 = jnp.concatenate([_fold(W1, att_src1), _fold(W1, att_dst1)], axis=1)
    Wt2 = jnp.concatenate([_fold(W2, att_src2), _fold(W2, att_dst2)], axis=1)

    h1, T1 = _mm_first(x, W1, Wt1)
    agg1 = _edge_call()(T1, h1, src, dst)
    h2, T2 = _mm_mid(agg1[0], agg1[1], b1.reshape(1, -1), W2, Wt2)
    agg2 = _edge_call()(T2, h2, src, dst)
    return _mm_final(agg2[0], agg2[1], b2.reshape(1, -1), Wo,
                     bo.reshape(1, -1))

# --- scband reference (transcript-rebuilt; emitter-appended) ---
"""Pipeline reference for scband-multi-view-graph-attention-40785009443414 (READ-ONLY COPY).

The authoritative reference and input builder live on the scoring server;
editing this copy changes nothing except your own understanding.
"""

import jax, jax.numpy as jnp
import numpy as np

N_NODES = 10000
N_EDGES = 320000
D_IN = 128
D_HID = 128
HEADS = 8


def _gat_layer(x, edge_index, W, att_src, att_dst, bias, H, C):
    N = x.shape[0]
    h = (x @ W).reshape(N, H, C)
    a_src = jnp.sum(h * att_src, axis=-1)  # [N, H]
    a_dst = jnp.sum(h * att_dst, axis=-1)  # [N, H]
    src = edge_index[0]
    dst = edge_index[1]
    alpha = jax.nn.leaky_relu(a_src[src] + a_dst[dst], negative_slope=0.2)  # [E, H]
    amax = jax.ops.segment_max(alpha, dst, num_segments=N)  # [N, H]
    amax = jnp.where(jnp.isfinite(amax), amax, 0.0)
    ex = jnp.exp(alpha - amax[dst])
    denom = jax.ops.segment_sum(ex, dst, num_segments=N)
    attn = ex / (denom[dst] + 1e-16)  # [E, H]
    msg = h[src] * attn[:, :, None]  # [E, H, C]
    out = jax.ops.segment_sum(msg, dst, num_segments=N)  # [N, H, C]
    # concat=False -> mean over heads, then add bias
    return out.mean(axis=1) + bias


def setup_inputs(seed: int = 0) -> dict:
    key = jax.random.key(seed)
    ks = jax.random.split(key, 16)
    x = jax.random.normal(ks[0], (N_NODES, D_IN), dtype=jnp.float32)
    edge_index = jax.random.randint(ks[1], (2, N_EDGES), 0, N_NODES, dtype=jnp.int64)
    s1 = 1.0 / np.sqrt(D_IN)
    s2 = 1.0 / np.sqrt(D_HID)
    W1 = jax.random.normal(ks[2], (D_IN, HEADS * D_HID), dtype=jnp.float32) * s1
    att_src1 = jax.random.normal(ks[3], (1, HEADS, D_HID), dtype=jnp.float32) * s2
    att_dst1 = jax.random.normal(ks[4], (1, HEADS, D_HID), dtype=jnp.float32) * s2
    b1 = jnp.zeros((D_HID,), dtype=jnp.float32)
    W2 = jax.random.normal(ks[5], (D_HID, HEADS * D_HID), dtype=jnp.float32) * s2
    att_src2 = jax.random.normal(ks[6], (1, HEADS, D_HID), dtype=jnp.float32) * s2
    att_dst2 = jax.random.normal(ks[7], (1, HEADS, D_HID), dtype=jnp.float32) * s2
    b2 = jnp.zeros((D_HID,), dtype=jnp.float32)
    Wo = jax.random.normal(ks[8], (D_HID, D_HID), dtype=jnp.float32) * s2
    bo = jnp.zeros((D_HID,), dtype=jnp.float32)
    return {
        "x": x, "edge_index": edge_index,
        "W1": W1, "att_src1": att_src1, "att_dst1": att_dst1, "b1": b1,
        "W2": W2, "att_src2": att_src2, "att_dst2": att_dst2, "b2": b2,
        "Wo": Wo, "bo": bo,
    }


def reference(x, edge_index, W1, att_src1, att_dst1, b1, W2, att_src2, att_dst2, b2, Wo, bo):
    h = _gat_layer(x, edge_index, W1, att_src1, att_dst1, b1, HEADS, D_HID)
    h = jax.nn.elu(h)
    h = _gat_layer(h, edge_index, W2, att_src2, att_dst2, b2, HEADS, D_HID)
    h = jax.nn.elu(h)
    out = h @ Wo + bo
    return out

if __name__ == "__main__":
    import jax
    _d = setup_inputs()
    print(jax.jit(kernel)(*tuple(_d.values())))

</pallas_src>

<mosaic_0001>
#map = affine_map<(d0, d1) -> (0, 0)>
#map1 = affine_map<(d0, d1) -> (0)>
#map2 = affine_map<(d0, d1) -> (0, 0, 0)>
module attributes {stable_mosaic.version = 14 : i64} {
  func.func @_edge_body(%arg0: i32, %arg1: i32, %arg2: memref<10000x16xf32, #tpu.memory_space<hbm>>, %arg3: memref<10000x1024xf32, #tpu.memory_space<hbm>>, %arg4: memref<320000xi32, #tpu.memory_space<hbm>>, %arg5: memref<320000xi32, #tpu.memory_space<hbm>>, %arg6: memref<2x10000x128xf32, #tpu.memory_space<hbm>>, %arg7: memref<10000x16xf32, #tpu.memory_space<vmem_shared>>, %arg8: memref<10000x16xf32, #tpu.memory_space<vmem_shared>>, %arg9: memref<10000x128xf32, #tpu.memory_space<vmem_shared>>, %arg10: memref<16xi32, #tpu.memory_space<vmem>>, %arg11: memref<16xi32, #tpu.memory_space<vmem>>, %arg12: memref<16x16xf32, #tpu.memory_space<vmem>>, %arg13: memref<16x16xf32, #tpu.memory_space<vmem>>, %arg14: memref<16x16xf32, #tpu.memory_space<vmem>>, %arg15: memref<8xi32, #tpu.memory_space<vmem>>, %arg16: memref<8xi32, #tpu.memory_space<vmem>>, %arg17: memref<8x1024xf32, #tpu.memory_space<vmem>>, %arg18: memref<8x16xf32, #tpu.memory_space<vmem>>, %arg19: memref<8x16xf32, #tpu.memory_space<vmem>>, %arg20: memref<8x16xf32, #tpu.memory_space<vmem>>, %arg21: memref<128xf32, #tpu.memory_space<vmem>>, %arg22: memref<8x128xf32, #tpu.memory_space<vmem>>, %arg23: memref<8x16xf32, #tpu.memory_space<vmem>>, %arg24: memref<8x128xf32, #tpu.memory_space<vmem>>) attributes {dimension_semantics = [#tpu.dimension_semantics<core_parallel>, #tpu.dimension_semantics<subcore_parallel>], iteration_bounds = array<i64: 2, 16>, scalar_prefetch = 0 : i64, scratch_operands = 18 : i64, tpu.core_type = #tpu.core_type<sc_vector_subcore>, window_params = [{transform_indices = #map}, {transform_indices = #map}, {transform_indices = #map1}, {transform_indices = #map1}, {transform_indices = #map2}]} {
    %broadcast_in_dim3A = arith.constant 0.000000e+00 : f32
    %broadcast_in_dim3A_0 = vector.broadcast %broadcast_in_dim3A : f32 to vector<16xf32>
    %iota3A = tpu.iota {dimensions = array<i32: 0>} : vector<16xi32>
    %add3A = arith.constant 8 : i32
    %add3A_1 = vector.broadcast %add3A : i32 to vector<16xi32>
    %add3A_2 = arith.addi %iota3A, %add3A_1 : vector<16xi32>
    %jit3A = arith.constant 16 : i32
    %eq3A = arith.constant 0 : i32
    %eq3A_3 = arith.cmpi eq, %jit3A, %eq3A : i32
    %jit3A_4 = arith.constant 1 : i32
    %select_n3A = arith.select %eq3A_3, %jit3A_4, %jit3A : i32
    %rem3A = vector.broadcast %select_n3A : i32 to vector<16xi32>
    %rem3A_5 = arith.remsi %add3A_2, %rem3A : vector<16xi32>
    %ne3A = arith.constant 0 : i32
    %ne3A_6 = vector.broadcast %ne3A : i32 to vector<16xi32>
    %ne3A_7 = arith.cmpi ne, %rem3A_5, %ne3A_6 : vector<16xi32>
    %lt3A = arith.constant 0 : i32
    %lt3A_8 = vector.broadcast %lt3A : i32 to vector<16xi32>
    %lt3A_9 = arith.cmpi slt, %rem3A_5, %lt3A_8 : vector<16xi32>
    %lt3A_10 = arith.constant 0 : i32
    %lt3A_11 = arith.cmpi slt, %select_n3A, %lt3A_10 : i32
    %ne3A_12 = vector.broadcast %lt3A_11 : i1 to vector<16xi1>
    %ne3A_13 = vector.broadcast %ne3A_12 : vector<16xi1> to vector<16xi1>
    %ne3A_14 = arith.xori %lt3A_9, %ne3A_13 : vector<16xi1>
    %and3A = arith.andi %ne3A_14, %ne3A_7 : vector<16xi1>
    %add3A_15 = vector.broadcast %select_n3A : i32 to vector<16xi32>
    %add3A_16 = arith.addi %rem3A_5, %add3A_15 : vector<16xi32>
    %select_n3A_17 = arith.select %and3A, %add3A_16, %rem3A_5 : vector<16xi1>, vector<16xi32>
    %scan3A = arith.constant 0 : i32
    %scan3A_18 = arith.constant 8 : i32
    %scan3A_19 = arith.addi %scan3A, %scan3A_18 : i32
    %scan3A_20 = arith.constant 1 : i32
    scf.for %scan3A_49 = %scan3A to %scan3A_19 step %scan3A_20  : i32 {
      %swap3A = arith.index_cast %scan3A_49 : i32 to index
      %swap3A_50 = arith.constant 0 : index
      %swap3A_51 = tpu.vector_load %arg23[%swap3A, %swap3A_50] {strides = array<i32>} : memref<8x16xf32, #tpu.memory_space<vmem>>, vector<1x16xf32>,
      %swap3A_52 = vector.shape_cast %swap3A_51 : vector<1x16xf32> to vector<16xf32>
      %swap3A_53 = vector.shape_cast %broadcast_in_dim3A_0 : vector<16xf32> to vector<1x16xf32>
      tpu.vector_store %arg23[%swap3A, %swap3A_50], %swap3A_53 {strides = array<i32>} : memref<8x16xf32, #tpu.memory_space<vmem>>, vector<1x16xf32>,
    }
    %scan3A_21 = arith.constant 8 : i32
    %scan3A_22 = arith.constant 0 : i32
    %scan3A_23 = arith.constant 8 : i32
    %scan3A_24 = arith.addi %scan3A_22, %scan3A_23 : i32
    %scan3A_25 = arith.constant 1 : i32
    scf.for %scan3A_49 = %scan3A_22 to %scan3A_24 step %scan3A_25  : i32 {
      %swap3A = arith.index_cast %scan3A_49 : i32 to index
      %swap3A_50 = arith.constant 0 : index
      %swap3A_51 = tpu.vector_load %arg24[%swap3A, %swap3A_50] {strides = array<i32>} : memref<8x128xf32, #tpu.memory_space<vmem>>, vector<1x16xf32>,
      %swap3A_52 = vector.shape_cast %swap3A_51 : vector<1x16xf32> to vector<16xf32>
      %swap3A_53 = vector.shape_cast %broadcast_in_dim3A_0 : vector<16xf32> to vector<1x16xf32>
      tpu.vector_store %arg24[%swap3A, %swap3A_50], %swap3A_53 {strides = array<i32>} : memref<8x128xf32, #tpu.memory_space<vmem>>, vector<1x16xf32>,
      %swap3A_54 = arith.index_cast %scan3A_49 : i32 to index
      %swap3A_55 = arith.constant 16 : index
      %swap3A_56 = tpu.vector_load %arg24[%swap3A_54, %swap3A_55] {strides = array<i32>} : memref<8x128xf32, #tpu.memory_space<vmem>>, vector<1x16xf32>,
      %swap3A_57 = vector.shape_cast %swap3A_56 : vector<1x16xf32> to vector<16xf32>
      %swap3A_58 = vector.shape_cast %broadcast_in_dim3A_0 : vector<16xf32> to vector<1x16xf32>
      tpu.vector_store %arg24[%swap3A_54, %swap3A_55], %swap3A_58 {strides = array<i32>} : memref<8x128xf32, #tpu.memory_space<vmem>>, vector<1x16xf32>,
      %swap3A_59 = arith.index_cast %scan3A_49 : i32 to index
      %swap3A_60 = arith.constant 32 : index
      %swap3A_61 = tpu.vector_load %arg24[%swap3A_59, %swap3A_60] {strides = array<i32>} : memref<8x128xf32, #tpu.memory_space<vmem>>, vector<1x16xf32>,
      %swap3A_62 = vector.shape_cast %swap3A_61 : vector<1x16xf32> to vector<16xf32>
      %swap3A_63 = vector.shape_cast %broadcast_in_dim3A_0 : vector<16xf32> to vector<1x16xf32>
      tpu.vector_store %arg24[%swap3A_59, %swap3A_60], %swap3A_63 {strides = array<i32>} : memref<8x128xf32, #tpu.memory_space<vmem>>, vector<1x16xf32>,
      %swap3A_64 = arith.index_cast %scan3A_49 : i32 to index
      %swap3A_65 = arith.constant 48 : index
      %swap3A_66 = tpu.vector_load %arg24[%swap3A_64, %swap3A_65] {strides = array<i32>} : memref<8x128xf32, #tpu.memory_space<vmem>>, vector<1x16xf32>,
      %swap3A_67 = vector.shape_cast %swap3A_66 : vector<1x16xf32> to vector<16xf32>
      %swap3A_68 = vector.shape_cast %broadcast_in_dim3A_0 : vector<16xf32> to vector<1x16xf32>
      tpu.vector_store %arg24[%swap3A_64, %swap3A_65], %swap3A_68 {strides = array<i32>} : memref<8x128xf32, #tpu.memory_space<vmem>>, vector<1x16xf32>,
      %swap3A_69 = arith.index_cast %scan3A_49 : i32 to index
      %swap3A_70 = arith.constant 64 : index
      %swap3A_71 = tpu.vector_load %arg24[%swap3A_69, %swap3A_70] {strides = array<i32>} : memref<8x128xf32, #tpu.memory_space<vmem>>, vector<1x16xf32>,
      %swap3A_72 = vector.shape_cast %swap3A_71 : vector<1x16xf32> to vector<16xf32>
      %swap3A_73 = vector.shape_cast %broadcast_in_dim3A_0 : vector<16xf32> to vector<1x16xf32>
      tpu.vector_store %arg24[%swap3A_69, %swap3A_70], %swap3A_73 {strides = array<i32>} : memref<8x128xf32, #tpu.memory_space<vmem>>, vector<1x16xf32>,
      %swap3A_74 = arith.index_cast %scan3A_49 : i32 to index
      %swap3A_75 = arith.constant 80 : index
      %swap3A_76 = tpu.vector_load %arg24[%swap3A_74, %swap3A_75] {strides = array<i32>} : memref<8x128xf32, #tpu.memory_space<vmem>>, vector<1x16xf32>,
      %swap3A_77 = vector.shape_cast %swap3A_76 : vector<1x16xf32> to vector<16xf32>
      %swap3A_78 = vector.shape_cast %broadcast_in_dim3A_0 : vector<16xf32> to vector<1x16xf32>
      tpu.vector_store %arg24[%swap3A_74, %swap3A_75], %swap3A_78 {strides = array<i32>} : memref<8x128xf32, #tpu.memory_space<vmem>>, vector<1x16xf32>,
      %swap3A_79 = arith.index_cast %scan3A_49 : i32 to index
      %swap3A_80 = arith.constant 96 : index
      %swap3A_81 = tpu.vector_load %arg24[%swap3A_79, %swap3A_80] {strides = array<i32>} : memref<8x128xf32, #tpu.memory_space<vmem>>, vector<1x16xf32>,
      %swap3A_82 = vector.shape_cast %swap3A_81 : vector<1x16xf32> to vector<16xf32>
      %swap3A_83 = vector.shape_cast %broadcast_in_dim3A_0 : vector<16xf32> to vector<1x16xf32>
      tpu.vector_store %arg24[%swap3A_79, %swap3A_80], %swap3A_83 {strides = array<i32>} : memref<8x128xf32, #tpu.memory_space<vmem>>, vector<1x16xf32>,
      %swap3A_84 = arith.index_cast %scan3A_49 : i32 to index
      %swap3A_85 = arith.constant 112 : index
      %swap3A_86 = tpu.vector_load %arg24[%swap3A_84, %swap3A_85] {strides = array<i32>} : memref<8x128xf32, #tpu.memory_space<vmem>>, vector<1x16xf32>,
      %swap3A_87 = vector.shape_cast %swap3A_86 : vector<1x16xf32> to vector<16xf32>
      %swap3A_88 = vector.shape_cast %broadcast_in_dim3A_0 : vector<16xf32> to vector<1x16xf32>
      tpu.vector_store %arg24[%swap3A_84, %swap3A_85], %swap3A_88 {strides = array<i32>} : memref<8x128xf32, #tpu.memory_space<vmem>>, vector<1x16xf32>,
    }
    %scan3A_26 = arith.constant 8 : i32
    %scan3A_27 = arith.constant 0 : i32
    %scan3A_28 = arith.constant 79 : i32
    %scan3A_29 = arith.addi %scan3A_27, %scan3A_28 : i32
    %scan3A_30 = arith.constant 1 : i32
    scf.for %scan3A_49 = %scan3A_27 to %scan3A_29 step %scan3A_30  : i32 {
      %mul3A = arith.constant 16 : i32
      %mul3A_50 = arith.muli %scan3A_49, %mul3A : i32
      %add3A_51 = arith.addi %arg1, %mul3A_50 : i32
      %lt3A_52 = arith.constant 1250 : i32
      %lt3A_53 = arith.cmpi slt, %add3A_51, %lt3A_52 : i32
      %convert_element_type3A = arith.extui %lt3A_53 : i1 to i32
      %cond3A = arith.constant 0 : i32
      %cond3A_54 = arith.cmpi ne, %convert_element_type3A, %cond3A : i32
      scf.if %cond3A_54 {
        %mul3A_55 = arith.constant 8 : i32
        %mul3A_56 = arith.muli %add3A_51, %mul3A_55 : i32
        "tpu.region"() ({
          %run_scoped3A = tpu.sem_alloc : memref<!tpu.dma_semaphore, #tpu.memory_space<semaphore_mem>>
          %dma_start3A = arith.constant 0 : i32
          %dma_start3A_57 = tpu.memref_slice %arg8[%mul3A_56, %dma_start3A] : memref<10000x16xf32, #tpu.memory_space<vmem_shared>> -> memref<8x16xf32, #tpu.memory_space<vmem_shared>>
          %dma_start3A_58 = arith.constant 0 : i32
          %dma_start3A_59 = tpu.memref_slice %arg8[%mul3A_56, %dma_start3A_58] : memref<10000x16xf32, #tpu.memory_space<vmem_shared>> -> memref<8x16xf32, #tpu.memory_space<vmem_shared>>
          tpu.enqueue_dma source(%arg23 : memref<8x16xf32, #tpu.memory_space<vmem>>) target(%dma_start3A_59 : memref<8x16xf32, #tpu.memory_space<vmem_shared>>) target_semaphore(%run_scoped3A : memref<!tpu.dma_semaphore, #tpu.memory_space<semaphore_mem>>)
          %dma_wait3A = arith.constant 0 : i32
          %dma_wait3A_60 = tpu.memref_slice %arg8[%mul3A_56, %dma_wait3A] : memref<10000x16xf32, #tpu.memory_space<vmem_shared>> -> memref<8x16xf32, #tpu.memory_space<vmem_shared>>
          %dma_wait3A_61 = arith.constant 0 : i32
          %dma_wait3A_62 = tpu.memref_slice %arg8[%mul3A_56, %dma_wait3A_61] : memref<10000x16xf32, #tpu.memory_space<vmem_shared>> -> memref<8x16xf32, #tpu.memory_space<vmem_shared>>
          tpu.wait_dma2 semaphore(%run_scoped3A : memref<!tpu.dma_semaphore, #tpu.memory_space<semaphore_mem>>) src(%arg23 : memref<8x16xf32, #tpu.memory_space<vmem>>) dst(%dma_wait3A_62 : memref<8x16xf32, #tpu.memory_space<vmem_shared>>)
          tpu.yield
        }) : () -> ()
        "tpu.region"() ({
          %run_scoped3A = tpu.sem_alloc : memref<!tpu.dma_semaphore, #tpu.memory_space<semaphore_mem>>
          %dma_start3A = arith.constant 0 : i32
          %dma_start3A_57 = tpu.memref_slice %arg9[%mul3A_56, %dma_start3A] : memref<10000x128xf32, #tpu.memory_space<vmem_shared>> -> memref<8x128xf32, #tpu.memory_space<vmem_shared>>
          %dma_start3A_58 = arith.constant 0 : i32
          %dma_start3A_59 = tpu.memref_slice %arg9[%mul3A_56, %dma_start3A_58] : memref<10000x128xf32, #tpu.memory_space<vmem_shared>> -> memref<8x128xf32, #tpu.memory_space<vmem_shared>>
          tpu.enqueue_dma source(%arg24 : memref<8x128xf32, #tpu.memory_space<vmem>>) target(%dma_start3A_59 : memref<8x128xf32, #tpu.memory_space<vmem_shared>>) target_semaphore(%run_scoped3A : memref<!tpu.dma_semaphore, #tpu.memory_space<semaphore_mem>>)
          %dma_wait3A = arith.constant 0 : i32
          %dma_wait3A_60 = tpu.memref_slice %arg9[%mul3A_56, %dma_wait3A] : memref<10000x128xf32, #tpu.memory_space<vmem_shared>> -> memref<8x128xf32, #tpu.memory_space<vmem_shared>>
          %dma_wait3A_61 = arith.constant 0 : i32
          %dma_wait3A_62 = tpu.memref_slice %arg9[%mul3A_56, %dma_wait3A_61] : memref<10000x128xf32, #tpu.memory_space<vmem_shared>> -> memref<8x128xf32, #tpu.memory_space<vmem_shared>>
          tpu.wait_dma2 semaphore(%run_scoped3A : memref<!tpu.dma_semaphore, #tpu.memory_space<semaphore_mem>>) src(%arg24 : memref<8x128xf32, #tpu.memory_space<vmem>>) dst(%dma_wait3A_62 : memref<8x128xf32, #tpu.memory_space<vmem_shared>>)
          tpu.yield
        }) : () -> ()
        "tpu.region"() ({
          %run_scoped3A = tpu.sem_alloc : memref<!tpu.dma_semaphore, #tpu.memory_space<semaphore_mem>>
          %dma_start3A = arith.constant 0 : i32
          %dma_start3A_57 = tpu.memref_slice %arg7[%mul3A_56, %dma_start3A] : memref<10000x16xf32, #tpu.memory_space<vmem_shared>> -> memref<8x16xf32, #tpu.memory_space<vmem_shared>>
          %dma_start3A_58 = arith.constant 0 : i32
          %dma_start3A_59 = tpu.memref_slice %arg2[%mul3A_56, %dma_start3A_58] : memref<10000x16xf32, #tpu.memory_space<hbm>> -> memref<8x16xf32, #tpu.memory_space<hbm>>
          tpu.enqueue_dma source(%dma_start3A_59 : memref<8x16xf32, #tpu.memory_space<hbm>>) target(%dma_start3A_57 : memref<8x16xf32, #tpu.memory_space<vmem_shared>>) target_semaphore(%run_scoped3A : memref<!tpu.dma_semaphore, #tpu.memory_space<semaphore_mem>>)
          %dma_wait3A = arith.constant 0 : i32
          %dma_wait3A_60 = tpu.memref_slice %arg7[%mul3A_56, %dma_wait3A] : memref<10000x16xf32, #tpu.memory_space<vmem_shared>> -> memref<8x16xf32, #tpu.memory_space<vmem_shared>>
          %dma_wait3A_61 = arith.constant 0 : i32
          %dma_wait3A_62 = tpu.memref_slice %arg2[%mul3A_56, %dma_wait3A_61] : memref<10000x16xf32, #tpu.memory_space<hbm>> -> memref<8x16xf32, #tpu.memory_space<hbm>>
          tpu.wait_dma2 semaphore(%run_scoped3A : memref<!tpu.dma_semaphore, #tpu.memory_space<semaphore_mem>>) src(%dma_wait3A_62 : memref<8x16xf32, #tpu.memory_space<hbm>>) dst(%dma_wait3A_60 : memref<8x16xf32, #tpu.memory_space<vmem_shared>>)
          tpu.yield
        }) : () -> ()
      } else {
      }
    }
    %scan3A_31 = arith.constant 79 : i32
    %barrier3A = arith.constant 0 : index
    tpu.barrier barrier_id(%barrier3A)
    %scan3A_32 = arith.constant 0 : i32
    %scan3A_33 = arith.constant 1250 : i32
    %scan3A_34 = arith.addi %scan3A_32, %scan3A_33 : i32
    %scan3A_35 = arith.constant 1 : i32
    scf.for %scan3A_49 = %scan3A_32 to %scan3A_34 step %scan3A_35  : i32 {
      %mul3A = arith.constant 20000 : i32
      %mul3A_50 = arith.muli %arg1, %mul3A : i32
      %mul3A_51 = arith.constant 16 : i32
      %mul3A_52 = arith.muli %scan3A_49, %mul3A_51 : i32
      %add3A_53 = arith.addi %mul3A_50, %mul3A_52 : i32
      "tpu.region"() ({
        %run_scoped3A = tpu.sem_alloc : memref<!tpu.dma_semaphore, #tpu.memory_space<semaphore_mem>>
        %dma_start3A = tpu.memref_slice %arg4[%add3A_53] : memref<320000xi32, #tpu.memory_space<hbm>> -> memref<16xi32, #tpu.memory_space<hbm>>
        %dma_start3A_59 = tpu.memref_slice %arg4[%add3A_53] : memref<320000xi32, #tpu.memory_space<hbm>> -> memref<16xi32, #tpu.memory_space<hbm>>
        tpu.enqueue_dma source(%dma_start3A_59 : memref<16xi32, #tpu.memory_space<hbm>>) target(%arg10 : memref<16xi32, #tpu.memory_space<vmem>>) target_semaphore(%run_scoped3A : memref<!tpu.dma_semaphore, #tpu.memory_space<semaphore_mem>>)
        %dma_wait3A = tpu.memref_slice %arg4[%add3A_53] : memref<320000xi32, #tpu.memory_space<hbm>> -> memref<16xi32, #tpu.memory_space<hbm>>
        %dma_wait3A_60 = tpu.memref_slice %arg4[%add3A_53] : memref<320000xi32, #tpu.memory_space<hbm>> -> memref<16xi32, #tpu.memory_space<hbm>>
        tpu.wait_dma2 semaphore(%run_scoped3A : memref<!tpu.dma_semaphore, #tpu.memory_space<semaphore_mem>>) src(%dma_wait3A_60 : memref<16xi32, #tpu.memory_space<hbm>>) dst(%arg10 : memref<16xi32, #tpu.memory_space<vmem>>)
        tpu.yield
      }) : () -> ()
      "tpu.region"() ({
        %run_scoped3A = tpu.sem_alloc : memref<!tpu.dma_semaphore, #tpu.memory_space<semaphore_mem>>
        %dma_start3A = tpu.memref_slice %arg5[%add3A_53] : memref<320000xi32, #tpu.memory_space<hbm>> -> memref<16xi32, #tpu.memory_space<hbm>>
        %dma_start3A_59 = tpu.memref_slice %arg5[%add3A_53] : memref<320000xi32, #tpu.memory_space<hbm>> -> memref<16xi32, #tpu.memory_space<hbm>>
        tpu.enqueue_dma source(%dma_start3A_59 : memref<16xi32, #tpu.memory_space<hbm>>) target(%arg11 : memref<16xi32, #tpu.memory_space<vmem>>) target_semaphore(%run_scoped3A : memref<!tpu.dma_semaphore, #tpu.memory_space<semaphore_mem>>)
        %dma_wait3A = tpu.memref_slice %arg5[%add3A_53] : memref<320000xi32, #tpu.memory_space<hbm>> -> memref<16xi32, #tpu.memory_space<hbm>>
        %dma_wait3A_60 = tpu.memref_slice %arg5[%add3A_53] : memref<320000xi32, #tpu.memory_space<hbm>> -> memref<16xi32, #tpu.memory_space<hbm>>
        tpu.wait_dma2 semaphore(%run_scoped3A : memref<!tpu.dma_semaphore, #tpu.memory_space<semaphore_mem>>) src(%dma_wait3A_60 : memref<16xi32, #tpu.memory_space<hbm>>) dst(%arg11 : memref<16xi32, #tpu.memory_space<vmem>>)
        tpu.yield
      }) : () -> ()
      "tpu.region"() ({
        %run_scoped3A = tpu.sem_alloc : memref<!tpu.dma_semaphore, #tpu.memory_space<semaphore_mem>>
        %dma_start3A = arith.constant 0 : i32
        %dma_start3A_59 = arith.constant 0 : i32
        %dma_start3A_60 = tpu.memref_slice %arg7[%dma_start3A, %dma_start3A_59] : memref<10000x16xf32, #tpu.memory_space<vmem_shared>> -> memref<10000x16xf32, #tpu.memory_space<vmem_shared>>
        tpu.enqueue_indirect_dma source(%dma_start3A_60 : memref<10000x16xf32, #tpu.memory_space<vmem_shared>>) target(%arg12 : memref<16x16xf32, #tpu.memory_space<vmem>>) offsets(%arg10 : memref<16xi32, #tpu.memory_space<vmem>>) semaphore(%run_scoped3A : memref<!tpu.dma_semaphore, #tpu.memory_space<semaphore_mem>>)
        %dma_wait3A = arith.constant 0 : i32
        %dma_wait3A_61 = arith.constant 0 : i32
        %dma_wait3A_62 = tpu.memref_slice %arg7[%dma_wait3A, %dma_wait3A_61] : memref<10000x16xf32, #tpu.memory_space<vmem_shared>> -> memref<10000x16xf32, #tpu.memory_space<vmem_shared>>
        tpu.wait_indirect_dma semaphore(%run_scoped3A : memref<!tpu.dma_semaphore, #tpu.memory_space<semaphore_mem>>) src(%dma_wait3A_62 : memref<10000x16xf32, #tpu.memory_space<vmem_shared>>) dst(%arg12 : memref<16x16xf32, #tpu.memory_space<vmem>>)
        tpu.yield
      }) : () -> ()
      "tpu.region"() ({
        %run_scoped3A = tpu.sem_alloc : memref<!tpu.dma_semaphore, #tpu.memory_space<semaphore_mem>>
        %dma_start3A = arith.constant 0 : i32
        %dma_start3A_59 = arith.constant 0 : i32
        %dma_start3A_60 = tpu.memref_slice %arg7[%dma_start3A, %dma_start3A_59] : memref<10000x16xf32, #tpu.memory_space<vmem_shared>> -> memref<10000x16xf32, #tpu.memory_space<vmem_shared>>
        tpu.enqueue_indirect_dma source(%dma_start3A_60 : memref<10000x16xf32, #tpu.memory_space<vmem_shared>>) target(%arg13 : memref<16x16xf32, #tpu.memory_space<vmem>>) offsets(%arg11 : memref<16xi32, #tpu.memory_space<vmem>>) semaphore(%run_scoped3A : memref<!tpu.dma_semaphore, #tpu.memory_space<semaphore_mem>>)
        %dma_wait3A = arith.constant 0 : i32
        %dma_wait3A_61 = arith.constant 0 : i32
        %dma_wait3A_62 = tpu.memref_slice %arg7[%dma_wait3A, %dma_wait3A_61] : memref<10000x16xf32, #tpu.memory_space<vmem_shared>> -> memref<10000x16xf32, #tpu.memory_space<vmem_shared>>
        tpu.wait_indirect_dma semaphore(%run_scoped3A : memref<!tpu.dma_semaphore, #tpu.memory_space<semaphore_mem>>) src(%dma_wait3A_62 : memref<10000x16xf32, #tpu.memory_space<vmem_shared>>) dst(%arg13 : memref<16x16xf32, #tpu.memory_space<vmem>>)
        tpu.yield
      }) : () -> ()
      %scan3A_54 = arith.constant 0 : i32
      %scan3A_55 = arith.constant 16 : i32
      %scan3A_56 = arith.addi %scan3A_54, %scan3A_55 : i32
      %scan3A_57 = arith.constant 1 : i32
      scf.for %scan3A_59 = %scan3A_54 to %scan3A_56 step %scan3A_57  : i32 {
        %get3A = arith.index_cast %scan3A_59 : i32 to index
        %get3A_60 = arith.constant 0 : index
        %get3A_61 = tpu.vector_load %arg12[%get3A, %get3A_60] {strides = array<i32>} : memref<16x16xf32, #tpu.memory_space<vmem>>, vector<1x16xf32>,
        %get3A_62 = vector.shape_cast %get3A_61 : vector<1x16xf32> to vector<16xf32>
        %get3A_63 = arith.index_cast %scan3A_59 : i32 to index
        %get3A_64 = arith.constant 0 : index
        %get3A_65 = tpu.vector_load %arg13[%get3A_63, %get3A_64] {strides = array<i32>} : memref<16x16xf32, #tpu.memory_space<vmem>>, vector<1x16xf32>,
        %get3A_66 = vector.shape_cast %get3A_65 : vector<1x16xf32> to vector<16xf32>
        %lt3A_67 = arith.constant 0 : i32
        %lt3A_68 = vector.broadcast %lt3A_67 : i32 to vector<16xi32>
        %lt3A_69 = arith.cmpi slt, %select_n3A_17, %lt3A_68 : vector<16xi32>
        %add3A_70 = arith.constant 16 : i32
        %add3A_71 = vector.broadcast %add3A_70 : i32 to vector<16xi32>
        %add3A_72 = arith.addi %select_n3A_17, %add3A_71 : vector<16xi32>
        %select_n3A_73 = arith.select %lt3A_69, %add3A_72, %select_n3A_17 : vector<16xi1>, vector<16xi32>
        %broadcast_in_dim3A_74 = vector.shape_cast %select_n3A_73 : vector<16xi32> to vector<16x1xi32>
        %gather3A = vector.shape_cast %broadcast_in_dim3A_74 : vector<16x1xi32> to vector<16xi32>
        %gather3A_75 = tpu.dynamic_gather %get3A_66[%gather3A] in [0] : vector<16xf32>, vector<16xi32> -> vector<16xf32>
        %add3A_76 = arith.addf %get3A_62, %gather3A_75 : vector<16xf32>
        %mul3A_77 = arith.constant 2.000000e-01 : f32
        %mul3A_78 = vector.broadcast %mul3A_77 : f32 to vector<16xf32>
        %mul3A_79 = arith.mulf %mul3A_78, %add3A_76 : vector<16xf32>
        %max3A = arith.maximumf %add3A_76, %mul3A_79 : vector<16xf32>
        %exp3A = math.exp %max3A : vector<16xf32>
        %swap3A = arith.index_cast %scan3A_59 : i32 to index
        %swap3A_80 = arith.constant 0 : index
        %swap3A_81 = tpu.vector_load %arg14[%swap3A, %swap3A_80] {strides = array<i32>} : memref<16x16xf32, #tpu.memory_space<vmem>>, vector<1x16xf32>,
        %swap3A_82 = vector.shape_cast %swap3A_81 : vector<1x16xf32> to vector<16xf32>
        %swap3A_83 = vector.shape_cast %exp3A : vector<16xf32> to vector<1x16xf32>
        tpu.vector_store %arg14[%swap3A, %swap3A_80], %swap3A_83 {strides = array<i32>} : memref<16x16xf32, #tpu.memory_space<vmem>>, vector<1x16xf32>,
      }
      %scan3A_58 = arith.constant 16 : i32
      "tpu.region"() ({
        %run_scoped3A = tpu.sem_alloc : memref<!tpu.dma_semaphore, #tpu.memory_space<semaphore_mem>>
        %dma_start3A = arith.constant 0 : i32
        %dma_start3A_59 = arith.constant 0 : i32
        %dma_start3A_60 = tpu.memref_slice %arg8[%dma_start3A, %dma_start3A_59] : memref<10000x16xf32, #tpu.memory_space<vmem_shared>> -> memref<10000x16xf32, #tpu.memory_space<vmem_shared>>
        tpu.enqueue_indirect_dma source(%arg14 : memref<16x16xf32, #tpu.memory_space<vmem>>) target(%dma_start3A_60 : memref<10000x16xf32, #tpu.memory_space<vmem_shared>>) offsets(%arg11 : memref<16xi32, #tpu.memory_space<vmem>>) semaphore(%run_scoped3A : memref<!tpu.dma_semaphore, #tpu.memory_space<semaphore_mem>>) {add = true}
        %dma_wait3A = arith.constant 0 : i32
        %dma_wait3A_61 = arith.constant 0 : i32
        %dma_wait3A_62 = tpu.memref_slice %arg8[%dma_wait3A, %dma_wait3A_61] : memref<10000x16xf32, #tpu.memory_space<vmem_shared>> -> memref<10000x16xf32, #tpu.memory_space<vmem_shared>>
        tpu.wait_indirect_dma semaphore(%run_scoped3A : memref<!tpu.dma_semaphore, #tpu.memory_space<semaphore_mem>>) src(%arg14 : memref<16x16xf32, #tpu.memory_space<vmem>>) dst(%dma_wait3A_62 : memref<10000x16xf32, #tpu.memory_space<vmem_shared>>)
        tpu.yield
      }) : () -> ()
    }
    %scan3A_36 = arith.constant 1250 : i32
    %barrier3A_37 = arith.constant 0 : index
    tpu.barrier barrier_id(%barrier3A_37)
    %scan3A_38 = arith.constant 0 : i32
    %scan3A_39 = arith.constant 1250 : i32
    %scan3A_40 = arith.addi %scan3A_38, %scan3A_39 : i32
    %scan3A_41 = arith.constant 1 : i32
    scf.for %scan3A_49 = %scan3A_38 to %scan3A_40 step %scan3A_41  : i32 {
      %mul3A = arith.constant 160000 : i32
      %mul3A_50 = arith.muli %arg0, %mul3A : i32
      %mul3A_51 = arith.constant 10000 : i32
      %mul3A_52 = arith.muli %arg1, %mul3A_51 : i32
      %add3A_53 = arith.addi %mul3A_50, %mul3A_52 : i32
      %mul3A_54 = arith.constant 8 : i32
      %mul3A_55 = arith.muli %scan3A_49, %mul3A_54 : i32
      %add3A_56 = arith.addi %add3A_53, %mul3A_55 : i32
      "tpu.region"() ({
        %run_scoped3A = tpu.sem_alloc : memref<!tpu.dma_semaphore, #tpu.memory_space<semaphore_mem>>
        %dma_start3A = tpu.memref_slice %arg4[%add3A_56] : memref<320000xi32, #tpu.memory_space<hbm>> -> memref<8xi32, #tpu.memory_space<hbm>>
        %dma_start3A_67 = tpu.memref_slice %arg4[%add3A_56] : memref<320000xi32, #tpu.memory_space<hbm>> -> memref<8xi32, #tpu.memory_space<hbm>>
        tpu.enqueue_dma source(%dma_start3A_67 : memref<8xi32, #tpu.memory_space<hbm>>) target(%arg15 : memref<8xi32, #tpu.memory_space<vmem>>) target_semaphore(%run_scoped3A : memref<!tpu.dma_semaphore, #tpu.memory_space<semaphore_mem>>)
        %dma_wait3A = tpu.memref_slice %arg4[%add3A_56] : memref<320000xi32, #tpu.memory_space<hbm>> -> memref<8xi32, #tpu.memory_space<hbm>>
        %dma_wait3A_68 = tpu.memref_slice %arg4[%add3A_56] : memref<320000xi32, #tpu.memory_space<hbm>> -> memref<8xi32, #tpu.memory_space<hbm>>
        tpu.wait_dma2 semaphore(%run_scoped3A : memref<!tpu.dma_semaphore, #tpu.memory_space<semaphore_mem>>) src(%dma_wait3A_68 : memref<8xi32, #tpu.memory_space<hbm>>) dst(%arg15 : memref<8xi32, #tpu.memory_space<vmem>>)
        tpu.yield
      }) : () -> ()
      "tpu.region"() ({
        %run_scoped3A = tpu.sem_alloc : memref<!tpu.dma_semaphore, #tpu.memory_space<semaphore_mem>>
        %dma_start3A = tpu.memref_slice %arg5[%add3A_56] : memref<320000xi32, #tpu.memory_space<hbm>> -> memref<8xi32, #tpu.memory_space<hbm>>
        %dma_start3A_67 = tpu.memref_slice %arg5[%add3A_56] : memref<320000xi32, #tpu.memory_space<hbm>> -> memref<8xi32, #tpu.memory_space<hbm>>
        tpu.enqueue_dma source(%dma_start3A_67 : memref<8xi32, #tpu.memory_space<hbm>>) target(%arg16 : memref<8xi32, #tpu.memory_space<vmem>>) target_semaphore(%run_scoped3A : memref<!tpu.dma_semaphore, #tpu.memory_space<semaphore_mem>>)
        %dma_wait3A = tpu.memref_slice %arg5[%add3A_56] : memref<320000xi32, #tpu.memory_space<hbm>> -> memref<8xi32, #tpu.memory_space<hbm>>
        %dma_wait3A_68 = tpu.memref_slice %arg5[%add3A_56] : memref<320000xi32, #tpu.memory_space<hbm>> -> memref<8xi32, #tpu.memory_space<hbm>>
        tpu.wait_dma2 semaphore(%run_scoped3A : memref<!tpu.dma_semaphore, #tpu.memory_space<semaphore_mem>>) src(%dma_wait3A_68 : memref<8xi32, #tpu.memory_space<hbm>>) dst(%arg16 : memref<8xi32, #tpu.memory_space<vmem>>)
        tpu.yield
      }) : () -> ()
      "tpu.region"() ({
        %run_scoped3A = tpu.sem_alloc : memref<!tpu.dma_semaphore, #tpu.memory_space<semaphore_mem>>
        %dma_start3A = arith.constant 0 : i32
        %dma_start3A_67 = arith.constant 0 : i32
        %dma_start3A_68 = tpu.memref_slice %arg3[%dma_start3A, %dma_start3A_67] : memref<10000x1024xf32, #tpu.memory_space<hbm>> -> memref<10000x1024xf32, #tpu.memory_space<hbm>>
        tpu.enqueue_indirect_dma source(%dma_start3A_68 : memref<10000x1024xf32, #tpu.memory_space<hbm>>) target(%arg17 : memref<8x1024xf32, #tpu.memory_space<vmem>>) offsets(%arg15 : memref<8xi32, #tpu.memory_space<vmem>>) semaphore(%run_scoped3A : memref<!tpu.dma_semaphore, #tpu.memory_space<semaphore_mem>>)
        %dma_wait3A = arith.constant 0 : i32
        %dma_wait3A_69 = arith.constant 0 : i32
        %dma_wait3A_70 = tpu.memref_slice %arg3[%dma_wait3A, %dma_wait3A_69] : memref<10000x1024xf32, #tpu.memory_space<hbm>> -> memref<10000x1024xf32, #tpu.memory_space<hbm>>
        tpu.wait_indirect_dma semaphore(%run_scoped3A : memref<!tpu.dma_semaphore, #tpu.memory_space<semaphore_mem>>) src(%dma_wait3A_70 : memref<10000x1024xf32, #tpu.memory_space<hbm>>) dst(%arg17 : memref<8x1024xf32, #tpu.memory_space<vmem>>)
        tpu.yield
      }) : () -> ()
      "tpu.region"() ({
        %run_scoped3A = tpu.sem_alloc : memref<!tpu.dma_semaphore, #tpu.memory_space<semaphore_mem>>
        %dma_start3A = arith.constant 0 : i32
        %dma_start3A_67 = arith.constant 0 : i32
        %dma_start3A_68 = tpu.memref_slice %arg7[%dma_start3A, %dma_start3A_67] : memref<10000x16xf32, #tpu.memory_space<vmem_shared>> -> memref<10000x16xf32, #tpu.memory_space<vmem_shared>>
        tpu.enqueue_indirect_dma source(%dma_start3A_68 : memref<10000x16xf32, #tpu.memory_space<vmem_shared>>) target(%arg18 : memref<8x16xf32, #tpu.memory_space<vmem>>) offsets(%arg15 : memref<8xi32, #tpu.memory_space<vmem>>) semaphore(%run_scoped3A : memref<!tpu.dma_semaphore, #tpu.memory_space<semaphore_mem>>)
        %dma_wait3A = arith.constant 0 : i32
        %dma_wait3A_69 = arith.constant 0 : i32
        %dma_wait3A_70 = tpu.memref_slice %arg7[%dma_wait3A, %dma_wait3A_69] : memref<10000x16xf32, #tpu.memory_space<vmem_shared>> -> memref<10000x16xf32, #tpu.memory_space<vmem_shared>>
        tpu.wait_indirect_dma semaphore(%run_scoped3A : memref<!tpu.dma_semaphore, #tpu.memory_space<semaphore_mem>>) src(%dma_wait3A_70 : memref<10000x16xf32, #tpu.memory_space<vmem_shared>>) dst(%arg18 : memref<8x16xf32, #tpu.memory_space<vmem>>)
        tpu.yield
      }) : () -> ()
      "tpu.region"() ({
        %run_scoped3A = tpu.sem_alloc : memref<!tpu.dma_semaphore, #tpu.memory_space<semaphore_mem>>
        %dma_start3A = arith.constant 0 : i32
        %dma_start3A_67 = arith.constant 0 : i32
        %dma_start3A_68 = tpu.memref_slice %arg7[%dma_start3A, %dma_start3A_67] : memref<10000x16xf32, #tpu.memory_space<vmem_shared>> -> memref<10000x16xf32, #tpu.memory_space<vmem_shared>>
        tpu.enqueue_indirect_dma source(%dma_start3A_68 : memref<10000x16xf32, #tpu.memory_space<vmem_shared>>) target(%arg19 : memref<8x16xf32, #tpu.memory_space<vmem>>) offsets(%arg16 : memref<8xi32, #tpu.memory_space<vmem>>) semaphore(%run_scoped3A : memref<!tpu.dma_semaphore, #tpu.memory_space<semaphore_mem>>)
        %dma_wait3A = arith.constant 0 : i32
        %dma_wait3A_69 = arith.constant 0 : i32
        %dma_wait3A_70 = tpu.memref_slice %arg7[%dma_wait3A, %dma_wait3A_69] : memref<10000x16xf32, #tpu.memory_space<vmem_shared>> -> memref<10000x16xf32, #tpu.memory_space<vmem_shared>>
        tpu.wait_indirect_dma semaphore(%run_scoped3A : memref<!tpu.dma_semaphore, #tpu.memory_space<semaphore_mem>>) src(%dma_wait3A_70 : memref<10000x16xf32, #tpu.memory_space<vmem_shared>>) dst(%arg19 : memref<8x16xf32, #tpu.memory_space<vmem>>)
        tpu.yield
      }) : () -> ()
      "tpu.region"() ({
        %run_scoped3A = tpu.sem_alloc : memref<!tpu.dma_semaphore, #tpu.memory_space<semaphore_mem>>
        %dma_start3A = arith.constant 0 : i32
        %dma_start3A_67 = arith.constant 0 : i32
        %dma_start3A_68 = tpu.memref_slice %arg8[%dma_start3A, %dma_start3A_67] : memref<10000x16xf32, #tpu.memory_space<vmem_shared>> -> memref<10000x16xf32, #tpu.memory_space<vmem_shared>>
        tpu.enqueue_indirect_dma source(%dma_start3A_68 : memref<10000x16xf32, #tpu.memory_space<vmem_shared>>) target(%arg20 : memref<8x16xf32, #tpu.memory_space<vmem>>) offsets(%arg16 : memref<8xi32, #tpu.memory_space<vmem>>) semaphore(%run_scoped3A : memref<!tpu.dma_semaphore, #tpu.memory_space<semaphore_mem>>)
        %dma_wait3A = arith.constant 0 : i32
        %dma_wait3A_69 = arith.constant 0 : i32
        %dma_wait3A_70 = tpu.memref_slice %arg8[%dma_wait3A, %dma_wait3A_69] : memref<10000x16xf32, #tpu.memory_space<vmem_shared>> -> memref<10000x16xf32, #tpu.memory_space<vmem_shared>>
        tpu.wait_indirect_dma semaphore(%run_scoped3A : memref<!tpu.dma_semaphore, #tpu.memory_space<semaphore_mem>>) src(%dma_wait3A_70 : memref<10000x16xf32, #tpu.memory_space<vmem_shared>>) dst(%arg20 : memref<8x16xf32, #tpu.memory_space<vmem>>)
        tpu.yield
      }) : () -> ()
      %scan3A_57 = arith.constant 0 : i32
      %scan3A_58 = arith.constant 8 : i32
      %scan3A_59 = arith.addi %scan3A_57, %scan3A_58 : i32
      %scan3A_60 = arith.constant 1 : i32
      scf.for %scan3A_67 = %scan3A_57 to %scan3A_59 step %scan3A_60  : i32 {
        %get3A = arith.index_cast %scan3A_67 : i32 to index
        %get3A_68 = arith.constant 0 : index
        %get3A_69 = tpu.vector_load %arg18[%get3A, %get3A_68] {strides = array<i32>} : memref<8x16xf32, #tpu.memory_space<vmem>>, vector<1x16xf32>,
        %get3A_70 = vector.shape_cast %get3A_69 : vector<1x16xf32> to vector<16xf32>
        %get3A_71 = arith.index_cast %scan3A_67 : i32 to index
        %get3A_72 = arith.constant 0 : index
        %get3A_73 = tpu.vector_load %arg19[%get3A_71, %get3A_72] {strides = array<i32>} : memref<8x16xf32, #tpu.memory_space<vmem>>, vector<1x16xf32>,
        %get3A_74 = vector.shape_cast %get3A_73 : vector<1x16xf32> to vector<16xf32>
        %lt3A_75 = arith.constant 0 : i32
        %lt3A_76 = vector.broadcast %lt3A_75 : i32 to vector<16xi32>
        %lt3A_77 = arith.cmpi slt, %select_n3A_17, %lt3A_76 : vector<16xi32>
        %add3A_78 = arith.constant 16 : i32
        %add3A_79 = vector.broadcast %add3A_78 : i32 to vector<16xi32>
        %add3A_80 = arith.addi %select_n3A_17, %add3A_79 : vector<16xi32>
        %select_n3A_81 = arith.select %lt3A_77, %add3A_80, %select_n3A_17 : vector<16xi1>, vector<16xi32>
        %broadcast_in_dim3A_82 = vector.shape_cast %select_n3A_81 : vector<16xi32> to vector<16x1xi32>
        %gather3A = vector.shape_cast %broadcast_in_dim3A_82 : vector<16x1xi32> to vector<16xi32>
        %gather3A_83 = tpu.dynamic_gather %get3A_74[%gather3A] in [0] : vector<16xf32>, vector<16xi32> -> vector<16xf32>
        %add3A_84 = arith.addf %get3A_70, %gather3A_83 : vector<16xf32>
        %mul3A_85 = arith.constant 2.000000e-01 : f32
        %mul3A_86 = vector.broadcast %mul3A_85 : f32 to vector<16xf32>
        %mul3A_87 = arith.mulf %mul3A_86, %add3A_84 : vector<16xf32>
        %max3A = arith.maximumf %add3A_84, %mul3A_87 : vector<16xf32>
        %exp3A = math.exp %max3A : vector<16xf32>
        %get3A_88 = arith.index_cast %scan3A_67 : i32 to index
        %get3A_89 = arith.constant 0 : index
        %get3A_90 = tpu.vector_load %arg20[%get3A_88, %get3A_89] {strides = array<i32>} : memref<8x16xf32, #tpu.memory_space<vmem>>, vector<1x16xf32>,
        %get3A_91 = vector.shape_cast %get3A_90 : vector<1x16xf32> to vector<16xf32>
        %add3A_92 = arith.constant 1.000000e-16 : f32
        %add3A_93 = vector.broadcast %add3A_92 : f32 to vector<16xf32>
        %add3A_94 = arith.addf %get3A_91, %add3A_93 : vector<16xf32>
        %div3A = arith.divf %exp3A, %add3A_94 : vector<16xf32>
        %mul3A_95 = arith.constant 16 : i32
        %mul3A_96 = arith.muli %scan3A_67, %mul3A_95 : i32
        %swap3A = arith.index_cast %mul3A_96 : i32 to index
        %swap3A_97 = tpu.vector_load %arg21[%swap3A] {strides = array<i32>} : memref<128xf32, #tpu.memory_space<vmem>>, vector<16xf32>,
        %swap3A_98 = vector.shape_cast %swap3A_97 : vector<16xf32> to vector<16xf32>
        %swap3A_99 = vector.shape_cast %div3A : vector<16xf32> to vector<16xf32>
        tpu.vector_store %arg21[%swap3A], %swap3A_99 {strides = array<i32>} : memref<128xf32, #tpu.memory_space<vmem>>, vector<16xf32>,
      }
      %scan3A_61 = arith.constant 8 : i32
      %scan3A_62 = arith.constant 0 : i32
      %scan3A_63 = arith.constant 8 : i32
      %scan3A_64 = arith.addi %scan3A_62, %scan3A_63 : i32
      %scan3A_65 = arith.constant 1 : i32
      scf.for %scan3A_67 = %scan3A_62 to %scan3A_64 step %scan3A_65  : i32 {
        %mul3A_68 = arith.constant 16 : i32
        %mul3A_69 = arith.muli %scan3A_67, %mul3A_68 : i32
        %get3A = arith.index_cast %mul3A_69 : i32 to index
        %get3A_70 = tpu.vector_load %arg21[%get3A] {strides = array<i32>} : memref<128xf32, #tpu.memory_space<vmem>>, vector<16xf32>,
        %get3A_71 = vector.shape_cast %get3A_70 : vector<16xf32> to vector<16xf32>
        %slice3A = vector.extract_strided_slice %get3A_71 {offsets = [0], sizes = [1], strides = [1]} : vector<16xf32> to vector<1xf32>
        %squeeze3A = vector.extract %slice3A[0] : f32 from vector<1xf32>
        %broadcast_in_dim3A_72 = vector.broadcast %squeeze3A : f32 to vector<16xf32>
        %get3A_73 = arith.index_cast %scan3A_67 : i32 to index
        %get3A_74 = arith.constant 0 : index
        %get3A_75 = tpu.vector_load %arg17[%get3A_73, %get3A_74] {strides = array<i32>} : memref<8x1024xf32, #tpu.memory_space<vmem>>, vector<1x16xf32>,
        %get3A_76 = vector.shape_cast %get3A_75 : vector<1x16xf32> to vector<16xf32>
        %mul3A_77 = arith.mulf %broadcast_in_dim3A_72, %get3A_76 : vector<16xf32>
        %add3A_78 = arith.addf %broadcast_in_dim3A_0, %mul3A_77 : vector<16xf32>
        %get3A_79 = arith.index_cast %scan3A_67 : i32 to index
        %get3A_80 = arith.constant 16 : index
        %get3A_81 = tpu.vector_load %arg17[%get3A_79, %get3A_80] {strides = array<i32>} : memref<8x1024xf32, #tpu.memory_space<vmem>>, vector<1x16xf32>,
        %get3A_82 = vector.shape_cast %get3A_81 : vector<1x16xf32> to vector<16xf32>
        %mul3A_83 = arith.mulf %broadcast_in_dim3A_72, %get3A_82 : vector<16xf32>
        %add3A_84 = arith.addf %broadcast_in_dim3A_0, %mul3A_83 : vector<16xf32>
        %get3A_85 = arith.index_cast %scan3A_67 : i32 to index
        %get3A_86 = arith.constant 32 : index
        %get3A_87 = tpu.vector_load %arg17[%get3A_85, %get3A_86] {strides = array<i32>} : memref<8x1024xf32, #tpu.memory_space<vmem>>, vector<1x16xf32>,
        %get3A_88 = vector.shape_cast %get3A_87 : vector<1x16xf32> to vector<16xf32>
        %mul3A_89 = arith.mulf %broadcast_in_dim3A_72, %get3A_88 : vector<16xf32>
        %add3A_90 = arith.addf %broadcast_in_dim3A_0, %mul3A_89 : vector<16xf32>
        %get3A_91 = arith.index_cast %scan3A_67 : i32 to index
        %get3A_92 = arith.constant 48 : index
        %get3A_93 = tpu.vector_load %arg17[%get3A_91, %get3A_92] {strides = array<i32>} : memref<8x1024xf32, #tpu.memory_space<vmem>>, vector<1x16xf32>,
        %get3A_94 = vector.shape_cast %get3A_93 : vector<1x16xf32> to vector<16xf32>
        %mul3A_95 = arith.mulf %broadcast_in_dim3A_72, %get3A_94 : vector<16xf32>
        %add3A_96 = arith.addf %broadcast_in_dim3A_0, %mul3A_95 : vector<16xf32>
        %get3A_97 = arith.index_cast %scan3A_67 : i32 to index
        %get3A_98 = arith.constant 64 : index
        %get3A_99 = tpu.vector_load %arg17[%get3A_97, %get3A_98] {strides = array<i32>} : memref<8x1024xf32, #tpu.memory_space<vmem>>, vector<1x16xf32>,
        %get3A_100 = vector.shape_cast %get3A_99 : vector<1x16xf32> to vector<16xf32>
        %mul3A_101 = arith.mulf %broadcast_in_dim3A_72, %get3A_100 : vector<16xf32>
        %add3A_102 = arith.addf %broadcast_in_dim3A_0, %mul3A_101 : vector<16xf32>
        %get3A_103 = arith.index_cast %scan3A_67 : i32 to index
        %get3A_104 = arith.constant 80 : index
        %get3A_105 = tpu.vector_load %arg17[%get3A_103, %get3A_104] {strides = array<i32>} : memref<8x1024xf32, #tpu.memory_space<vmem>>, vector<1x16xf32>,
        %get3A_106 = vector.shape_cast %get3A_105 : vector<1x16xf32> to vector<16xf32>
        %mul3A_107 = arith.mulf %broadcast_in_dim3A_72, %get3A_106 : vector<16xf32>
        %add3A_108 = arith.addf %broadcast_in_dim3A_0, %mul3A_107 : vector<16xf32>
        %get3A_109 = arith.index_cast %scan3A_67 : i32 to index
        %get3A_110 = arith.constant 96 : index
        %get3A_111 = tpu.vector_load %arg17[%get3A_109, %get3A_110] {strides = array<i32>} : memref<8x1024xf32, #tpu.memory_space<vmem>>, vector<1x16xf32>,
        %get3A_112 = vector.shape_cast %get3A_111 : vector<1x16xf32> to vector<16xf32>
        %mul3A_113 = arith.mulf %broadcast_in_dim3A_72, %get3A_112 : vector<16xf32>
        %add3A_114 = arith.addf %broadcast_in_dim3A_0, %mul3A_113 : vector<16xf32>
        %get3A_115 = arith.index_cast %scan3A_67 : i32 to index
        %get3A_116 = arith.constant 112 : index
        %get3A_117 = tpu.vector_load %arg17[%get3A_115, %get3A_116] {strides = array<i32>} : memref<8x1024xf32, #tpu.memory_space<vmem>>, vector<1x16xf32>,
        %get3A_118 = vector.shape_cast %get3A_117 : vector<1x16xf32> to vector<16xf32>
        %mul3A_119 = arith.mulf %broadcast_in_dim3A_72, %get3A_118 : vector<16xf32>
        %add3A_120 = arith.addf %broadcast_in_dim3A_0, %mul3A_119 : vector<16xf32>
        %slice3A_121 = vector.extract_strided_slice %get3A_71 {offsets = [1], sizes = [1], strides = [1]} : vector<16xf32> to vector<1xf32>
        %squeeze3A_122 = vector.extract %slice3A_121[0] : f32 from vector<1xf32>
        %broadcast_in_dim3A_123 = vector.broadcast %squeeze3A_122 : f32 to vector<16xf32>
        %get3A_124 = arith.index_cast %scan3A_67 : i32 to index
        %get3A_125 = arith.constant 128 : index
        %get3A_126 = tpu.vector_load %arg17[%get3A_124, %get3A_125] {strides = array<i32>} : memref<8x1024xf32, #tpu.memory_space<vmem>>, vector<1x16xf32>,
        %get3A_127 = vector.shape_cast %get3A_126 : vector<1x16xf32> to vector<16xf32>
        %mul3A_128 = arith.mulf %broadcast_in_dim3A_123, %get3A_127 : vector<16xf32>
        %add3A_129 = arith.addf %add3A_78, %mul3A_128 : vector<16xf32>
        %get3A_130 = arith.index_cast %scan3A_67 : i32 to index
        %get3A_131 = arith.constant 144 : index
        %get3A_132 = tpu.vector_load %arg17[%get3A_130, %get3A_131] {strides = array<i32>} : memref<8x1024xf32, #tpu.memory_space<vmem>>, vector<1x16xf32>,
        %get3A_133 = vector.shape_cast %get3A_132 : vector<1x16xf32> to vector<16xf32>
        %mul3A_134 = arith.mulf %broadcast_in_dim3A_123, %get3A_133 : vector<16xf32>
        %add3A_135 = arith.addf %add3A_84, %mul3A_134 : vector<16xf32>
        %get3A_136 = arith.index_cast %scan3A_67 : i32 to index
        %get3A_137 = arith.constant 160 : index
        %get3A_138 = tpu.vector_load %arg17[%get3A_136, %get3A_137] {strides = array<i32>} : memref<8x1024xf32, #tpu.memory_space<vmem>>, vector<1x16xf32>,
        %get3A_139 = vector.shape_cast %get3A_138 : vector<1x16xf32> to vector<16xf32>
        %mul3A_140 = arith.mulf %broadcast_in_dim3A_123, %get3A_139 : vector<16xf32>
        %add3A_141 = arith.addf %add3A_90, %mul3A_140 : vector<16xf32>
        %get3A_142 = arith.index_cast %scan3A_67 : i32 to index
        %get3A_143 = arith.constant 176 : index
        %get3A_144 = tpu.vector_load %arg17[%get3A_142, %get3A_143] {strides = array<i32>} : memref<8x1024xf32, #tpu.memory_space<vmem>>, vector<1x16xf32>,
        %get3A_145 = vector.shape_cast %get3A_144 : vector<1x16xf32> to vector<16xf32>
        %mul3A_146 = arith.mulf %broadcast_in_dim3A_123, %get3A_145 : vector<16xf32>
        %add3A_147 = arith.addf %add3A_96, %mul3A_146 : vector<16xf32>
        %get3A_148 = arith.index_cast %scan3A_67 : i32 to index
        %get3A_149 = arith.constant 192 : index
        %get3A_150 = tpu.vector_load %arg17[%get3A_148, %get3A_149] {strides = array<i32>} : memref<8x1024xf32, #tpu.memory_space<vmem>>, vector<1x16xf32>,
        %get3A_151 = vector.shape_cast %get3A_150 : vector<1x16xf32> to vector<16xf32>
        %mul3A_152 = arith.mulf %broadcast_in_dim3A_123, %get3A_151 : vector<16xf32>
        %add3A_153 = arith.addf %add3A_102, %mul3A_152 : vector<16xf32>
        %get3A_154 = arith.index_cast %scan3A_67 : i32 to index
        %get3A_155 = arith.constant 208 : index
        %get3A_156 = tpu.vector_load %arg17[%get3A_154, %get3A_155] {strides = array<i32>} : memref<8x1024xf32, #tpu.memory_space<vmem>>, vector<1x16xf32>,
        %get3A_157 = vector.shape_cast %get3A_156 : vector<1x16xf32> to vector<16xf32>
        %mul3A_158 = arith.mulf %broadcast_in_dim3A_123, %get3A_157 : vector<16xf32>
        %add3A_159 = arith.addf %add3A_108, %mul3A_158 : vector<16xf32>
        %get3A_160 = arith.index_cast %scan3A_67 : i32 to index
        %get3A_161 = arith.constant 224 : index
        %get3A_162 = tpu.vector_load %arg17[%get3A_160, %get3A_161] {strides = array<i32>} : memref<8x1024xf32, #tpu.memory_space<vmem>>, vector<1x16xf32>,
        %get3A_163 = vector.shape_cast %get3A_162 : vector<1x16xf32> to vector<16xf32>
        %mul3A_164 = arith.mulf %broadcast_in_dim3A_123, %get3A_163 : vector<16xf32>
        %add3A_165 = arith.addf %add3A_114, %mul3A_164 : vector<16xf32>
        %get3A_166 = arith.index_cast %scan3A_67 : i32 to index
        %get3A_167 = arith.constant 240 : index
        %get3A_168 = tpu.vector_load %arg17[%get3A_166, %get3A_167] {strides = array<i32>} : memref<8x1024xf32, #tpu.memory_space<vmem>>, vector<1x16xf32>,
        %get3A_169 = vector.shape_cast %get3A_168 : vector<1x16xf32> to vector<16xf32>
        %mul3A_170 = arith.mulf %broadcast_in_dim3A_123, %get3A_169 : vector<16xf32>
        %add3A_171 = arith.addf %add3A_120, %mul3A_170 : vector<16xf32>
        %slice3A_172 = vector.extract_strided_slice %get3A_71 {offsets = [2], sizes = [1], strides = [1]} : vector<16xf32> to vector<1xf32>
        %squeeze3A_173 = vector.extract %slice3A_172[0] : f32 from vector<1xf32>
        %broadcast_in_dim3A_174 = vector.broadcast %squeeze3A_173 : f32 to vector<16xf32>
        %get3A_175 = arith.index_cast %scan3A_67 : i32 to index
        %get3A_176 = arith.constant 256 : index
        %get3A_177 = tpu.vector_load %arg17[%get3A_175, %get3A_176] {strides = array<i32>} : memref<8x1024xf32, #tpu.memory_space<vmem>>, vector<1x16xf32>,
        %get3A_178 = vector.shape_cast %get3A_177 : vector<1x16xf32> to vector<16xf32>
        %mul3A_179 = arith.mulf %broadcast_in_dim3A_174, %get3A_178 : vector<16xf32>
        %add3A_180 = arith.addf %add3A_129, %mul3A_179 : vector<16xf32>
        %get3A_181 = arith.index_cast %scan3A_67 : i32 to index
        %get3A_182 = arith.constant 272 : index
        %get3A_183 = tpu.vector_load %arg17[%get3A_181, %get3A_182] {strides = array<i32>} : memref<8x1024xf32, #tpu.memory_space<vmem>>, vector<1x16xf32>,
        %get3A_184 = vector.shape_cast %get3A_183 : vector<1x16xf32> to vector<16xf32>
        %mul3A_185 = arith.mulf %broadcast_in_dim3A_174, %get3A_184 : vector<16xf32>
        %add3A_186 = arith.addf %add3A_135, %mul3A_185 : vector<16xf32>
        %get3A_187 = arith.index_cast %scan3A_67 : i32 to index
        %get3A_188 = arith.constant 288 : index
        %get3A_189 = tpu.vector_load %arg17[%get3A_187, %get3A_188] {strides = array<i32>} : memref<8x1024xf32, #tpu.memory_space<vmem>>, vector<1x16xf32>,
        %get3A_190 = vector.shape_cast %get3A_189 : vector<1x16xf32> to vector<16xf32>
        %mul3A_191 = arith.mulf %broadcast_in_dim3A_174, %get3A_190 : vector<16xf32>
        %add3A_192 = arith.addf %add3A_141, %mul3A_191 : vector<16xf32>
        %get3A_193 = arith.index_cast %scan3A_67 : i32 to index
        %get3A_194 = arith.constant 304 : index
        %get3A_195 = tpu.vector_load %arg17[%get3A_193, %get3A_194] {strides = array<i32>} : memref<8x1024xf32, #tpu.memory_space<vmem>>, vector<1x16xf32>,
        %get3A_196 = vector.shape_cast %get3A_195 : vector<1x16xf32> to vector<16xf32>
        %mul3A_197 = arith.mulf %broadcast_in_dim3A_174, %get3A_196 : vector<16xf32>
        %add3A_198 = arith.addf %add3A_147, %mul3A_197 : vector<16xf32>
        %get3A_199 = arith.index_cast %scan3A_67 : i32 to index
        %get3A_200 = arith.constant 320 : index
        %get3A_201 = tpu.vector_load %arg17[%get3A_199, %get3A_200] {strides = array<i32>} : memref<8x1024xf32, #tpu.memory_space<vmem>>, vector<1x16xf32>,
        %get3A_202 = vector.shape_cast %get3A_201 : vector<1x16xf32> to vector<16xf32>
        %mul3A_203 = arith.mulf %broadcast_in_dim3A_174, %get3A_202 : vector<16xf32>
        %add3A_204 = arith.addf %add3A_153, %mul3A_203 : vector<16xf32>
        %get3A_205 = arith.index_cast %scan3A_67 : i32 to index
        %get3A_206 = arith.constant 336 : index
        %get3A_207 = tpu.vector_load %arg17[%get3A_205, %get3A_206] {strides = array<i32>} : memref<8x1024xf32, #tpu.memory_space<vmem>>, vector<1x16xf32>,
        %get3A_208 = vector.shape_cast %get3A_207 : vector<1x16xf32> to vector<16xf32>
        %mul3A_209 = arith.mulf %broadcast_in_dim3A_174, %get3A_208 : vector<16xf32>
        %add3A_210 = arith.addf %add3A_159, %mul3A_209 : vector<16xf32>
        %get3A_211 = arith.index_cast %scan3A_67 : i32 to index
        %get3A_212 = arith.constant 352 : index
        %get3A_213 = tpu.vector_load %arg17[%get3A_211, %get3A_212] {strides = array<i32>} : memref<8x1024xf32, #tpu.memory_space<vmem>>, vector<1x16xf32>,
        %get3A_214 = vector.shape_cast %get3A_213 : vector<1x16xf32> to vector<16xf32>
        %mul3A_215 = arith.mulf %broadcast_in_dim3A_174, %get3A_214 : vector<16xf32>
        %add3A_216 = arith.addf %add3A_165, %mul3A_215 : vector<16xf32>
        %get3A_217 = arith.index_cast %scan3A_67 : i32 to index
        %get3A_218 = arith.constant 368 : index
        %get3A_219 = tpu.vector_load %arg17[%get3A_217, %get3A_218] {strides = array<i32>} : memref<8x1024xf32, #tpu.memory_space<vmem>>, vector<1x16xf32>,
        %get3A_220 = vector.shape_cast %get3A_219 : vector<1x16xf32> to vector<16xf32>
        %mul3A_221 = arith.mulf %broadcast_in_dim3A_174, %get3A_220 : vector<16xf32>
        %add3A_222 = arith.addf %add3A_171, %mul3A_221 : vector<16xf32>
        %slice3A_223 = vector.extract_strided_slice %get3A_71 {offsets = [3], sizes = [1], strides = [1]} : vector<16xf32> to vector<1xf32>
        %squeeze3A_224 = vector.extract %slice3A_223[0] : f32 from vector<1xf32>
        %broadcast_in_dim3A_225 = vector.broadcast %squeeze3A_224 : f32 to vector<16xf32>
        %get3A_226 = arith.index_cast %scan3A_67 : i32 to index
        %get3A_227 = arith.constant 384 : index
        %get3A_228 = tpu.vector_load %arg17[%get3A_226, %get3A_227] {strides = array<i32>} : memref<8x1024xf32, #tpu.memory_space<vmem>>, vector<1x16xf32>,
        %get3A_229 = vector.shape_cast %get3A_228 : vector<1x16xf32> to vector<16xf32>
        %mul3A_230 = arith.mulf %broadcast_in_dim3A_225, %get3A_229 : vector<16xf32>
        %add3A_231 = arith.addf %add3A_180, %mul3A_230 : vector<16xf32>
        %get3A_232 = arith.index_cast %scan3A_67 : i32 to index
        %get3A_233 = arith.constant 400 : index
        %get3A_234 = tpu.vector_load %arg17[%get3A_232, %get3A_233] {strides = array<i32>} : memref<8x1024xf32, #tpu.memory_space<vmem>>, vector<1x16xf32>,
        %get3A_235 = vector.shape_cast %get3A_234 : vector<1x16xf32> to vector<16xf32>
        %mul3A_236 = arith.mulf %broadcast_in_dim3A_225, %get3A_235 : vector<16xf32>
        %add3A_237 = arith.addf %add3A_186, %mul3A_236 : vector<16xf32>
        %get3A_238 = arith.index_cast %scan3A_67 : i32 to index
        %get3A_239 = arith.constant 416 : index
        %get3A_240 = tpu.vector_load %arg17[%get3A_238, %get3A_239] {strides = array<i32>} : memref<8x1024xf32, #tpu.memory_space<vmem>>, vector<1x16xf32>,
        %get3A_241 = vector.shape_cast %get3A_240 : vector<1x16xf32> to vector<16xf32>
        %mul3A_242 = arith.mulf %broadcast_in_dim3A_225, %get3A_241 : vector<16xf32>
        %add3A_243 = arith.addf %add3A_192, %mul3A_242 : vector<16xf32>
        %get3A_244 = arith.index_cast %scan3A_67 : i32 to index
        %get3A_245 = arith.constant 432 : index
        %get3A_246 = tpu.vector_load %arg17[%get3A_244, %get3A_245] {strides = array<i32>} : memref<8x1024xf32, #tpu.memory_space<vmem>>, vector<1x16xf32>,
        %get3A_247 = vector.shape_cast %get3A_246 : vector<1x16xf32> to vector<16xf32>
        %mul3A_248 = arith.mulf %broadcast_in_dim3A_225, %get3A_247 : vector<16xf32>
        %add3A_249 = arith.addf %add3A_198, %mul3A_248 : vector<16xf32>
        %get3A_250 = arith.index_cast %scan3A_67 : i32 to index
        %get3A_251 = arith.constant 448 : index
        %get3A_252 = tpu.vector_load %arg17[%get3A_250, %get3A_251] {strides = array<i32>} : memref<8x1024xf32, #tpu.memory_space<vmem>>, vector<1x16xf32>,
        %get3A_253 = vector.shape_cast %get3A_252 : vector<1x16xf32> to vector<16xf32>
        %mul3A_254 = arith.mulf %broadcast_in_dim3A_225, %get3A_253 : vector<16xf32>
        %add3A_255 = arith.addf %add3A_204, %mul3A_254 : vector<16xf32>
        %get3A_256 = arith.index_cast %scan3A_67 : i32 to index
        %get3A_257 = arith.constant 464 : index
        %get3A_258 = tpu.vector_load %arg17[%get3A_256, %get3A_257] {strides = array<i32>} : memref<8x1024xf32, #tpu.memory_space<vmem>>, vector<1x16xf32>,
        %get3A_259 = vector.shape_cast %get3A_258 : vector<1x16xf32> to vector<16xf32>
        %mul3A_260 = arith.mulf %broadcast_in_dim3A_225, %get3A_259 : vector<16xf32>
        %add3A_261 = arith.addf %add3A_210, %mul3A_260 : vector<16xf32>
        %get3A_262 = arith.index_cast %scan3A_67 : i32 to index
        %get3A_263 = arith.constant 480 : index
        %get3A_264 = tpu.vector_load %arg17[%get3A_262, %get3A_263] {strides = array<i32>} : memref<8x1024xf32, #tpu.memory_space<vmem>>, vector<1x16xf32>,
        %get3A_265 = vector.shape_cast %get3A_264 : vector<1x16xf32> to vector<16xf32>
        %mul3A_266 = arith.mulf %broadcast_in_dim3A_225, %get3A_265 : vector<16xf32>
        %add3A_267 = arith.addf %add3A_216, %mul3A_266 : vector<16xf32>
        %get3A_268 = arith.index_cast %scan3A_67 : i32 to index
        %get3A_269 = arith.constant 496 : index
        %get3A_270 = tpu.vector_load %arg17[%get3A_268, %get3A_269] {strides = array<i32>} : memref<8x1024xf32, #tpu.memory_space<vmem>>, vector<1x16xf32>,
        %get3A_271 = vector.shape_cast %get3A_270 : vector<1x16xf32> to vector<16xf32>
        %mul3A_272 = arith.mulf %broadcast_in_dim3A_225, %get3A_271 : vector<16xf32>
        %add3A_273 = arith.addf %add3A_222, %mul3A_272 : vector<16xf32>
        %slice3A_274 = vector.extract_strided_slice %get3A_71 {offsets = [4], sizes = [1], strides = [1]} : vector<16xf32> to vector<1xf32>
        %squeeze3A_275 = vector.extract %slice3A_274[0] : f32 from vector<1xf32>
        %broadcast_in_dim3A_276 = vector.broadcast %squeeze3A_275 : f32 to vector<16xf32>
        %get3A_277 = arith.index_cast %scan3A_67 : i32 to index
        %get3A_278 = arith.constant 512 : index
        %get3A_279 = tpu.vector_load %arg17[%get3A_277, %get3A_278] {strides = array<i32>} : memref<8x1024xf32, #tpu.memory_space<vmem>>, vector<1x16xf32>,
        %get3A_280 = vector.shape_cast %get3A_279 : vector<1x16xf32> to vector<16xf32>
        %mul3A_281 = arith.mulf %broadcast_in_dim3A_276, %get3A_280 : vector<16xf32>
        %add3A_282 = arith.addf %add3A_231, %mul3A_281 : vector<16xf32>
        %get3A_283 = arith.index_cast %scan3A_67 : i32 to index
        %get3A_284 = arith.constant 528 : index
        %get3A_285 = tpu.vector_load %arg17[%get3A_283, %get3A_284] {strides = array<i32>} : memref<8x1024xf32, #tpu.memory_space<vmem>>, vector<1x16xf32>,
        %get3A_286 = vector.shape_cast %get3A_285 : vector<1x16xf32> to vector<16xf32>
        %mul3A_287 = arith.mulf %broadcast_in_dim3A_276, %get3A_286 : vector<16xf32>
        %add3A_288 = arith.addf %add3A_237, %mul3A_287 : vector<16xf32>
        %get3A_289 = arith.index_cast %scan3A_67 : i32 to index
        %get3A_290 = arith.constant 544 : index
        %get3A_291 = tpu.vector_load %arg17[%get3A_289, %get3A_290] {strides = array<i32>} : memref<8x1024xf32, #tpu.memory_space<vmem>>, vector<1x16xf32>,
        %get3A_292 = vector.shape_cast %get3A_291 : vector<1x16xf32> to vector<16xf32>
        %mul3A_293 = arith.mulf %broadcast_in_dim3A_276, %get3A_292 : vector<16xf32>
        %add3A_294 = arith.addf %add3A_243, %mul3A_293 : vector<16xf32>
        %get3A_295 = arith.index_cast %scan3A_67 : i32 to index
        %get3A_296 = arith.constant 560 : index
        %get3A_297 = tpu.vector_load %arg17[%get3A_295, %get3A_296] {strides = array<i32>} : memref<8x1024xf32, #tpu.memory_space<vmem>>, vector<1x16xf32>,
        %get3A_298 = vector.shape_cast %get3A_297 : vector<1x16xf32> to vector<16xf32>
        %mul3A_299 = arith.mulf %broadcast_in_dim3A_276, %get3A_298 : vector<16xf32>
        %add3A_300 = arith.addf %add3A_249, %mul3A_299 : vector<16xf32>
        %get3A_301 = arith.index_cast %scan3A_67 : i32 to index
        %get3A_302 = arith.constant 576 : index
        %get3A_303 = tpu.vector_load %arg17[%get3A_301, %get3A_302] {strides = array<i32>} : memref<8x1024xf32, #tpu.memory_space<vmem>>, vector<1x16xf32>,
        %get3A_304 = vector.shape_cast %get3A_303 : vector<1x16xf32> to vector<16xf32>
        %mul3A_305 = arith.mulf %broadcast_in_dim3A_276, %get3A_304 : vector<16xf32>
        %add3A_306 = arith.addf %add3A_255, %mul3A_305 : vector<16xf32>
        %get3A_307 = arith.index_cast %scan3A_67 : i32 to index
        %get3A_308 = arith.constant 592 : index
        %get3A_309 = tpu.vector_load %arg17[%get3A_307, %get3A_308] {strides = array<i32>} : memref<8x1024xf32, #tpu.memory_space<vmem>>, vector<1x16xf32>,
        %get3A_310 = vector.shape_cast %get3A_309 : vector<1x16xf32> to vector<16xf32>
        %mul3A_311 = arith.mulf %broadcast_in_dim3A_276, %get3A_310 : vector<16xf32>
        %add3A_312 = arith.addf %add3A_261, %mul3A_311 : vector<16xf32>
        %get3A_313 = arith.index_cast %scan3A_67 : i32 to index
        %get3A_314 = arith.constant 608 : index
        %get3A_315 = tpu.vector_load %arg17[%get3A_313, %get3A_314] {strides = array<i32>} : memref<8x1024xf32, #tpu.memory_space<vmem>>, vector<1x16xf32>,
        %get3A_316 = vector.shape_cast %get3A_315 : vector<1x16xf32> to vector<16xf32>
        %mul3A_317 = arith.mulf %broadcast_in_dim3A_276, %get3A_316 : vector<16xf32>
        %add3A_318 = arith.addf %add3A_267, %mul3A_317 : vector<16xf32>
        %get3A_319 = arith.index_cast %scan3A_67 : i32 to index
        %get3A_320 = arith.constant 624 : index
        %get3A_321 = tpu.vector_load %arg17[%get3A_319, %get3A_320] {strides = array<i32>} : memref<8x1024xf32, #tpu.memory_space<vmem>>, vector<1x16xf32>,
        %get3A_322 = vector.shape_cast %get3A_321 : vector<1x16xf32> to vector<16xf32>
        %mul3A_323 = arith.mulf %broadcast_in_dim3A_276, %get3A_322 : vector<16xf32>
        %add3A_324 = arith.addf %add3A_273, %mul3A_323 : vector<16xf32>
        %slice3A_325 = vector.extract_strided_slice %get3A_71 {offsets = [5], sizes = [1], strides = [1]} : vector<16xf32> to vector<1xf32>
        %squeeze3A_326 = vector.extract %slice3A_325[0] : f32 from vector<1xf32>
        %broadcast_in_dim3A_327 = vector.broadcast %squeeze3A_326 : f32 to vector<16xf32>
        %get3A_328 = arith.index_cast %scan3A_67 : i32 to index
        %get3A_329 = arith.constant 640 : index
        %get3A_330 = tpu.vector_load %arg17[%get3A_328, %get3A_329] {strides = array<i32>} : memref<8x1024xf32, #tpu.memory_space<vmem>>, vector<1x16xf32>,
        %get3A_331 = vector.shape_cast %get3A_330 : vector<1x16xf32> to vector<16xf32>
        %mul3A_332 = arith.mulf %broadcast_in_dim3A_327, %get3A_331 : vector<16xf32>
        %add3A_333 = arith.addf %add3A_282, %mul3A_332 : vector<16xf32>
        %get3A_334 = arith.index_cast %scan3A_67 : i32 to index
        %get3A_335 = arith.constant 656 : index
        %get3A_336 = tpu.vector_load %arg17[%get3A_334, %get3A_335] {strides = array<i32>} : memref<8x1024xf32, #tpu.memory_space<vmem>>, vector<1x16xf32>,
        %get3A_337 = vector.shape_cast %get3A_336 : vector<1x16xf32> to vector<16xf32>
        %mul3A_338 = arith.mulf %broadcast_in_dim3A_327, %get3A_337 : vector<16xf32>
        %add3A_339 = arith.addf %add3A_288, %mul3A_338 : vector<16xf32>
        %get3A_340 = arith.index_cast %scan3A_67 : i32 to index
        %get3A_341 = arith.constant 672 : index
        %get3A_342 = tpu.vector_load %arg17[%get3A_340, %get3A_341] {strides = array<i32>} : memref<8x1024xf32, #tpu.memory_space<vmem>>, vector<1x16xf32>,
        %get3A_343 = vector.shape_cast %get3A_342 : vector<1x16xf32> to vector<16xf32>
        %mul3A_344 = arith.mulf %broadcast_in_dim3A_327, %get3A_343 : vector<16xf32>
        %add3A_345 = arith.addf %add3A_294, %mul3A_344 : vector<16xf32>
        %get3A_346 = arith.index_cast %scan3A_67 : i32 to index
        %get3A_347 = arith.constant 688 : index
        %get3A_348 = tpu.vector_load %arg17[%get3A_346, %get3A_347] {strides = array<i32>} : memref<8x1024xf32, #tpu.memory_space<vmem>>, vector<1x16xf32>,
        %get3A_349 = vector.shape_cast %get3A_348 : vector<1x16xf32> to vector<16xf32>
        %mul3A_350 = arith.mulf %broadcast_in_dim3A_327, %get3A_349 : vector<16xf32>
        %add3A_351 = arith.addf %add3A_300, %mul3A_350 : vector<16xf32>
        %get3A_352 = arith.index_cast %scan3A_67 : i32 to index
        %get3A_353 = arith.constant 704 : index
        %get3A_354 = tpu.vector_load %arg17[%get3A_352, %get3A_353] {strides = array<i32>} : memref<8x1024xf32, #tpu.memory_space<vmem>>, vector<1x16xf32>,
        %get3A_355 = vector.shape_cast %get3A_354 : vector<1x16xf32> to vector<16xf32>
        %mul3A_356 = arith.mulf %broadcast_in_dim3A_327, %get3A_355 : vector<16xf32>
        %add3A_357 = arith.addf %add3A_306, %mul3A_356 : vector<16xf32>
        %get3A_358 = arith.index_cast %scan3A_67 : i32 to index
        %get3A_359 = arith.constant 720 : index
        %get3A_360 = tpu.vector_load %arg17[%get3A_358, %get3A_359] {strides = array<i32>} : memref<8x1024xf32, #tpu.memory_space<vmem>>, vector<1x16xf32>,
        %get3A_361 = vector.shape_cast %get3A_360 : vector<1x16xf32> to vector<16xf32>
        %mul3A_362 = arith.mulf %broadcast_in_dim3A_327, %get3A_361 : vector<16xf32>
        %add3A_363 = arith.addf %add3A_312, %mul3A_362 : vector<16xf32>
        %get3A_364 = arith.index_cast %scan3A_67 : i32 to index
        %get3A_365 = arith.constant 736 : index
        %get3A_366 = tpu.vector_load %arg17[%get3A_364, %get3A_365] {strides = array<i32>} : memref<8x1024xf32, #tpu.memory_space<vmem>>, vector<1x16xf32>,
        %get3A_367 = vector.shape_cast %get3A_366 : vector<1x16xf32> to vector<16xf32>
        %mul3A_368 = arith.mulf %broadcast_in_dim3A_327, %get3A_367 : vector<16xf32>
        %add3A_369 = arith.addf %add3A_318, %mul3A_368 : vector<16xf32>
        %get3A_370 = arith.index_cast %scan3A_67 : i32 to index
        %get3A_371 = arith.constant 752 : index
        %get3A_372 = tpu.vector_load %arg17[%get3A_370, %get3A_371] {strides = array<i32>} : memref<8x1024xf32, #tpu.memory_space<vmem>>, vector<1x16xf32>,
        %get3A_373 = vector.shape_cast %get3A_372 : vector<1x16xf32> to vector<16xf32>
        %mul3A_374 = arith.mulf %broadcast_in_dim3A_327, %get3A_373 : vector<16xf32>
        %add3A_375 = arith.addf %add3A_324, %mul3A_374 : vector<16xf32>
        %slice3A_376 = vector.extract_strided_slice %get3A_71 {offsets = [6], sizes = [1], strides = [1]} : vector<16xf32> to vector<1xf32>
        %squeeze3A_377 = vector.extract %slice3A_376[0] : f32 from vector<1xf32>
        %broadcast_in_dim3A_378 = vector.broadcast %squeeze3A_377 : f32 to vector<16xf32>
        %get3A_379 = arith.index_cast %scan3A_67 : i32 to index
        %get3A_380 = arith.constant 768 : index
        %get3A_381 = tpu.vector_load %arg17[%get3A_379, %get3A_380] {strides = array<i32>} : memref<8x1024xf32, #tpu.memory_space<vmem>>, vector<1x16xf32>,
        %get3A_382 = vector.shape_cast %get3A_381 : vector<1x16xf32> to vector<16xf32>
        %mul3A_383 = arith.mulf %broadcast_in_dim3A_378, %get3A_382 : vector<16xf32>
        %add3A_384 = arith.addf %add3A_333, %mul3A_383 : vector<16xf32>
        %get3A_385 = arith.index_cast %scan3A_67 : i32 to index
        %get3A_386 = arith.constant 784 : index
        %get3A_387 = tpu.vector_load %arg17[%get3A_385, %get3A_386] {strides = array<i32>} : memref<8x1024xf32, #tpu.memory_space<vmem>>, vector<1x16xf32>,
        %get3A_388 = vector.shape_cast %get3A_387 : vector<1x16xf32> to vector<16xf32>
        %mul3A_389 = arith.mulf %broadcast_in_dim3A_378, %get3A_388 : vector<16xf32>
        %add3A_390 = arith.addf %add3A_339, %mul3A_389 : vector<16xf32>
        %get3A_391 = arith.index_cast %scan3A_67 : i32 to index
        %get3A_392 = arith.constant 800 : index
        %get3A_393 = tpu.vector_load %arg17[%get3A_391, %get3A_392] {strides = array<i32>} : memref<8x1024xf32, #tpu.memory_space<vmem>>, vector<1x16xf32>,
        %get3A_394 = vector.shape_cast %get3A_393 : vector<1x16xf32> to vector<16xf32>
        %mul3A_395 = arith.mulf %broadcast_in_dim3A_378, %get3A_394 : vector<16xf32>
        %add3A_396 = arith.addf %add3A_345, %mul3A_395 : vector<16xf32>
        %get3A_397 = arith.index_cast %scan3A_67 : i32 to index
        %get3A_398 = arith.constant 816 : index
        %get3A_399 = tpu.vector_load %arg17[%get3A_397, %get3A_398] {strides = array<i32>} : memref<8x1024xf32, #tpu.memory_space<vmem>>, vector<1x16xf32>,
        %get3A_400 = vector.shape_cast %get3A_399 : vector<1x16xf32> to vector<16xf32>
        %mul3A_401 = arith.mulf %broadcast_in_dim3A_378, %get3A_400 : vector<16xf32>
        %add3A_402 = arith.addf %add3A_351, %mul3A_401 : vector<16xf32>
        %get3A_403 = arith.index_cast %scan3A_67 : i32 to index
        %get3A_404 = arith.constant 832 : index
        %get3A_405 = tpu.vector_load %arg17[%get3A_403, %get3A_404] {strides = array<i32>} : memref<8x1024xf32, #tpu.memory_space<vmem>>, vector<1x16xf32>,
        %get3A_406 = vector.shape_cast %get3A_405 : vector<1x16xf32> to vector<16xf32>
        %mul3A_407 = arith.mulf %broadcast_in_dim3A_378, %get3A_406 : vector<16xf32>
        %add3A_408 = arith.addf %add3A_357, %mul3A_407 : vector<16xf32>
        %get3A_409 = arith.index_cast %scan3A_67 : i32 to index
        %get3A_410 = arith.constant 848 : index
        %get3A_411 = tpu.vector_load %arg17[%get3A_409, %get3A_410] {strides = array<i32>} : memref<8x1024xf32, #tpu.memory_space<vmem>>, vector<1x16xf32>,
        %get3A_412 = vector.shape_cast %get3A_411 : vector<1x16xf32> to vector<16xf32>
        %mul3A_413 = arith.mulf %broadcast_in_dim3A_378, %get3A_412 : vector<16xf32>
        %add3A_414 = arith.addf %add3A_363, %mul3A_413 : vector<16xf32>
        %get3A_415 = arith.index_cast %scan3A_67 : i32 to index
        %get3A_416 = arith.constant 864 : index
        %get3A_417 = tpu.vector_load %arg17[%get3A_415, %get3A_416] {strides = array<i32>} : memref<8x1024xf32, #tpu.memory_space<vmem>>, vector<1x16xf32>,
        %get3A_418 = vector.shape_cast %get3A_417 : vector<1x16xf32> to vector<16xf32>
        %mul3A_419 = arith.mulf %broadcast_in_dim3A_378, %get3A_418 : vector<16xf32>
        %add3A_420 = arith.addf %add3A_369, %mul3A_419 : vector<16xf32>
        %get3A_421 = arith.index_cast %scan3A_67 : i32 to index
        %get3A_422 = arith.constant 880 : index
        %get3A_423 = tpu.vector_load %arg17[%get3A_421, %get3A_422] {strides = array<i32>} : memref<8x1024xf32, #tpu.memory_space<vmem>>, vector<1x16xf32>,
        %get3A_424 = vector.shape_cast %get3A_423 : vector<1x16xf32> to vector<16xf32>
        %mul3A_425 = arith.mulf %broadcast_in_dim3A_378, %get3A_424 : vector<16xf32>
        %add3A_426 = arith.addf %add3A_375, %mul3A_425 : vector<16xf32>
        %slice3A_427 = vector.extract_strided_slice %get3A_71 {offsets = [7], sizes = [1], strides = [1]} : vector<16xf32> to vector<1xf32>
        %squeeze3A_428 = vector.extract %slice3A_427[0] : f32 from vector<1xf32>
        %broadcast_in_dim3A_429 = vector.broadcast %squeeze3A_428 : f32 to vector<16xf32>
        %get3A_430 = arith.index_cast %scan3A_67 : i32 to index
        %get3A_431 = arith.constant 896 : index
        %get3A_432 = tpu.vector_load %arg17[%get3A_430, %get3A_431] {strides = array<i32>} : memref<8x1024xf32, #tpu.memory_space<vmem>>, vector<1x16xf32>,
        %get3A_433 = vector.shape_cast %get3A_432 : vector<1x16xf32> to vector<16xf32>
        %mul3A_434 = arith.mulf %broadcast_in_dim3A_429, %get3A_433 : vector<16xf32>
        %add3A_435 = arith.addf %add3A_384, %mul3A_434 : vector<16xf32>
        %get3A_436 = arith.index_cast %scan3A_67 : i32 to index
        %get3A_437 = arith.constant 912 : index
        %get3A_438 = tpu.vector_load %arg17[%get3A_436, %get3A_437] {strides = array<i32>} : memref<8x1024xf32, #tpu.memory_space<vmem>>, vector<1x16xf32>,
        %get3A_439 = vector.shape_cast %get3A_438 : vector<1x16xf32> to vector<16xf32>
        %mul3A_440 = arith.mulf %broadcast_in_dim3A_429, %get3A_439 : vector<16xf32>
        %add3A_441 = arith.addf %add3A_390, %mul3A_440 : vector<16xf32>
        %get3A_442 = arith.index_cast %scan3A_67 : i32 to index
        %get3A_443 = arith.constant 928 : index
        %get3A_444 = tpu.vector_load %arg17[%get3A_442, %get3A_443] {strides = array<i32>} : memref<8x1024xf32, #tpu.memory_space<vmem>>, vector<1x16xf32>,
        %get3A_445 = vector.shape_cast %get3A_444 : vector<1x16xf32> to vector<16xf32>
        %mul3A_446 = arith.mulf %broadcast_in_dim3A_429, %get3A_445 : vector<16xf32>
        %add3A_447 = arith.addf %add3A_396, %mul3A_446 : vector<16xf32>
        %get3A_448 = arith.index_cast %scan3A_67 : i32 to index
        %get3A_449 = arith.constant 944 : index
        %get3A_450 = tpu.vector_load %arg17[%get3A_448, %get3A_449] {strides = array<i32>} : memref<8x1024xf32, #tpu.memory_space<vmem>>, vector<1x16xf32>,
        %get3A_451 = vector.shape_cast %get3A_450 : vector<1x16xf32> to vector<16xf32>
        %mul3A_452 = arith.mulf %broadcast_in_dim3A_429, %get3A_451 : vector<16xf32>
        %add3A_453 = arith.addf %add3A_402, %mul3A_452 : vector<16xf32>
        %get3A_454 = arith.index_cast %scan3A_67 : i32 to index
        %get3A_455 = arith.constant 960 : index
        %get3A_456 = tpu.vector_load %arg17[%get3A_454, %get3A_455] {strides = array<i32>} : memref<8x1024xf32, #tpu.memory_space<vmem>>, vector<1x16xf32>,
        %get3A_457 = vector.shape_cast %get3A_456 : vector<1x16xf32> to vector<16xf32>
        %mul3A_458 = arith.mulf %broadcast_in_dim3A_429, %get3A_457 : vector<16xf32>
        %add3A_459 = arith.addf %add3A_408, %mul3A_458 : vector<16xf32>
        %get3A_460 = arith.index_cast %scan3A_67 : i32 to index
        %get3A_461 = arith.constant 976 : index
        %get3A_462 = tpu.vector_load %arg17[%get3A_460, %get3A_461] {strides = array<i32>} : memref<8x1024xf32, #tpu.memory_space<vmem>>, vector<1x16xf32>,
        %get3A_463 = vector.shape_cast %get3A_462 : vector<1x16xf32> to vector<16xf32>
        %mul3A_464 = arith.mulf %broadcast_in_dim3A_429, %get3A_463 : vector<16xf32>
        %add3A_465 = arith.addf %add3A_414, %mul3A_464 : vector<16xf32>
        %get3A_466 = arith.index_cast %scan3A_67 : i32 to index
        %get3A_467 = arith.constant 992 : index
        %get3A_468 = tpu.vector_load %arg17[%get3A_466, %get3A_467] {strides = array<i32>} : memref<8x1024xf32, #tpu.memory_space<vmem>>, vector<1x16xf32>,
        %get3A_469 = vector.shape_cast %get3A_468 : vector<1x16xf32> to vector<16xf32>
        %mul3A_470 = arith.mulf %broadcast_in_dim3A_429, %get3A_469 : vector<16xf32>
        %add3A_471 = arith.addf %add3A_420, %mul3A_470 : vector<16xf32>
        %get3A_472 = arith.index_cast %scan3A_67 : i32 to index
        %get3A_473 = arith.constant 1008 : index
        %get3A_474 = tpu.vector_load %arg17[%get3A_472, %get3A_473] {strides = array<i32>} : memref<8x1024xf32, #tpu.memory_space<vmem>>, vector<1x16xf32>,
        %get3A_475 = vector.shape_cast %get3A_474 : vector<1x16xf32> to vector<16xf32>
        %mul3A_476 = arith.mulf %broadcast_in_dim3A_429, %get3A_475 : vector<16xf32>
        %add3A_477 = arith.addf %add3A_426, %mul3A_476 : vector<16xf32>
        %swap3A = arith.index_cast %scan3A_67 : i32 to index
        %swap3A_478 = arith.constant 0 : index
        %swap3A_479 = tpu.vector_load %arg22[%swap3A, %swap3A_478] {strides = array<i32>} : memref<8x128xf32, #tpu.memory_space<vmem>>, vector<1x16xf32>,
        %swap3A_480 = vector.shape_cast %swap3A_479 : vector<1x16xf32> to vector<16xf32>
        %swap3A_481 = vector.shape_cast %add3A_435 : vector<16xf32> to vector<1x16xf32>
        tpu.vector_store %arg22[%swap3A, %swap3A_478], %swap3A_481 {strides = array<i32>} : memref<8x128xf32, #tpu.memory_space<vmem>>, vector<1x16xf32>,
        %swap3A_482 = arith.index_cast %scan3A_67 : i32 to index
        %swap3A_483 = arith.constant 16 : index
        %swap3A_484 = tpu.vector_load %arg22[%swap3A_482, %swap3A_483] {strides = array<i32>} : memref<8x128xf32, #tpu.memory_space<vmem>>, vector<1x16xf32>,
        %swap3A_485 = vector.shape_cast %swap3A_484 : vector<1x16xf32> to vector<16xf32>
        %swap3A_486 = vector.shape_cast %add3A_441 : vector<16xf32> to vector<1x16xf32>
        tpu.vector_store %arg22[%swap3A_482, %swap3A_483], %swap3A_486 {strides = array<i32>} : memref<8x128xf32, #tpu.memory_space<vmem>>, vector<1x16xf32>,
        %swap3A_487 = arith.index_cast %scan3A_67 : i32 to index
        %swap3A_488 = arith.constant 32 : index
        %swap3A_489 = tpu.vector_load %arg22[%swap3A_487, %swap3A_488] {strides = array<i32>} : memref<8x128xf32, #tpu.memory_space<vmem>>, vector<1x16xf32>,
        %swap3A_490 = vector.shape_cast %swap3A_489 : vector<1x16xf32> to vector<16xf32>
        %swap3A_491 = vector.shape_cast %add3A_447 : vector<16xf32> to vector<1x16xf32>
        tpu.vector_store %arg22[%swap3A_487, %swap3A_488], %swap3A_491 {strides = array<i32>} : memref<8x128xf32, #tpu.memory_space<vmem>>, vector<1x16xf32>,
        %swap3A_492 = arith.index_cast %scan3A_67 : i32 to index
        %swap3A_493 = arith.constant 48 : index
        %swap3A_494 = tpu.vector_load %arg22[%swap3A_492, %swap3A_493] {strides = array<i32>} : memref<8x128xf32, #tpu.memory_space<vmem>>, vector<1x16xf32>,
        %swap3A_495 = vector.shape_cast %swap3A_494 : vector<1x16xf32> to vector<16xf32>
        %swap3A_496 = vector.shape_cast %add3A_453 : vector<16xf32> to vector<1x16xf32>
        tpu.vector_store %arg22[%swap3A_492, %swap3A_493], %swap3A_496 {strides = array<i32>} : memref<8x128xf32, #tpu.memory_space<vmem>>, vector<1x16xf32>,
        %swap3A_497 = arith.index_cast %scan3A_67 : i32 to index
        %swap3A_498 = arith.constant 64 : index
        %swap3A_499 = tpu.vector_load %arg22[%swap3A_497, %swap3A_498] {strides = array<i32>} : memref<8x128xf32, #tpu.memory_space<vmem>>, vector<1x16xf32>,
        %swap3A_500 = vector.shape_cast %swap3A_499 : vector<1x16xf32> to vector<16xf32>
        %swap3A_501 = vector.shape_cast %add3A_459 : vector<16xf32> to vector<1x16xf32>
        tpu.vector_store %arg22[%swap3A_497, %swap3A_498], %swap3A_501 {strides = array<i32>} : memref<8x128xf32, #tpu.memory_space<vmem>>, vector<1x16xf32>,
        %swap3A_502 = arith.index_cast %scan3A_67 : i32 to index
        %swap3A_503 = arith.constant 80 : index
        %swap3A_504 = tpu.vector_load %arg22[%swap3A_502, %swap3A_503] {strides = array<i32>} : memref<8x128xf32, #tpu.memory_space<vmem>>, vector<1x16xf32>,
        %swap3A_505 = vector.shape_cast %swap3A_504 : vector<1x16xf32> to vector<16xf32>
        %swap3A_506 = vector.shape_cast %add3A_465 : vector<16xf32> to vector<1x16xf32>
        tpu.vector_store %arg22[%swap3A_502, %swap3A_503], %swap3A_506 {strides = array<i32>} : memref<8x128xf32, #tpu.memory_space<vmem>>, vector<1x16xf32>,
        %swap3A_507 = arith.index_cast %scan3A_67 : i32 to index
        %swap3A_508 = arith.constant 96 : index
        %swap3A_509 = tpu.vector_load %arg22[%swap3A_507, %swap3A_508] {strides = array<i32>} : memref<8x128xf32, #tpu.memory_space<vmem>>, vector<1x16xf32>,
        %swap3A_510 = vector.shape_cast %swap3A_509 : vector<1x16xf32> to vector<16xf32>
        %swap3A_511 = vector.shape_cast %add3A_471 : vector<16xf32> to vector<1x16xf32>
        tpu.vector_store %arg22[%swap3A_507, %swap3A_508], %swap3A_511 {strides = array<i32>} : memref<8x128xf32, #tpu.memory_space<vmem>>, vector<1x16xf32>,
        %swap3A_512 = arith.index_cast %scan3A_67 : i32 to index
        %swap3A_513 = arith.constant 112 : index
        %swap3A_514 = tpu.vector_load %arg22[%swap3A_512, %swap3A_513] {strides = array<i32>} : memref<8x128xf32, #tpu.memory_space<vmem>>, vector<1x16xf32>,
        %swap3A_515 = vector.shape_cast %swap3A_514 : vector<1x16xf32> to vector<16xf32>
        %swap3A_516 = vector.shape_cast %add3A_477 : vector<16xf32> to vector<1x16xf32>
        tpu.vector_store %arg22[%swap3A_512, %swap3A_513], %swap3A_516 {strides = array<i32>} : memref<8x128xf32, #tpu.memory_space<vmem>>, vector<1x16xf32>,
      }
      %scan3A_66 = arith.constant 8 : i32
      "tpu.region"() ({
        %run_scoped3A = tpu.sem_alloc : memref<!tpu.dma_semaphore, #tpu.memory_space<semaphore_mem>>
        %dma_start3A = arith.constant 0 : i32
        %dma_start3A_67 = arith.constant 0 : i32
        %dma_start3A_68 = tpu.memref_slice %arg9[%dma_start3A, %dma_start3A_67] : memref<10000x128xf32, #tpu.memory_space<vmem_shared>> -> memref<10000x128xf32, #tpu.memory_space<vmem_shared>>
        tpu.enqueue_indirect_dma source(%arg22 : memref<8x128xf32, #tpu.memory_space<vmem>>) target(%dma_start3A_68 : memref<10000x128xf32, #tpu.memory_space<vmem_shared>>) offsets(%arg16 : memref<8xi32, #tpu.memory_space<vmem>>) semaphore(%run_scoped3A : memref<!tpu.dma_semaphore, #tpu.memory_space<semaphore_mem>>) {add = true}
        %dma_wait3A = arith.constant 0 : i32
        %dma_wait3A_69 = arith.constant 0 : i32
        %dma_wait3A_70 = tpu.memref_slice %arg9[%dma_wait3A, %dma_wait3A_69] : memref<10000x128xf32, #tpu.memory_space<vmem_shared>> -> memref<10000x128xf32, #tpu.memory_space<vmem_shared>>
        tpu.wait_indirect_dma semaphore(%run_scoped3A : memref<!tpu.dma_semaphore, #tpu.memory_space<semaphore_mem>>) src(%arg22 : memref<8x128xf32, #tpu.memory_space<vmem>>) dst(%dma_wait3A_70 : memref<10000x128xf32, #tpu.memory_space<vmem_shared>>)
        tpu.yield
      }) : () -> ()
    }
    %scan3A_42 = arith.constant 1250 : i32
    %barrier3A_43 = arith.constant 0 : index
    tpu.barrier barrier_id(%barrier3A_43)
    %scan3A_44 = arith.constant 0 : i32
    %scan3A_45 = arith.constant 79 : i32
    %scan3A_46 = arith.addi %scan3A_44, %scan3A_45 : i32
    %scan3A_47 = arith.constant 1 : i32
    scf.for %scan3A_49 = %scan3A_44 to %scan3A_46 step %scan3A_47  : i32 {
      %mul3A = arith.constant 16 : i32
      %mul3A_50 = arith.muli %scan3A_49, %mul3A : i32
      %add3A_51 = arith.addi %arg1, %mul3A_50 : i32
      %lt3A_52 = arith.constant 1250 : i32
      %lt3A_53 = arith.cmpi slt, %add3A_51, %lt3A_52 : i32
      %convert_element_type3A = arith.extui %lt3A_53 : i1 to i32
      %cond3A = arith.constant 0 : i32
      %cond3A_54 = arith.cmpi ne, %convert_element_type3A, %cond3A : i32
      scf.if %cond3A_54 {
        %mul3A_55 = arith.constant 8 : i32
        %mul3A_56 = arith.muli %add3A_51, %mul3A_55 : i32
        "tpu.region"() ({
          %run_scoped3A = tpu.sem_alloc : memref<!tpu.dma_semaphore, #tpu.memory_space<semaphore_mem>>
          %dma_start3A = arith.constant 0 : i32
          %dma_start3A_57 = tpu.memref_slice %arg9[%mul3A_56, %dma_start3A] : memref<10000x128xf32, #tpu.memory_space<vmem_shared>> -> memref<8x128xf32, #tpu.memory_space<vmem_shared>>
          %dma_start3A_58 = arith.constant 0 : i32
          %dma_start3A_59 = tpu.memref_slice %arg9[%mul3A_56, %dma_start3A_58] : memref<10000x128xf32, #tpu.memory_space<vmem_shared>> -> memref<8x128xf32, #tpu.memory_space<vmem_shared>>
          tpu.enqueue_dma source(%dma_start3A_59 : memref<8x128xf32, #tpu.memory_space<vmem_shared>>) target(%arg24 : memref<8x128xf32, #tpu.memory_space<vmem>>) target_semaphore(%run_scoped3A : memref<!tpu.dma_semaphore, #tpu.memory_space<semaphore_mem>>)
          %dma_wait3A = arith.constant 0 : i32
          %dma_wait3A_60 = tpu.memref_slice %arg9[%mul3A_56, %dma_wait3A] : memref<10000x128xf32, #tpu.memory_space<vmem_shared>> -> memref<8x128xf32, #tpu.memory_space<vmem_shared>>
          %dma_wait3A_61 = arith.constant 0 : i32
          %dma_wait3A_62 = tpu.memref_slice %arg9[%mul3A_56, %dma_wait3A_61] : memref<10000x128xf32, #tpu.memory_space<vmem_shared>> -> memref<8x128xf32, #tpu.memory_space<vmem_shared>>
          tpu.wait_dma2 semaphore(%run_scoped3A : memref<!tpu.dma_semaphore, #tpu.memory_space<semaphore_mem>>) src(%dma_wait3A_62 : memref<8x128xf32, #tpu.memory_space<vmem_shared>>) dst(%arg24 : memref<8x128xf32, #tpu.memory_space<vmem>>)
          tpu.yield
        }) : () -> ()
        "tpu.region"() ({
          %run_scoped3A = tpu.sem_alloc : memref<!tpu.dma_semaphore, #tpu.memory_space<semaphore_mem>>
          %dma_start3A = arith.constant 0 : i32
          %dma_start3A_57 = tpu.memref_slice %arg6[%arg0, %mul3A_56, %dma_start3A] : memref<2x10000x128xf32, #tpu.memory_space<hbm>> -> memref<1x8x128xf32, #tpu.memory_space<hbm>>
          %dma_start3A_58 = tpu.memref_squeeze %dma_start3A_57 : memref<1x8x128xf32, #tpu.memory_space<hbm>> -> memref<8x128xf32, #tpu.memory_space<hbm>>
          %dma_start3A_59 = arith.constant 0 : i32
          %dma_start3A_60 = tpu.memref_slice %arg6[%arg0, %mul3A_56, %dma_start3A_59] : memref<2x10000x128xf32, #tpu.memory_space<hbm>> -> memref<1x8x128xf32, #tpu.memory_space<hbm>>
          %dma_start3A_61 = tpu.memref_squeeze %dma_start3A_60 : memref<1x8x128xf32, #tpu.memory_space<hbm>> -> memref<8x128xf32, #tpu.memory_space<hbm>>
          tpu.enqueue_dma source(%arg24 : memref<8x128xf32, #tpu.memory_space<vmem>>) target(%dma_start3A_61 : memref<8x128xf32, #tpu.memory_space<hbm>>) target_semaphore(%run_scoped3A : memref<!tpu.dma_semaphore, #tpu.memory_space<semaphore_mem>>)
          %dma_wait3A = arith.constant 0 : i32
          %dma_wait3A_62 = tpu.memref_slice %arg6[%arg0, %mul3A_56, %dma_wait3A] : memref<2x10000x128xf32, #tpu.memory_space<hbm>> -> memref<1x8x128xf32, #tpu.memory_space<hbm>>
          %dma_wait3A_63 = tpu.memref_squeeze %dma_wait3A_62 : memref<1x8x128xf32, #tpu.memory_space<hbm>> -> memref<8x128xf32, #tpu.memory_space<hbm>>
          %dma_wait3A_64 = arith.constant 0 : i32
          %dma_wait3A_65 = tpu.memref_slice %arg6[%arg0, %mul3A_56, %dma_wait3A_64] : memref<2x10000x128xf32, #tpu.memory_space<hbm>> -> memref<1x8x128xf32, #tpu.memory_space<hbm>>
          %dma_wait3A_66 = tpu.memref_squeeze %dma_wait3A_65 : memref<1x8x128xf32, #tpu.memory_space<hbm>> -> memref<8x128xf32, #tpu.memory_space<hbm>>
          tpu.wait_dma2 semaphore(%run_scoped3A : memref<!tpu.dma_semaphore, #tpu.memory_space<semaphore_mem>>) src(%arg24 : memref<8x128xf32, #tpu.memory_space<vmem>>) dst(%dma_wait3A_66 : memref<8x128xf32, #tpu.memory_space<hbm>>)
          tpu.yield
        }) : () -> ()
      } else {
      }
    }
    %scan3A_48 = arith.constant 79 : i32
    return
  }
}

#map = affine_map<(d0, d1) -> (0, 0)>
#map1 = affine_map<(d0, d1) -> (0)>
#map2 = affine_map<(d0, d1) -> (0, 0, 0)>
module attributes {stable_mosaic.version = 14 : i64} {
  func.func @_edge_body(%arg0: i32, %arg1: i32, %arg2: memref<10000x16xf32, #tpu.memory_space<hbm>>, %arg3: memref<10000x1024xf32, #tpu.memory_space<hbm>>, %arg4: memref<320000xi32, #tpu.memory_space<hbm>>, %arg5: memref<320000xi32, #tpu.memory_space<hbm>>, %arg6: memref<2x10000x128xf32, #tpu.memory_space<hbm>>, %arg7: memref<10000x16xf32, #tpu.memory_space<vmem_shared>>, %arg8: memref<10000x16xf32, #tpu.memory_space<vmem_shared>>, %arg9: memref<10000x128xf32, #tpu.memory_space<vmem_shared>>, %arg10: memref<16xi32, #tpu.memory_space<vmem>>, %arg11: memref<16xi32, #tpu.memory_space<vmem>>, %arg12: memref<16x16xf32, #tpu.memory_space<vmem>>, %arg13: memref<16x16xf32, #tpu.memory_space<vmem>>, %arg14: memref<16x16xf32, #tpu.memory_space<vmem>>, %arg15: memref<8xi32, #tpu.memory_space<vmem>>, %arg16: memref<8xi32, #tpu.memory_space<vmem>>, %arg17: memref<8x1024xf32, #tpu.memory_space<vmem>>, %arg18: memref<8x16xf32, #tpu.memory_space<vmem>>, %arg19: memref<8x16xf32, #tpu.memory_space<vmem>>, %arg20: memref<8x16xf32, #tpu.memory_space<vmem>>, %arg21: memref<128xf32, #tpu.memory_space<vmem>>, %arg22: memref<8x128xf32, #tpu.memory_space<vmem>>, %arg23: memref<8x16xf32, #tpu.memory_space<vmem>>, %arg24: memref<8x128xf32, #tpu.memory_space<vmem>>) attributes {dimension_semantics = [#tpu.dimension_semantics<core_parallel>, #tpu.dimension_semantics<subcore_parallel>], iteration_bounds = array<i64: 2, 16>, scalar_prefetch = 0 : i64, scratch_operands = 18 : i64, tpu.core_type = #tpu.core_type<sc_vector_subcore>, window_params = [{transform_indices = #map}, {transform_indices = #map}, {transform_indices = #map1}, {transform_indices = #map1}, {transform_indices = #map2}]} {
    %broadcast_in_dim3A = arith.constant 0.000000e+00 : f32
    %broadcast_in_dim3A_0 = vector.broadcast %broadcast_in_dim3A : f32 to vector<16xf32>
    %iota3A = tpu.iota {dimensions = array<i32: 0>} : vector<16xi32>
    %add3A = arith.constant 8 : i32
    %add3A_1 = vector.broadcast %add3A : i32 to vector<16xi32>
    %add3A_2 = arith.addi %iota3A, %add3A_1 : vector<16xi32>
    %jit3A = arith.constant 16 : i32
    %eq3A = arith.constant 0 : i32
    %eq3A_3 = arith.cmpi eq, %jit3A, %eq3A : i32
    %jit3A_4 = arith.constant 1 : i32
    %select_n3A = arith.select %eq3A_3, %jit3A_4, %jit3A : i32
    %rem3A = vector.broadcast %select_n3A : i32 to vector<16xi32>
    %rem3A_5 = arith.remsi %add3A_2, %rem3A : vector<16xi32>
    %ne3A = arith.constant 0 : i32
    %ne3A_6 = vector.broadcast %ne3A : i32 to vector<16xi32>
    %ne3A_7 = arith.cmpi ne, %rem3A_5, %ne3A_6 : vector<16xi32>
    %lt3A = arith.constant 0 : i32
    %lt3A_8 = vector.broadcast %lt3A : i32 to vector<16xi32>
    %lt3A_9 = arith.cmpi slt, %rem3A_5, %lt3A_8 : vector<16xi32>
    %lt3A_10 = arith.constant 0 : i32
    %lt3A_11 = arith.cmpi slt, %select_n3A, %lt3A_10 : i32
    %ne3A_12 = vector.broadcast %lt3A_11 : i1 to vector<16xi1>
    %ne3A_13 = vector.broadcast %ne3A_12 : vector<16xi1> to vector<16xi1>
    %ne3A_14 = arith.xori %lt3A_9, %ne3A_13 : vector<16xi1>
    %and3A = arith.andi %ne3A_14, %ne3A_7 : vector<16xi1>
    %add3A_15 = vector.broadcast %select_n3A : i32 to vector<16xi32>
    %add3A_16 = arith.addi %rem3A_5, %add3A_15 : vector<16xi32>
    %select_n3A_17 = arith.select %and3A, %add3A_16, %rem3A_5 : vector<16xi1>, vector<16xi32>
    %scan3A = arith.constant 0 : i32
    %scan3A_18 = arith.constant 8 : i32
    %scan3A_19 = arith.addi %scan3A, %scan3A_18 : i32
    %scan3A_20 = arith.constant 1 : i32
    scf.for %scan3A_49 = %scan3A to %scan3A_19 step %scan3A_20  : i32 {
      %swap3A = arith.index_cast %scan3A_49 : i32 to index
      %swap3A_50 = arith.constant 0 : index
      %swap3A_51 = tpu.vector_load %arg23[%swap3A, %swap3A_50] {strides = array<i32>} : memref<8x16xf32, #tpu.memory_space<vmem>>, vector<1x16xf32>,
      %swap3A_52 = vector.shape_cast %swap3A_51 : vector<1x16xf32> to vector<16xf32>
      %swap3A_53 = vector.shape_cast %broadcast_in_dim3A_0 : vector<16xf32> to vector<1x16xf32>
      tpu.vector_store %arg23[%swap3A, %swap3A_50], %swap3A_53 {strides = array<i32>} : memref<8x16xf32, #tpu.memory_space<vmem>>, vector<1x16xf32>,
    }
    %scan3A_21 = arith.constant 8 : i32
    %scan3A_22 = arith.constant 0 : i32
    %scan3A_23 = arith.constant 8 : i32
    %scan3A_24 = arith.addi %scan3A_22, %scan3A_23 : i32
    %scan3A_25 = arith.constant 1 : i32
    scf.for %scan3A_49 = %scan3A_22 to %scan3A_24 step %scan3A_25  : i32 {
      %swap3A = arith.index_cast %scan3A_49 : i32 to index
      %swap3A_50 = arith.constant 0 : index
      %swap3A_51 = tpu.vector_load %arg24[%swap3A, %swap3A_50] {strides = array<i32>} : memref<8x128xf32, #tpu.memory_space<vmem>>, vector<1x16xf32>,
      %swap3A_52 = vector.shape_cast %swap3A_51 : vector<1x16xf32> to vector<16xf32>
      %swap3A_53 = vector.shape_cast %broadcast_in_dim3A_0 : vector<16xf32> to vector<1x16xf32>
      tpu.vector_store %arg24[%swap3A, %swap3A_50], %swap3A_53 {strides = array<i32>} : memref<8x128xf32, #tpu.memory_space<vmem>>, vector<1x16xf32>,
      %swap3A_54 = arith.index_cast %scan3A_49 : i32 to index
      %swap3A_55 = arith.constant 16 : index
      %swap3A_56 = tpu.vector_load %arg24[%swap3A_54, %swap3A_55] {strides = array<i32>} : memref<8x128xf32, #tpu.memory_space<vmem>>, vector<1x16xf32>,
      %swap3A_57 = vector.shape_cast %swap3A_56 : vector<1x16xf32> to vector<16xf32>
      %swap3A_58 = vector.shape_cast %broadcast_in_dim3A_0 : vector<16xf32> to vector<1x16xf32>
      tpu.vector_store %arg24[%swap3A_54, %swap3A_55], %swap3A_58 {strides = array<i32>} : memref<8x128xf32, #tpu.memory_space<vmem>>, vector<1x16xf32>,
      %swap3A_59 = arith.index_cast %scan3A_49 : i32 to index
      %swap3A_60 = arith.constant 32 : index
      %swap3A_61 = tpu.vector_load %arg24[%swap3A_59, %swap3A_60] {strides = array<i32>} : memref<8x128xf32, #tpu.memory_space<vmem>>, vector<1x16xf32>,
      %swap3A_62 = vector.shape_cast %swap3A_61 : vector<1x16xf32> to vector<16xf32>
      %swap3A_63 = vector.shape_cast %broadcast_in_dim3A_0 : vector<16xf32> to vector<1x16xf32>
      tpu.vector_store %arg24[%swap3A_59, %swap3A_60], %swap3A_63 {strides = array<i32>} : memref<8x128xf32, #tpu.memory_space<vmem>>, vector<1x16xf32>,
      %swap3A_64 = arith.index_cast %scan3A_49 : i32 to index
      %swap3A_65 = arith.constant 48 : index
      %swap3A_66 = tpu.vector_load %arg24[%swap3A_64, %swap3A_65] {strides = array<i32>} : memref<8x128xf32, #tpu.memory_space<vmem>>, vector<1x16xf32>,
      %swap3A_67 = vector.shape_cast %swap3A_66 : vector<1x16xf32> to vector<16xf32>
      %swap3A_68 = vector.shape_cast %broadcast_in_dim3A_0 : vector<16xf32> to vector<1x16xf32>
      tpu.vector_store %arg24[%swap3A_64, %swap3A_65], %swap3A_68 {strides = array<i32>} : memref<8x128xf32, #tpu.memory_space<vmem>>, vector<1x16xf32>,
      %swap3A_69 = arith.index_cast %scan3A_49 : i32 to index
      %swap3A_70 = arith.constant 64 : index
      %swap3A_71 = tpu.vector_load %arg24[%swap3A_69, %swap3A_70] {strides = array<i32>} : memref<8x128xf32, #tpu.memory_space<vmem>>, vector<1x16xf32>,
      %swap3A_72 = vector.shape_cast %swap3A_71 : vector<1x16xf32> to vector<16xf32>
      %swap3A_73 = vector.shape_cast %broadcast_in_dim3A_0 : vector<16xf32> to vector<1x16xf32>
      tpu.vector_store %arg24[%swap3A_69, %swap3A_70], %swap3A_73 {strides = array<i32>} : memref<8x128xf32, #tpu.memory_space<vmem>>, vector<1x16xf32>,
      %swap3A_74 = arith.index_cast %scan3A_49 : i32 to index
      %swap3A_75 = arith.constant 80 : index
      %swap3A_76 = tpu.vector_load %arg24[%swap3A_74, %swap3A_75] {strides = array<i32>} : memref<8x128xf32, #tpu.memory_space<vmem>>, vector<1x16xf32>,
      %swap3A_77 = vector.shape_cast %swap3A_76 : vector<1x16xf32> to vector<16xf32>
      %swap3A_78 = vector.shape_cast %broadcast_in_dim3A_0 : vector<16xf32> to vector<1x16xf32>
      tpu.vector_store %arg24[%swap3A_74, %swap3A_75], %swap3A_78 {strides = array<i32>} : memref<8x128xf32, #tpu.memory_space<vmem>>, vector<1x16xf32>,
      %swap3A_79 = arith.index_cast %scan3A_49 : i32 to index
      %swap3A_80 = arith.constant 96 : index
      %swap3A_81 = tpu.vector_load %arg24[%swap3A_79, %swap3A_80] {strides = array<i32>} : memref<8x128xf32, #tpu.memory_space<vmem>>, vector<1x16xf32>,
      %swap3A_82 = vector.shape_cast %swap3A_81 : vector<1x16xf32> to vector<16xf32>
      %swap3A_83 = vector.shape_cast %broadcast_in_dim3A_0 : vector<16xf32> to vector<1x16xf32>
      tpu.vector_store %arg24[%swap3A_79, %swap3A_80], %swap3A_83 {strides = array<i32>} : memref<8x128xf32, #tpu.memory_space<vmem>>, vector<1x16xf32>,
      %swap3A_84 = arith.index_cast %scan3A_49 : i32 to index
      %swap3A_85 = arith.constant 112 : index
      %swap3A_86 = tpu.vector_load %arg24[%swap3A_84, %swap3A_85] {strides = array<i32>} : memref<8x128xf32, #tpu.memory_space<vmem>>, vector<1x16xf32>,
      %swap3A_87 = vector.shape_cast %swap3A_86 : vector<1x16xf32> to vector<16xf32>
      %swap3A_88 = vector.shape_cast %broadcast_in_dim3A_0 : vector<16xf32> to vector<1x16xf32>
      tpu.vector_store %arg24[%swap3A_84, %swap3A_85], %swap3A_88 {strides = array<i32>} : memref<8x128xf32, #tpu.memory_space<vmem>>, vector<1x16xf32>,
    }
    %scan3A_26 = arith.constant 8 : i32
    %scan3A_27 = arith.constant 0 : i32
    %scan3A_28 = arith.constant 79 : i32
    %scan3A_29 = arith.addi %scan3A_27, %scan3A_28 : i32
    %scan3A_30 = arith.constant 1 : i32
    scf.for %scan3A_49 = %scan3A_27 to %scan3A_29 step %scan3A_30  : i32 {
      %mul3A = arith.constant 16 : i32
      %mul3A_50 = arith.muli %scan3A_49, %mul3A : i32
      %add3A_51 = arith.addi %arg1, %mul3A_50 : i32
      %lt3A_52 = arith.constant 1250 : i32
      %lt3A_53 = arith.cmpi slt, %add3A_51, %lt3A_52 : i32
      %convert_element_type3A = arith.extui %lt3A_53 : i1 to i32
      %cond3A = arith.constant 0 : i32
      %cond3A_54 = arith.cmpi ne, %convert_element_type3A, %cond3A : i32
      scf.if %cond3A_54 {
        %mul3A_55 = arith.constant 8 : i32
        %mul3A_56 = arith.muli %add3A_51, %mul3A_55 : i32
        "tpu.region"() ({
          %run_scoped3A = tpu.sem_alloc : memref<!tpu.dma_semaphore, #tpu.memory_space<semaphore_mem>>
          %dma_start3A = arith.constant 0 : i32
          %dma_start3A_57 = tpu.memref_slice %arg8[%mul3A_56, %dma_start3A] : memref<10000x16xf32, #tpu.memory_space<vmem_shared>> -> memref<8x16xf32, #tpu.memory_space<vmem_shared>>
          %dma_start3A_58 = arith.constant 0 : i32
          %dma_start3A_59 = tpu.memref_slice %arg8[%mul3A_56, %dma_start3A_58] : memref<10000x16xf32, #tpu.memory_space<vmem_shared>> -> memref<8x16xf32, #tpu.memory_space<vmem_shared>>
          tpu.enqueue_dma source(%arg23 : memref<8x16xf32, #tpu.memory_space<vmem>>) target(%dma_start3A_59 : memref<8x16xf32, #tpu.memory_space<vmem_shared>>) target_semaphore(%run_scoped3A : memref<!tpu.dma_semaphore, #tpu.memory_space<semaphore_mem>>)
          %dma_wait3A = arith.constant 0 : i32
          %dma_wait3A_60 = tpu.memref_slice %arg8[%mul3A_56, %dma_wait3A] : memref<10000x16xf32, #tpu.memory_space<vmem_shared>> -> memref<8x16xf32, #tpu.memory_space<vmem_shared>>
          %dma_wait3A_61 = arith.constant 0 : i32
          %dma_wait3A_62 = tpu.memref_slice %arg8[%mul3A_56, %dma_wait3A_61] : memref<10000x16xf32, #tpu.memory_space<vmem_shared>> -> memref<8x16xf32, #tpu.memory_space<vmem_shared>>
          tpu.wait_dma2 semaphore(%run_scoped3A : memref<!tpu.dma_semaphore, #tpu.memory_space<semaphore_mem>>) src(%arg23 : memref<8x16xf32, #tpu.memory_space<vmem>>) dst(%dma_wait3A_62 : memref<8x16xf32, #tpu.memory_space<vmem_shared>>)
          tpu.yield
        }) : () -> ()
        "tpu.region"() ({
          %run_scoped3A = tpu.sem_alloc : memref<!tpu.dma_semaphore, #tpu.memory_space<semaphore_mem>>
          %dma_start3A = arith.constant 0 : i32
          %dma_start3A_57 = tpu.memref_slice %arg9[%mul3A_56, %dma_start3A] : memref<10000x128xf32, #tpu.memory_space<vmem_shared>> -> memref<8x128xf32, #tpu.memory_space<vmem_shared>>
          %dma_start3A_58 = arith.constant 0 : i32
          %dma_start3A_59 = tpu.memref_slice %arg9[%mul3A_56, %dma_start3A_58] : memref<10000x128xf32, #tpu.memory_space<vmem_shared>> -> memref<8x128xf32, #tpu.memory_space<vmem_shared>>
          tpu.enqueue_dma source(%arg24 : memref<8x128xf32, #tpu.memory_space<vmem>>) target(%dma_start3A_59 : memref<8x128xf32, #tpu.memory_space<vmem_shared>>) target_semaphore(%run_scoped3A : memref<!tpu.dma_semaphore, #tpu.memory_space<semaphore_mem>>)
          %dma_wait3A = arith.constant 0 : i32
          %dma_wait3A_60 = tpu.memref_slice %arg9[%mul3A_56, %dma_wait3A] : memref<10000x128xf32, #tpu.memory_space<vmem_shared>> -> memref<8x128xf32, #tpu.memory_space<vmem_shared>>
          %dma_wait3A_61 = arith.constant 0 : i32
          %dma_wait3A_62 = tpu.memref_slice %arg9[%mul3A_56, %dma_wait3A_61] : memref<10000x128xf32, #tpu.memory_space<vmem_shared>> -> memref<8x128xf32, #tpu.memory_space<vmem_shared>>
          tpu.wait_dma2 semaphore(%run_scoped3A : memref<!tpu.dma_semaphore, #tpu.memory_space<semaphore_mem>>) src(%arg24 : memref<8x128xf32, #tpu.memory_space<vmem>>) dst(%dma_wait3A_62 : memref<8x128xf32, #tpu.memory_space<vmem_shared>>)
          tpu.yield
        }) : () -> ()
        "tpu.region"() ({
          %run_scoped3A = tpu.sem_alloc : memref<!tpu.dma_semaphore, #tpu.memory_space<semaphore_mem>>
          %dma_start3A = arith.constant 0 : i32
          %dma_start3A_57 = tpu.memref_slice %arg7[%mul3A_56, %dma_start3A] : memref<10000x16xf32, #tpu.memory_space<vmem_shared>> -> memref<8x16xf32, #tpu.memory_space<vmem_shared>>
          %dma_start3A_58 = arith.constant 0 : i32
          %dma_start3A_59 = tpu.memref_slice %arg2[%mul3A_56, %dma_start3A_58] : memref<10000x16xf32, #tpu.memory_space<hbm>> -> memref<8x16xf32, #tpu.memory_space<hbm>>
          tpu.enqueue_dma source(%dma_start3A_59 : memref<8x16xf32, #tpu.memory_space<hbm>>) target(%dma_start3A_57 : memref<8x16xf32, #tpu.memory_space<vmem_shared>>) target_semaphore(%run_scoped3A : memref<!tpu.dma_semaphore, #tpu.memory_space<semaphore_mem>>)
          %dma_wait3A = arith.constant 0 : i32
          %dma_wait3A_60 = tpu.memref_slice %arg7[%mul3A_56, %dma_wait3A] : memref<10000x16xf32, #tpu.memory_space<vmem_shared>> -> memref<8x16xf32, #tpu.memory_space<vmem_shared>>
          %dma_wait3A_61 = arith.constant 0 : i32
          %dma_wait3A_62 = tpu.memref_slice %arg2[%mul3A_56, %dma_wait3A_61] : memref<10000x16xf32, #tpu.memory_space<hbm>> -> memref<8x16xf32, #tpu.memory_space<hbm>>
          tpu.wait_dma2 semaphore(%run_scoped3A : memref<!tpu.dma_semaphore, #tpu.memory_space<semaphore_mem>>) src(%dma_wait3A_62 : memref<8x16xf32, #tpu.memory_space<hbm>>) dst(%dma_wait3A_60 : memref<8x16xf32, #tpu.memory_space<vmem_shared>>)
          tpu.yield
        }) : () -> ()
      } else {
      }
    }
    %scan3A_31 = arith.constant 79 : i32
    %barrier3A = arith.constant 0 : index
    tpu.barrier barrier_id(%barrier3A)
    %scan3A_32 = arith.constant 0 : i32
    %scan3A_33 = arith.constant 1250 : i32
    %scan3A_34 = arith.addi %scan3A_32, %scan3A_33 : i32
    %scan3A_35 = arith.constant 1 : i32
    scf.for %scan3A_49 = %scan3A_32 to %scan3A_34 step %scan3A_35  : i32 {
      %mul3A = arith.constant 20000 : i32
      %mul3A_50 = arith.muli %arg1, %mul3A : i32
      %mul3A_51 = arith.constant 16 : i32
      %mul3A_52 = arith.muli %scan3A_49, %mul3A_51 : i32
      %add3A_53 = arith.addi %mul3A_50, %mul3A_52 : i32
      "tpu.region"() ({
        %run_scoped3A = tpu.sem_alloc : memref<!tpu.dma_semaphore, #tpu.memory_space<semaphore_mem>>
        %dma_start3A = tpu.memref_slice %arg4[%add3A_53] : memref<320000xi32, #tpu.memory_space<hbm>> -> memref<16xi32, #tpu.memory_space<hbm>>
        %dma_start3A_59 = tpu.memref_slice %arg4[%add3A_53] : memref<320000xi32, #tpu.memory_space<hbm>> -> memref<16xi32, #tpu.memory_space<hbm>>
        tpu.enqueue_dma source(%dma_start3A_59 : memref<16xi32, #tpu.memory_space<hbm>>) target(%arg10 : memref<16xi32, #tpu.memory_space<vmem>>) target_semaphore(%run_scoped3A : memref<!tpu.dma_semaphore, #tpu.memory_space<semaphore_mem>>)
        %dma_wait3A = tpu.memref_slice %arg4[%add3A_53] : memref<320000xi32, #tpu.memory_space<hbm>> -> memref<16xi32, #tpu.memory_space<hbm>>
        %dma_wait3A_60 = tpu.memref_slice %arg4[%add3A_53] : memref<320000xi32, #tpu.memory_space<hbm>> -> memref<16xi32, #tpu.memory_space<hbm>>
        tpu.wait_dma2 semaphore(%run_scoped3A : memref<!tpu.dma_semaphore, #tpu.memory_space<semaphore_mem>>) src(%dma_wait3A_60 : memref<16xi32, #tpu.memory_space<hbm>>) dst(%arg10 : memref<16xi32, #tpu.memory_space<vmem>>)
        tpu.yield
      }) : () -> ()
      "tpu.region"() ({
        %run_scoped3A = tpu.sem_alloc : memref<!tpu.dma_semaphore, #tpu.memory_space<semaphore_mem>>
        %dma_start3A = tpu.memref_slice %arg5[%add3A_53] : memref<320000xi32, #tpu.memory_space<hbm>> -> memref<16xi32, #tpu.memory_space<hbm>>
        %dma_start3A_59 = tpu.memref_slice %arg5[%add3A_53] : memref<320000xi32, #tpu.memory_space<hbm>> -> memref<16xi32, #tpu.memory_space<hbm>>
        tpu.enqueue_dma source(%dma_start3A_59 : memref<16xi32, #tpu.memory_space<hbm>>) target(%arg11 : memref<16xi32, #tpu.memory_space<vmem>>) target_semaphore(%run_scoped3A : memref<!tpu.dma_semaphore, #tpu.memory_space<semaphore_mem>>)
        %dma_wait3A = tpu.memref_slice %arg5[%add3A_53] : memref<320000xi32, #tpu.memory_space<hbm>> -> memref<16xi32, #tpu.memory_space<hbm>>
        %dma_wait3A_60 = tpu.memref_slice %arg5[%add3A_53] : memref<320000xi32, #tpu.memory_space<hbm>> -> memref<16xi32, #tpu.memory_space<hbm>>
        tpu.wait_dma2 semaphore(%run_scoped3A : memref<!tpu.dma_semaphore, #tpu.memory_space<semaphore_mem>>) src(%dma_wait3A_60 : memref<16xi32, #tpu.memory_space<hbm>>) dst(%arg11 : memref<16xi32, #tpu.memory_space<vmem>>)
        tpu.yield
      }) : () -> ()
      "tpu.region"() ({
        %run_scoped3A = tpu.sem_alloc : memref<!tpu.dma_semaphore, #tpu.memory_space<semaphore_mem>>
        %dma_start3A = arith.constant 0 : i32
        %dma_start3A_59 = arith.constant 0 : i32
        %dma_start3A_60 = tpu.memref_slice %arg7[%dma_start3A, %dma_start3A_59] : memref<10000x16xf32, #tpu.memory_space<vmem_shared>> -> memref<10000x16xf32, #tpu.memory_space<vmem_shared>>
        tpu.enqueue_indirect_dma source(%dma_start3A_60 : memref<10000x16xf32, #tpu.memory_space<vmem_shared>>) target(%arg12 : memref<16x16xf32, #tpu.memory_space<vmem>>) offsets(%arg10 : memref<16xi32, #tpu.memory_space<vmem>>) semaphore(%run_scoped3A : memref<!tpu.dma_semaphore, #tpu.memory_space<semaphore_mem>>)
        %dma_wait3A = arith.constant 0 : i32
        %dma_wait3A_61 = arith.constant 0 : i32
        %dma_wait3A_62 = tpu.memref_slice %arg7[%dma_wait3A, %dma_wait3A_61] : memref<10000x16xf32, #tpu.memory_space<vmem_shared>> -> memref<10000x16xf32, #tpu.memory_space<vmem_shared>>
        tpu.wait_indirect_dma semaphore(%run_scoped3A : memref<!tpu.dma_semaphore, #tpu.memory_space<semaphore_mem>>) src(%dma_wait3A_62 : memref<10000x16xf32, #tpu.memory_space<vmem_shared>>) dst(%arg12 : memref<16x16xf32, #tpu.memory_space<vmem>>)
        tpu.yield
      }) : () -> ()
      "tpu.region"() ({
        %run_scoped3A = tpu.sem_alloc : memref<!tpu.dma_semaphore, #tpu.memory_space<semaphore_mem>>
        %dma_start3A = arith.constant 0 : i32
        %dma_start3A_59 = arith.constant 0 : i32
        %dma_start3A_60 = tpu.memref_slice %arg7[%dma_start3A, %dma_start3A_59] : memref<10000x16xf32, #tpu.memory_space<vmem_shared>> -> memref<10000x16xf32, #tpu.memory_space<vmem_shared>>
        tpu.enqueue_indirect_dma source(%dma_start3A_60 : memref<10000x16xf32, #tpu.memory_space<vmem_shared>>) target(%arg13 : memref<16x16xf32, #tpu.memory_space<vmem>>) offsets(%arg11 : memref<16xi32, #tpu.memory_space<vmem>>) semaphore(%run_scoped3A : memref<!tpu.dma_semaphore, #tpu.memory_space<semaphore_mem>>)
        %dma_wait3A = arith.constant 0 : i32
        %dma_wait3A_61 = arith.constant 0 : i32
        %dma_wait3A_62 = tpu.memref_slice %arg7[%dma_wait3A, %dma_wait3A_61] : memref<10000x16xf32, #tpu.memory_space<vmem_shared>> -> memref<10000x16xf32, #tpu.memory_space<vmem_shared>>
        tpu.wait_indirect_dma semaphore(%run_scoped3A : memref<!tpu.dma_semaphore, #tpu.memory_space<semaphore_mem>>) src(%dma_wait3A_62 : memref<10000x16xf32, #tpu.memory_space<vmem_shared>>) dst(%arg13 : memref<16x16xf32, #tpu.memory_space<vmem>>)
        tpu.yield
      }) : () -> ()
      %scan3A_54 = arith.constant 0 : i32
      %scan3A_55 = arith.constant 16 : i32
      %scan3A_56 = arith.addi %scan3A_54, %scan3A_55 : i32
      %scan3A_57 = arith.constant 1 : i32
      scf.for %scan3A_59 = %scan3A_54 to %scan3A_56 step %scan3A_57  : i32 {
        %get3A = arith.index_cast %scan3A_59 : i32 to index
        %get3A_60 = arith.constant 0 : index
        %get3A_61 = tpu.vector_load %arg12[%get3A, %get3A_60] {strides = array<i32>} : memref<16x16xf32, #tpu.memory_space<vmem>>, vector<1x16xf32>,
        %get3A_62 = vector.shape_cast %get3A_61 : vector<1x16xf32> to vector<16xf32>
        %get3A_63 = arith.index_cast %scan3A_59 : i32 to index
        %get3A_64 = arith.constant 0 : index
        %get3A_65 = tpu.vector_load %arg13[%get3A_63, %get3A_64] {strides = array<i32>} : memref<16x16xf32, #tpu.memory_space<vmem>>, vector<1x16xf32>,
        %get3A_66 = vector.shape_cast %get3A_65 : vector<1x16xf32> to vector<16xf32>
        %lt3A_67 = arith.constant 0 : i32
        %lt3A_68 = vector.broadcast %lt3A_67 : i32 to vector<16xi32>
        %lt3A_69 = arith.cmpi slt, %select_n3A_17, %lt3A_68 : vector<16xi32>
        %add3A_70 = arith.constant 16 : i32
        %add3A_71 = vector.broadcast %add3A_70 : i32 to vector<16xi32>
        %add3A_72 = arith.addi %select_n3A_17, %add3A_71 : vector<16xi32>
        %select_n3A_73 = arith.select %lt3A_69, %add3A_72, %select_n3A_17 : vector<16xi1>, vector<16xi32>
        %broadcast_in_dim3A_74 = vector.shape_cast %select_n3A_73 : vector<16xi32> to vector<16x1xi32>
        %gather3A = vector.shape_cast %broadcast_in_dim3A_74 : vector<16x1xi32> to vector<16xi32>
        %gather3A_75 = tpu.dynamic_gather %get3A_66[%gather3A] in [0] : vector<16xf32>, vector<16xi32> -> vector<16xf32>
        %add3A_76 = arith.addf %get3A_62, %gather3A_75 : vector<16xf32>
        %mul3A_77 = arith.constant 2.000000e-01 : f32
        %mul3A_78 = vector.broadcast %mul3A_77 : f32 to vector<16xf32>
        %mul3A_79 = arith.mulf %mul3A_78, %add3A_76 : vector<16xf32>
        %max3A = arith.maximumf %add3A_76, %mul3A_79 : vector<16xf32>
        %exp3A = math.exp %max3A : vector<16xf32>
        %swap3A = arith.index_cast %scan3A_59 : i32 to index
        %swap3A_80 = arith.constant 0 : index
        %swap3A_81 = tpu.vector_load %arg14[%swap3A, %swap3A_80] {strides = array<i32>} : memref<16x16xf32, #tpu.memory_space<vmem>>, vector<1x16xf32>,
        %swap3A_82 = vector.shape_cast %swap3A_81 : vector<1x16xf32> to vector<16xf32>
        %swap3A_83 = vector.shape_cast %exp3A : vector<16xf32> to vector<1x16xf32>
        tpu.vector_store %arg14[%swap3A, %swap3A_80], %swap3A_83 {strides = array<i32>} : memref<16x16xf32, #tpu.memory_space<vmem>>, vector<1x16xf32>,
      }
      %scan3A_58 = arith.constant 16 : i32
      "tpu.region"() ({
        %run_scoped3A = tpu.sem_alloc : memref<!tpu.dma_semaphore, #tpu.memory_space<semaphore_mem>>
        %dma_start3A = arith.constant 0 : i32
        %dma_start3A_59 = arith.constant 0 : i32
        %dma_start3A_60 = tpu.memref_slice %arg8[%dma_start3A, %dma_start3A_59] : memref<10000x16xf32, #tpu.memory_space<vmem_shared>> -> memref<10000x16xf32, #tpu.memory_space<vmem_shared>>
        tpu.enqueue_indirect_dma source(%arg14 : memref<16x16xf32, #tpu.memory_space<vmem>>) target(%dma_start3A_60 : memref<10000x16xf32, #tpu.memory_space<vmem_shared>>) offsets(%arg11 : memref<16xi32, #tpu.memory_space<vmem>>) semaphore(%run_scoped3A : memref<!tpu.dma_semaphore, #tpu.memory_space<semaphore_mem>>) {add = true}
        %dma_wait3A = arith.constant 0 : i32
        %dma_wait3A_61 = arith.constant 0 : i32
        %dma_wait3A_62 = tpu.memref_slice %arg8[%dma_wait3A, %dma_wait3A_61] : memref<10000x16xf32, #tpu.memory_space<vmem_shared>> -> memref<10000x16xf32, #tpu.memory_space<vmem_shared>>
        tpu.wait_indirect_dma semaphore(%run_scoped3A : memref<!tpu.dma_semaphore, #tpu.memory_space<semaphore_mem>>) src(%arg14 : memref<16x16xf32, #tpu.memory_space<vmem>>) dst(%dma_wait3A_62 : memref<10000x16xf32, #tpu.memory_space<vmem_shared>>)
        tpu.yield
      }) : () -> ()
    }
    %scan3A_36 = arith.constant 1250 : i32
    %barrier3A_37 = arith.constant 0 : index
    tpu.barrier barrier_id(%barrier3A_37)
    %scan3A_38 = arith.constant 0 : i32
    %scan3A_39 = arith.constant 1250 : i32
    %scan3A_40 = arith.addi %scan3A_38, %scan3A_39 : i32
    %scan3A_41 = arith.constant 1 : i32
    scf.for %scan3A_49 = %scan3A_38 to %scan3A_40 step %scan3A_41  : i32 {
      %mul3A = arith.constant 160000 : i32
      %mul3A_50 = arith.muli %arg0, %mul3A : i32
      %mul3A_51 = arith.constant 10000 : i32
      %mul3A_52 = arith.muli %arg1, %mul3A_51 : i32
      %add3A_53 = arith.addi %mul3A_50, %mul3A_52 : i32
      %mul3A_54 = arith.constant 8 : i32
      %mul3A_55 = arith.muli %scan3A_49, %mul3A_54 : i32
      %add3A_56 = arith.addi %add3A_53, %mul3A_55 : i32
      "tpu.region"() ({
        %run_scoped3A = tpu.sem_alloc : memref<!tpu.dma_semaphore, #tpu.memory_space<semaphore_mem>>
        %dma_start3A = tpu.memref_slice %arg4[%add3A_56] : memref<320000xi32, #tpu.memory_space<hbm>> -> memref<8xi32, #tpu.memory_space<hbm>>
        %dma_start3A_67 = tpu.memref_slice %arg4[%add3A_56] : memref<320000xi32, #tpu.memory_space<hbm>> -> memref<8xi32, #tpu.memory_space<hbm>>
        tpu.enqueue_dma source(%dma_start3A_67 : memref<8xi32, #tpu.memory_space<hbm>>) target(%arg15 : memref<8xi32, #tpu.memory_space<vmem>>) target_semaphore(%run_scoped3A : memref<!tpu.dma_semaphore, #tpu.memory_space<semaphore_mem>>)
        %dma_wait3A = tpu.memref_slice %arg4[%add3A_56] : memref<320000xi32, #tpu.memory_space<hbm>> -> memref<8xi32, #tpu.memory_space<hbm>>
        %dma_wait3A_68 = tpu.memref_slice %arg4[%add3A_56] : memref<320000xi32, #tpu.memory_space<hbm>> -> memref<8xi32, #tpu.memory_space<hbm>>
        tpu.wait_dma2 semaphore(%run_scoped3A : memref<!tpu.dma_semaphore, #tpu.memory_space<semaphore_mem>>) src(%dma_wait3A_68 : memref<8xi32, #tpu.memory_space<hbm>>) dst(%arg15 : memref<8xi32, #tpu.memory_space<vmem>>)
        tpu.yield
      }) : () -> ()
      "tpu.region"() ({
        %run_scoped3A = tpu.sem_alloc : memref<!tpu.dma_semaphore, #tpu.memory_space<semaphore_mem>>
        %dma_start3A = tpu.memref_slice %arg5[%add3A_56] : memref<320000xi32, #tpu.memory_space<hbm>> -> memref<8xi32, #tpu.memory_space<hbm>>
        %dma_start3A_67 = tpu.memref_slice %arg5[%add3A_56] : memref<320000xi32, #tpu.memory_space<hbm>> -> memref<8xi32, #tpu.memory_space<hbm>>
        tpu.enqueue_dma source(%dma_start3A_67 : memref<8xi32, #tpu.memory_space<hbm>>) target(%arg16 : memref<8xi32, #tpu.memory_space<vmem>>) target_semaphore(%run_scoped3A : memref<!tpu.dma_semaphore, #tpu.memory_space<semaphore_mem>>)
        %dma_wait3A = tpu.memref_slice %arg5[%add3A_56] : memref<320000xi32, #tpu.memory_space<hbm>> -> memref<8xi32, #tpu.memory_space<hbm>>
        %dma_wait3A_68 = tpu.memref_slice %arg5[%add3A_56] : memref<320000xi32, #tpu.memory_space<hbm>> -> memref<8xi32, #tpu.memory_space<hbm>>
        tpu.wait_dma2 semaphore(%run_scoped3A : memref<!tpu.dma_semaphore, #tpu.memory_space<semaphore_mem>>) src(%dma_wait3A_68 : memref<8xi32, #tpu.memory_space<hbm>>) dst(%arg16 : memref<8xi32, #tpu.memory_space<vmem>>)
        tpu.yield
      }) : () -> ()
      "tpu.region"() ({
        %run_scoped3A = tpu.sem_alloc : memref<!tpu.dma_semaphore, #tpu.memory_space<semaphore_mem>>
        %dma_start3A = arith.constant 0 : i32
        %dma_start3A_67 = arith.constant 0 : i32
        %dma_start3A_68 = tpu.memref_slice %arg3[%dma_start3A, %dma_start3A_67] : memref<10000x1024xf32, #tpu.memory_space<hbm>> -> memref<10000x1024xf32, #tpu.memory_space<hbm>>
        tpu.enqueue_indirect_dma source(%dma_start3A_68 : memref<10000x1024xf32, #tpu.memory_space<hbm>>) target(%arg17 : memref<8x1024xf32, #tpu.memory_space<vmem>>) offsets(%arg15 : memref<8xi32, #tpu.memory_space<vmem>>) semaphore(%run_scoped3A : memref<!tpu.dma_semaphore, #tpu.memory_space<semaphore_mem>>)
        %dma_wait3A = arith.constant 0 : i32
        %dma_wait3A_69 = arith.constant 0 : i32
        %dma_wait3A_70 = tpu.memref_slice %arg3[%dma_wait3A, %dma_wait3A_69] : memref<10000x1024xf32, #tpu.memory_space<hbm>> -> memref<10000x1024xf32, #tpu.memory_space<hbm>>
        tpu.wait_indirect_dma semaphore(%run_scoped3A : memref<!tpu.dma_semaphore, #tpu.memory_space<semaphore_mem>>) src(%dma_wait3A_70 : memref<10000x1024xf32, #tpu.memory_space<hbm>>) dst(%arg17 : memref<8x1024xf32, #tpu.memory_space<vmem>>)
        tpu.yield
      }) : () -> ()
      "tpu.region"() ({
        %run_scoped3A = tpu.sem_alloc : memref<!tpu.dma_semaphore, #tpu.memory_space<semaphore_mem>>
        %dma_start3A = arith.constant 0 : i32
        %dma_start3A_67 = arith.constant 0 : i32
        %dma_start3A_68 = tpu.memref_slice %arg7[%dma_start3A, %dma_start3A_67] : memref<10000x16xf32, #tpu.memory_space<vmem_shared>> -> memref<10000x16xf32, #tpu.memory_space<vmem_shared>>
        tpu.enqueue_indirect_dma source(%dma_start3A_68 : memref<10000x16xf32, #tpu.memory_space<vmem_shared>>) target(%arg18 : memref<8x16xf32, #tpu.memory_space<vmem>>) offsets(%arg15 : memref<8xi32, #tpu.memory_space<vmem>>) semaphore(%run_scoped3A : memref<!tpu.dma_semaphore, #tpu.memory_space<semaphore_mem>>)
        %dma_wait3A = arith.constant 0 : i32
        %dma_wait3A_69 = arith.constant 0 : i32
        %dma_wait3A_70 = tpu.memref_slice %arg7[%dma_wait3A, %dma_wait3A_69] : memref<10000x16xf32, #tpu.memory_space<vmem_shared>> -> memref<10000x16xf32, #tpu.memory_space<vmem_shared>>
        tpu.wait_indirect_dma semaphore(%run_scoped3A : memref<!tpu.dma_semaphore, #tpu.memory_space<semaphore_mem>>) src(%dma_wait3A_70 : memref<10000x16xf32, #tpu.memory_space<vmem_shared>>) dst(%arg18 : memref<8x16xf32, #tpu.memory_space<vmem>>)
        tpu.yield
      }) : () -> ()
      "tpu.region"() ({
        %run_scoped3A = tpu.sem_alloc : memref<!tpu.dma_semaphore, #tpu.memory_space<semaphore_mem>>
        %dma_start3A = arith.constant 0 : i32
        %dma_start3A_67 = arith.constant 0 : i32
        %dma_start3A_68 = tpu.memref_slice %arg7[%dma_start3A, %dma_start3A_67] : memref<10000x16xf32, #tpu.memory_space<vmem_shared>> -> memref<10000x16xf32, #tpu.memory_space<vmem_shared>>
        tpu.enqueue_indirect_dma source(%dma_start3A_68 : memref<10000x16xf32, #tpu.memory_space<vmem_shared>>) target(%arg19 : memref<8x16xf32, #tpu.memory_space<vmem>>) offsets(%arg16 : memref<8xi32, #tpu.memory_space<vmem>>) semaphore(%run_scoped3A : memref<!tpu.dma_semaphore, #tpu.memory_space<semaphore_mem>>)
        %dma_wait3A = arith.constant 0 : i32
        %dma_wait3A_69 = arith.constant 0 : i32
        %dma_wait3A_70 = tpu.memref_slice %arg7[%dma_wait3A, %dma_wait3A_69] : memref<10000x16xf32, #tpu.memory_space<vmem_shared>> -> memref<10000x16xf32, #tpu.memory_space<vmem_shared>>
        tpu.wait_indirect_dma semaphore(%run_scoped3A : memref<!tpu.dma_semaphore, #tpu.memory_space<semaphore_mem>>) src(%dma_wait3A_70 : memref<10000x16xf32, #tpu.memory_space<vmem_shared>>) dst(%arg19 : memref<8x16xf32, #tpu.memory_space<vmem>>)
        tpu.yield
      }) : () -> ()
      "tpu.region"() ({
        %run_scoped3A = tpu.sem_alloc : memref<!tpu.dma_semaphore, #tpu.memory_space<semaphore_mem>>
        %dma_start3A = arith.constant 0 : i32
        %dma_start3A_67 = arith.constant 0 : i32
        %dma_start3A_68 = tpu.memref_slice %arg8[%dma_start3A, %dma_start3A_67] : memref<10000x16xf32, #tpu.memory_space<vmem_shared>> -> memref<10000x16xf32, #tpu.memory_space<vmem_shared>>
        tpu.enqueue_indirect_dma source(%dma_start3A_68 : memref<10000x16xf32, #tpu.memory_space<vmem_shared>>) target(%arg20 : memref<8x16xf32, #tpu.memory_space<vmem>>) offsets(%arg16 : memref<8xi32, #tpu.memory_space<vmem>>) semaphore(%run_scoped3A : memref<!tpu.dma_semaphore, #tpu.memory_space<semaphore_mem>>)
        %dma_wait3A = arith.constant 0 : i32
        %dma_wait3A_69 = arith.constant 0 : i32
        %dma_wait3A_70 = tpu.memref_slice %arg8[%dma_wait3A, %dma_wait3A_69] : memref<10000x16xf32, #tpu.memory_space<vmem_shared>> -> memref<10000x16xf32, #tpu.memory_space<vmem_shared>>
        tpu.wait_indirect_dma semaphore(%run_scoped3A : memref<!tpu.dma_semaphore, #tpu.memory_space<semaphore_mem>>) src(%dma_wait3A_70 : memref<10000x16xf32, #tpu.memory_space<vmem_shared>>) dst(%arg20 : memref<8x16xf32, #tpu.memory_space<vmem>>)
        tpu.yield
      }) : () -> ()
      %scan3A_57 = arith.constant 0 : i32
      %scan3A_58 = arith.constant 8 : i32
      %scan3A_59 = arith.addi %scan3A_57, %scan3A_58 : i32
      %scan3A_60 = arith.constant 1 : i32
      scf.for %scan3A_67 = %scan3A_57 to %scan3A_59 step %scan3A_60  : i32 {
        %get3A = arith.index_cast %scan3A_67 : i32 to index
        %get3A_68 = arith.constant 0 : index
        %get3A_69 = tpu.vector_load %arg18[%get3A, %get3A_68] {strides = array<i32>} : memref<8x16xf32, #tpu.memory_space<vmem>>, vector<1x16xf32>,
        %get3A_70 = vector.shape_cast %get3A_69 : vector<1x16xf32> to vector<16xf32>
        %get3A_71 = arith.index_cast %scan3A_67 : i32 to index
        %get3A_72 = arith.constant 0 : index
        %get3A_73 = tpu.vector_load %arg19[%get3A_71, %get3A_72] {strides = array<i32>} : memref<8x16xf32, #tpu.memory_space<vmem>>, vector<1x16xf32>,
        %get3A_74 = vector.shape_cast %get3A_73 : vector<1x16xf32> to vector<16xf32>
        %lt3A_75 = arith.constant 0 : i32
        %lt3A_76 = vector.broadcast %lt3A_75 : i32 to vector<16xi32>
        %lt3A_77 = arith.cmpi slt, %select_n3A_17, %lt3A_76 : vector<16xi32>
        %add3A_78 = arith.constant 16 : i32
        %add3A_79 = vector.broadcast %add3A_78 : i32 to vector<16xi32>
        %add3A_80 = arith.addi %select_n3A_17, %add3A_79 : vector<16xi32>
        %select_n3A_81 = arith.select %lt3A_77, %add3A_80, %select_n3A_17 : vector<16xi1>, vector<16xi32>
        %broadcast_in_dim3A_82 = vector.shape_cast %select_n3A_81 : vector<16xi32> to vector<16x1xi32>
        %gather3A = vector.shape_cast %broadcast_in_dim3A_82 : vector<16x1xi32> to vector<16xi32>
        %gather3A_83 = tpu.dynamic_gather %get3A_74[%gather3A] in [0] : vector<16xf32>, vector<16xi32> -> vector<16xf32>
        %add3A_84 = arith.addf %get3A_70, %gather3A_83 : vector<16xf32>
        %mul3A_85 = arith.constant 2.000000e-01 : f32
        %mul3A_86 = vector.broadcast %mul3A_85 : f32 to vector<16xf32>
        %mul3A_87 = arith.mulf %mul3A_86, %add3A_84 : vector<16xf32>
        %max3A = arith.maximumf %add3A_84, %mul3A_87 : vector<16xf32>
        %exp3A = math.exp %max3A : vector<16xf32>
        %get3A_88 = arith.index_cast %scan3A_67 : i32 to index
        %get3A_89 = arith.constant 0 : index
        %get3A_90 = tpu.vector_load %arg20[%get3A_88, %get3A_89] {strides = array<i32>} : memref<8x16xf32, #tpu.memory_space<vmem>>, vector<1x16xf32>,
        %get3A_91 = vector.shape_cast %get3A_90 : vector<1x16xf32> to vector<16xf32>
        %add3A_92 = arith.constant 1.000000e-16 : f32
        %add3A_93 = vector.broadcast %add3A_92 : f32 to vector<16xf32>
        %add3A_94 = arith.addf %get3A_91, %add3A_93 : vector<16xf32>
        %div3A = arith.divf %exp3A, %add3A_94 : vector<16xf32>
        %mul3A_95 = arith.constant 16 : i32
        %mul3A_96 = arith.muli %scan3A_67, %mul3A_95 : i32
        %swap3A = arith.index_cast %mul3A_96 : i32 to index
        %swap3A_97 = tpu.vector_load %arg21[%swap3A] {strides = array<i32>} : memref<128xf32, #tpu.memory_space<vmem>>, vector<16xf32>,
        %swap3A_98 = vector.shape_cast %swap3A_97 : vector<16xf32> to vector<16xf32>
        %swap3A_99 = vector.shape_cast %div3A : vector<16xf32> to vector<16xf32>
        tpu.vector_store %arg21[%swap3A], %swap3A_99 {strides = array<i32>} : memref<128xf32, #tpu.memory_space<vmem>>, vector<16xf32>,
      }
      %scan3A_61 = arith.constant 8 : i32
      %scan3A_62 = arith.constant 0 : i32
      %scan3A_63 = arith.constant 8 : i32
      %scan3A_64 = arith.addi %scan3A_62, %scan3A_63 : i32
      %scan3A_65 = arith.constant 1 : i32
      scf.for %scan3A_67 = %scan3A_62 to %scan3A_64 step %scan3A_65  : i32 {
        %mul3A_68 = arith.constant 16 : i32
        %mul3A_69 = arith.muli %scan3A_67, %mul3A_68 : i32
        %get3A = arith.index_cast %mul3A_69 : i32 to index
        %get3A_70 = tpu.vector_load %arg21[%get3A] {strides = array<i32>} : memref<128xf32, #tpu.memory_space<vmem>>, vector<16xf32>,
        %get3A_71 = vector.shape_cast %get3A_70 : vector<16xf32> to vector<16xf32>
        %slice3A = vector.extract_strided_slice %get3A_71 {offsets = [0], sizes = [1], strides = [1]} : vector<16xf32> to vector<1xf32>
        %squeeze3A = vector.extract %slice3A[0] : f32 from vector<1xf32>
        %broadcast_in_dim3A_72 = vector.broadcast %squeeze3A : f32 to vector<16xf32>
        %get3A_73 = arith.index_cast %scan3A_67 : i32 to index
        %get3A_74 = arith.constant 0 : index
        %get3A_75 = tpu.vector_load %arg17[%get3A_73, %get3A_74] {strides = array<i32>} : memref<8x1024xf32, #tpu.memory_space<vmem>>, vector<1x16xf32>,
        %get3A_76 = vector.shape_cast %get3A_75 : vector<1x16xf32> to vector<16xf32>
        %mul3A_77 = arith.mulf %broadcast_in_dim3A_72, %get3A_76 : vector<16xf32>
        %add3A_78 = arith.addf %broadcast_in_dim3A_0, %mul3A_77 : vector<16xf32>
        %get3A_79 = arith.index_cast %scan3A_67 : i32 to index
        %get3A_80 = arith.constant 16 : index
        %get3A_81 = tpu.vector_load %arg17[%get3A_79, %get3A_80] {strides = array<i32>} : memref<8x1024xf32, #tpu.memory_space<vmem>>, vector<1x16xf32>,
        %get3A_82 = vector.shape_cast %get3A_81 : vector<1x16xf32> to vector<16xf32>
        %mul3A_83 = arith.mulf %broadcast_in_dim3A_72, %get3A_82 : vector<16xf32>
        %add3A_84 = arith.addf %broadcast_in_dim3A_0, %mul3A_83 : vector<16xf32>
        %get3A_85 = arith.index_cast %scan3A_67 : i32 to index
        %get3A_86 = arith.constant 32 : index
        %get3A_87 = tpu.vector_load %arg17[%get3A_85, %get3A_86] {strides = array<i32>} : memref<8x1024xf32, #tpu.memory_space<vmem>>, vector<1x16xf32>,
        %get3A_88 = vector.shape_cast %get3A_87 : vector<1x16xf32> to vector<16xf32>
        %mul3A_89 = arith.mulf %broadcast_in_dim3A_72, %get3A_88 : vector<16xf32>
        %add3A_90 = arith.addf %broadcast_in_dim3A_0, %mul3A_89 : vector<16xf32>
        %get3A_91 = arith.index_cast %scan3A_67 : i32 to index
        %get3A_92 = arith.constant 48 : index
        %get3A_93 = tpu.vector_load %arg17[%get3A_91, %get3A_92] {strides = array<i32>} : memref<8x1024xf32, #tpu.memory_space<vmem>>, vector<1x16xf32>,
        %get3A_94 = vector.shape_cast %get3A_93 : vector<1x16xf32> to vector<16xf32>
        %mul3A_95 = arith.mulf %broadcast_in_dim3A_72, %get3A_94 : vector<16xf32>
        %add3A_96 = arith.addf %broadcast_in_dim3A_0, %mul3A_95 : vector<16xf32>
        %get3A_97 = arith.index_cast %scan3A_67 : i32 to index
        %get3A_98 = arith.constant 64 : index
        %get3A_99 = tpu.vector_load %arg17[%get3A_97, %get3A_98] {strides = array<i32>} : memref<8x1024xf32, #tpu.memory_space<vmem>>, vector<1x16xf32>,
        %get3A_100 = vector.shape_cast %get3A_99 : vector<1x16xf32> to vector<16xf32>
        %mul3A_101 = arith.mulf %broadcast_in_dim3A_72, %get3A_100 : vector<16xf32>
        %add3A_102 = arith.addf %broadcast_in_dim3A_0, %mul3A_101 : vector<16xf32>
        %get3A_103 = arith.index_cast %scan3A_67 : i32 to index
        %get3A_104 = arith.constant 80 : index
        %get3A_105 = tpu.vector_load %arg17[%get3A_103, %get3A_104] {strides = array<i32>} : memref<8x1024xf32, #tpu.memory_space<vmem>>, vector<1x16xf32>,
        %get3A_106 = vector.shape_cast %get3A_105 : vector<1x16xf32> to vector<16xf32>
        %mul3A_107 = arith.mulf %broadcast_in_dim3A_72, %get3A_106 : vector<16xf32>
        %add3A_108 = arith.addf %broadcast_in_dim3A_0, %mul3A_107 : vector<16xf32>
        %get3A_109 = arith.index_cast %scan3A_67 : i32 to index
        %get3A_110 = arith.constant 96 : index
        %get3A_111 = tpu.vector_load %arg17[%get3A_109, %get3A_110] {strides = array<i32>} : memref<8x1024xf32, #tpu.memory_space<vmem>>, vector<1x16xf32>,
        %get3A_112 = vector.shape_cast %get3A_111 : vector<1x16xf32> to vector<16xf32>
        %mul3A_113 = arith.mulf %broadcast_in_dim3A_72, %get3A_112 : vector<16xf32>
        %add3A_114 = arith.addf %broadcast_in_dim3A_0, %mul3A_113 : vector<16xf32>
        %get3A_115 = arith.index_cast %scan3A_67 : i32 to index
        %get3A_116 = arith.constant 112 : index
        %get3A_117 = tpu.vector_load %arg17[%get3A_115, %get3A_116] {strides = array<i32>} : memref<8x1024xf32, #tpu.memory_space<vmem>>, vector<1x16xf32>,
        %get3A_118 = vector.shape_cast %get3A_117 : vector<1x16xf32> to vector<16xf32>
        %mul3A_119 = arith.mulf %broadcast_in_dim3A_72, %get3A_118 : vector<16xf32>
        %add3A_120 = arith.addf %broadcast_in_dim3A_0, %mul3A_119 : vector<16xf32>
        %slice3A_121 = vector.extract_strided_slice %get3A_71 {offsets = [1], sizes = [1], strides = [1]} : vector<16xf32> to vector<1xf32>
        %squeeze3A_122 = vector.extract %slice3A_121[0] : f32 from vector<1xf32>
        %broadcast_in_dim3A_123 = vector.broadcast %squeeze3A_122 : f32 to vector<16xf32>
        %get3A_124 = arith.index_cast %scan3A_67 : i32 to index
        %get3A_125 = arith.constant 128 : index
        %get3A_126 = tpu.vector_load %arg17[%get3A_124, %get3A_125] {strides = array<i32>} : memref<8x1024xf32, #tpu.memory_space<vmem>>, vector<1x16xf32>,
        %get3A_127 = vector.shape_cast %get3A_126 : vector<1x16xf32> to vector<16xf32>
        %mul3A_128 = arith.mulf %broadcast_in_dim3A_123, %get3A_127 : vector<16xf32>
        %add3A_129 = arith.addf %add3A_78, %mul3A_128 : vector<16xf32>
        %get3A_130 = arith.index_cast %scan3A_67 : i32 to index
        %get3A_131 = arith.constant 144 : index
        %get3A_132 = tpu.vector_load %arg17[%get3A_130, %get3A_131] {strides = array<i32>} : memref<8x1024xf32, #tpu.memory_space<vmem>>, vector<1x16xf32>,
        %get3A_133 = vector.shape_cast %get3A_132 : vector<1x16xf32> to vector<16xf32>
        %mul3A_134 = arith.mulf %broadcast_in_dim3A_123, %get3A_133 : vector<16xf32>
        %add3A_135 = arith.addf %add3A_84, %mul3A_134 : vector<16xf32>
        %get3A_136 = arith.index_cast %scan3A_67 : i32 to index
        %get3A_137 = arith.constant 160 : index
        %get3A_138 = tpu.vector_load %arg17[%get3A_136, %get3A_137] {strides = array<i32>} : memref<8x1024xf32, #tpu.memory_space<vmem>>, vector<1x16xf32>,
        %get3A_139 = vector.shape_cast %get3A_138 : vector<1x16xf32> to vector<16xf32>
        %mul3A_140 = arith.mulf %broadcast_in_dim3A_123, %get3A_139 : vector<16xf32>
        %add3A_141 = arith.addf %add3A_90, %mul3A_140 : vector<16xf32>
        %get3A_142 = arith.index_cast %scan3A_67 : i32 to index
        %get3A_143 = arith.constant 176 : index
        %get3A_144 = tpu.vector_load %arg17[%get3A_142, %get3A_143] {strides = array<i32>} : memref<8x1024xf32, #tpu.memory_space<vmem>>, vector<1x16xf32>,
        %get3A_145 = vector.shape_cast %get3A_144 : vector<1x16xf32> to vector<16xf32>
        %mul3A_146 = arith.mulf %broadcast_in_dim3A_123, %get3A_145 : vector<16xf32>
        %add3A_147 = arith.addf %add3A_96, %mul3A_146 : vector<16xf32>
        %get3A_148 = arith.index_cast %scan3A_67 : i32 to index
        %get3A_149 = arith.constant 192 : index
        %get3A_150 = tpu.vector_load %arg17[%get3A_148, %get3A_149] {strides = array<i32>} : memref<8x1024xf32, #tpu.memory_space<vmem>>, vector<1x16xf32>,
        %get3A_151 = vector.shape_cast %get3A_150 : vector<1x16xf32> to vector<16xf32>
        %mul3A_152 = arith.mulf %broadcast_in_dim3A_123, %get3A_151 : vector<16xf32>
        %add3A_153 = arith.addf %add3A_102, %mul3A_152 : vector<16xf32>
        %get3A_154 = arith.index_cast %scan3A_67 : i32 to index
        %get3A_155 = arith.constant 208 : index
        %get3A_156 = tpu.vector_load %arg17[%get3A_154, %get3A_155] {strides = array<i32>} : memref<8x1024xf32, #tpu.memory_space<vmem>>, vector<1x16xf32>,
        %get3A_157 = vector.shape_cast %get3A_156 : vector<1x16xf32> to vector<16xf32>
        %mul3A_158 = arith.mulf %broadcast_in_dim3A_123, %get3A_157 : vector<16xf32>
        %add3A_159 = arith.addf %add3A_108, %mul3A_158 : vector<16xf32>
        %get3A_160 = arith.index_cast %scan3A_67 : i32 to index
        %get3A_161 = arith.constant 224 : index
        %get3A_162 = tpu.vector_load %arg17[%get3A_160, %get3A_161] {strides = array<i32>} : memref<8x1024xf32, #tpu.memory_space<vmem>>, vector<1x16xf32>,
        %get3A_163 = vector.shape_cast %get3A_162 : vector<1x16xf32> to vector<16xf32>
        %mul3A_164 = arith.mulf %broadcast_in_dim3A_123, %get3A_163 : vector<16xf32>
        %add3A_165 = arith.addf %add3A_114, %mul3A_164 : vector<16xf32>
        %get3A_166 = arith.index_cast %scan3A_67 : i32 to index
        %get3A_167 = arith.constant 240 : index
        %get3A_168 = tpu.vector_load %arg17[%get3A_166, %get3A_167] {strides = array<i32>} : memref<8x1024xf32, #tpu.memory_space<vmem>>, vector<1x16xf32>,
        %get3A_169 = vector.shape_cast %get3A_168 : vector<1x16xf32> to vector<16xf32>
        %mul3A_170 = arith.mulf %broadcast_in_dim3A_123, %get3A_169 : vector<16xf32>
        %add3A_171 = arith.addf %add3A_120, %mul3A_170 : vector<16xf32>
        %slice3A_172 = vector.extract_strided_slice %get3A_71 {offsets = [2], sizes = [1], strides = [1]} : vector<16xf32> to vector<1xf32>
        %squeeze3A_173 = vector.extract %slice3A_172[0] : f32 from vector<1xf32>
        %broadcast_in_dim3A_174 = vector.broadcast %squeeze3A_173 : f32 to vector<16xf32>
        %get3A_175 = arith.index_cast %scan3A_67 : i32 to index
        %get3A_176 = arith.constant 256 : index
        %get3A_177 = tpu.vector_load %arg17[%get3A_175, %get3A_176] {strides = array<i32>} : memref<8x1024xf32, #tpu.memory_space<vmem>>, vector<1x16xf32>,
        %get3A_178 = vector.shape_cast %get3A_177 : vector<1x16xf32> to vector<16xf32>
        %mul3A_179 = arith.mulf %broadcast_in_dim3A_174, %get3A_178 : vector<16xf32>
        %add3A_180 = arith.addf %add3A_129, %mul3A_179 : vector<16xf32>
        %get3A_181 = arith.index_cast %scan3A_67 : i32 to index
        %get3A_182 = arith.constant 272 : index
        %get3A_183 = tpu.vector_load %arg17[%get3A_181, %get3A_182] {strides = array<i32>} : memref<8x1024xf32, #tpu.memory_space<vmem>>, vector<1x16xf32>,
        %get3A_184 = vector.shape_cast %get3A_183 : vector<1x16xf32> to vector<16xf32>
        %mul3A_185 = arith.mulf %broadcast_in_dim3A_174, %get3A_184 : vector<16xf32>
        %add3A_186 = arith.addf %add3A_135, %mul3A_185 : vector<16xf32>
        %get3A_187 = arith.index_cast %scan3A_67 : i32 to index
        %get3A_188 = arith.constant 288 : index
        %get3A_189 = tpu.vector_load %arg17[%get3A_187, %get3A_188] {strides = array<i32>} : memref<8x1024xf32, #tpu.memory_space<vmem>>, vector<1x16xf32>,
        %get3A_190 = vector.shape_cast %get3A_189 : vector<1x16xf32> to vector<16xf32>
        %mul3A_191 = arith.mulf %broadcast_in_dim3A_174, %get3A_190 : vector<16xf32>
        %add3A_192 = arith.addf %add3A_141, %mul3A_191 : vector<16xf32>
        %get3A_193 = arith.index_cast %scan3A_67 : i32 to index
        %get3A_194 = arith.constant 304 : index
        %get3A_195 = tpu.vector_load %arg17[%get3A_193, %get3A_194] {strides = array<i32>} : memref<8x1024xf32, #tpu.memory_space<vmem>>, vector<1x16xf32>,
        %get3A_196 = vector.shape_cast %get3A_195 : vector<1x16xf32> to vector<16xf32>
        %mul3A_197 = arith.mulf %broadcast_in_dim3A_174, %get3A_196 : vector<16xf32>
        %add3A_198 = arith.addf %add3A_147, %mul3A_197 : vector<16xf32>
        %get3A_199 = arith.index_cast %scan3A_67 : i32 to index
        %get3A_200 = arith.constant 320 : index
        %get3A_201 = tpu.vector_load %arg17[%get3A_199, %get3A_200] {strides = array<i32>} : memref<8x1024xf32, #tpu.memory_space<vmem>>, vector<1x16xf32>,
        %get3A_202 = vector.shape_cast %get3A_201 : vector<1x16xf32> to vector<16xf32>
        %mul3A_203 = arith.mulf %broadcast_in_dim3A_174, %get3A_202 : vector<16xf32>
        %add3A_204 = arith.addf %add3A_153, %mul3A_203 : vector<16xf32>
        %get3A_205 = arith.index_cast %scan3A_67 : i32 to index
        %get3A_206 = arith.constant 336 : index
        %get3A_207 = tpu.vector_load %arg17[%get3A_205, %get3A_206] {strides = array<i32>} : memref<8x1024xf32, #tpu.memory_space<vmem>>, vector<1x16xf32>,
        %get3A_208 = vector.shape_cast %get3A_207 : vector<1x16xf32> to vector<16xf32>
        %mul3A_209 = arith.mulf %broadcast_in_dim3A_174, %get3A_208 : vector<16xf32>
        %add3A_210 = arith.addf %add3A_159, %mul3A_209 : vector<16xf32>
        %get3A_211 = arith.index_cast %scan3A_67 : i32 to index
        %get3A_212 = arith.constant 352 : index
        %get3A_213 = tpu.vector_load %arg17[%get3A_211, %get3A_212] {strides = array<i32>} : memref<8x1024xf32, #tpu.memory_space<vmem>>, vector<1x16xf32>,
        %get3A_214 = vector.shape_cast %get3A_213 : vector<1x16xf32> to vector<16xf32>
        %mul3A_215 = arith.mulf %broadcast_in_dim3A_174, %get3A_214 : vector<16xf32>
        %add3A_216 = arith.addf %add3A_165, %mul3A_215 : vector<16xf32>
        %get3A_217 = arith.index_cast %scan3A_67 : i32 to index
        %get3A_218 = arith.constant 368 : index
        %get3A_219 = tpu.vector_load %arg17[%get3A_217, %get3A_218] {strides = array<i32>} : memref<8x1024xf32, #tpu.memory_space<vmem>>, vector<1x16xf32>,
        %get3A_220 = vector.shape_cast %get3A_219 : vector<1x16xf32> to vector<16xf32>
        %mul3A_221 = arith.mulf %broadcast_in_dim3A_174, %get3A_220 : vector<16xf32>
        %add3A_222 = arith.addf %add3A_171, %mul3A_221 : vector<16xf32>
        %slice3A_223 = vector.extract_strided_slice %get3A_71 {offsets = [3], sizes = [1], strides = [1]} : vector<16xf32> to vector<1xf32>
        %squeeze3A_224 = vector.extract %slice3A_223[0] : f32 from vector<1xf32>
        %broadcast_in_dim3A_225 = vector.broadcast %squeeze3A_224 : f32 to vector<16xf32>
        %get3A_226 = arith.index_cast %scan3A_67 : i32 to index
        %get3A_227 = arith.constant 384 : index
        %get3A_228 = tpu.vector_load %arg17[%get3A_226, %get3A_227] {strides = array<i32>} : memref<8x1024xf32, #tpu.memory_space<vmem>>, vector<1x16xf32>,
        %get3A_229 = vector.shape_cast %get3A_228 : vector<1x16xf32> to vector<16xf32>
        %mul3A_230 = arith.mulf %broadcast_in_dim3A_225, %get3A_229 : vector<16xf32>
        %add3A_231 = arith.addf %add3A_180, %mul3A_230 : vector<16xf32>
        %get3A_232 = arith.index_cast %scan3A_67 : i32 to index
        %get3A_233 = arith.constant 400 : index
        %get3A_234 = tpu.vector_load %arg17[%get3A_232, %get3A_233] {strides = array<i32>} : memref<8x1024xf32, #tpu.memory_space<vmem>>, vector<1x16xf32>,
        %get3A_235 = vector.shape_cast %get3A_234 : vector<1x16xf32> to vector<16xf32>
        %mul3A_236 = arith.mulf %broadcast_in_dim3A_225, %get3A_235 : vector<16xf32>
        %add3A_237 = arith.addf %add3A_186, %mul3A_236 : vector<16xf32>
        %get3A_238 = arith.index_cast %scan3A_67 : i32 to index
        %get3A_239 = arith.constant 416 : index
        %get3A_240 = tpu.vector_load %arg17[%get3A_238, %get3A_239] {strides = array<i32>} : memref<8x1024xf32, #tpu.memory_space<vmem>>, vector<1x16xf32>,
        %get3A_241 = vector.shape_cast %get3A_240 : vector<1x16xf32> to vector<16xf32>
        %mul3A_242 = arith.mulf %broadcast_in_dim3A_225, %get3A_241 : vector<16xf32>
        %add3A_243 = arith.addf %add3A_192, %mul3A_242 : vector<16xf32>
        %get3A_244 = arith.index_cast %scan3A_67 : i32 to index
        %get3A_245 = arith.constant 432 : index
        %get3A_246 = tpu.vector_load %arg17[%get3A_244, %get3A_245] {strides = array<i32>} : memref<8x1024xf32, #tpu.memory_space<vmem>>, vector<1x16xf32>,
        %get3A_247 = vector.shape_cast %get3A_246 : vector<1x16xf32> to vector<16xf32>
        %mul3A_248 = arith.mulf %broadcast_in_dim3A_225, %get3A_247 : vector<16xf32>
        %add3A_249 = arith.addf %add3A_198, %mul3A_248 : vector<16xf32>
        %get3A_250 = arith.index_cast %scan3A_67 : i32 to index
        %get3A_251 = arith.constant 448 : index
        %get3A_252 = tpu.vector_load %arg17[%get3A_250, %get3A_251] {strides = array<i32>} : memref<8x1024xf32, #tpu.memory_space<vmem>>, vector<1x16xf32>,
        %get3A_253 = vector.shape_cast %get3A_252 : vector<1x16xf32> to vector<16xf32>
        %mul3A_254 = arith.mulf %broadcast_in_dim3A_225, %get3A_253 : vector<16xf32>
        %add3A_255 = arith.addf %add3A_204, %mul3A_254 : vector<16xf32>
        %get3A_256 = arith.index_cast %scan3A_67 : i32 to index
        %get3A_257 = arith.constant 464 : index
        %get3A_258 = tpu.vector_load %arg17[%get3A_256, %get3A_257] {strides = array<i32>} : memref<8x1024xf32, #tpu.memory_space<vmem>>, vector<1x16xf32>,
        %get3A_259 = vector.shape_cast %get3A_258 : vector<1x16xf32> to vector<16xf32>
        %mul3A_260 = arith.mulf %broadcast_in_dim3A_225, %get3A_259 : vector<16xf32>
        %add3A_261 = arith.addf %add3A_210, %mul3A_260 : vector<16xf32>
        %get3A_262 = arith.index_cast %scan3A_67 : i32 to index
        %get3A_263 = arith.constant 480 : index
        %get3A_264 = tpu.vector_load %arg17[%get3A_262, %get3A_263] {strides = array<i32>} : memref<8x1024xf32, #tpu.memory_space<vmem>>, vector<1x16xf32>,
        %get3A_265 = vector.shape_cast %get3A_264 : vector<1x16xf32> to vector<16xf32>
        %mul3A_266 = arith.mulf %broadcast_in_dim3A_225, %get3A_265 : vector<16xf32>
        %add3A_267 = arith.addf %add3A_216, %mul3A_266 : vector<16xf32>
        %get3A_268 = arith.index_cast %scan3A_67 : i32 to index
        %get3A_269 = arith.constant 496 : index
        %get3A_270 = tpu.vector_load %arg17[%get3A_268, %get3A_269] {strides = array<i32>} : memref<8x1024xf32, #tpu.memory_space<vmem>>, vector<1x16xf32>,
        %get3A_271 = vector.shape_cast %get3A_270 : vector<1x16xf32> to vector<16xf32>
        %mul3A_272 = arith.mulf %broadcast_in_dim3A_225, %get3A_271 : vector<16xf32>
        %add3A_273 = arith.addf %add3A_222, %mul3A_272 : vector<16xf32>
        %slice3A_274 = vector.extract_strided_slice %get3A_71 {offsets = [4], sizes = [1], strides = [1]} : vector<16xf32> to vector<1xf32>
        %squeeze3A_275 = vector.extract %slice3A_274[0] : f32 from vector<1xf32>
        %broadcast_in_dim3A_276 = vector.broadcast %squeeze3A_275 : f32 to vector<16xf32>
        %get3A_277 = arith.index_cast %scan3A_67 : i32 to index
        %get3A_278 = arith.constant 512 : index
        %get3A_279 = tpu.vector_load %arg17[%get3A_277, %get3A_278] {strides = array<i32>} : memref<8x1024xf32, #tpu.memory_space<vmem>>, vector<1x16xf32>,
        %get3A_280 = vector.shape_cast %get3A_279 : vector<1x16xf32> to vector<16xf32>
        %mul3A_281 = arith.mulf %broadcast_in_dim3A_276, %get3A_280 : vector<16xf32>
        %add3A_282 = arith.addf %add3A_231, %mul3A_281 : vector<16xf32>
        %get3A_283 = arith.index_cast %scan3A_67 : i32 to index
        %get3A_284 = arith.constant 528 : index
        %get3A_285 = tpu.vector_load %arg17[%get3A_283, %get3A_284] {strides = array<i32>} : memref<8x1024xf32, #tpu.memory_space<vmem>>, vector<1x16xf32>,
        %get3A_286 = vector.shape_cast %get3A_285 : vector<1x16xf32> to vector<16xf32>
        %mul3A_287 = arith.mulf %broadcast_in_dim3A_276, %get3A_286 : vector<16xf32>
        %add3A_288 = arith.addf %add3A_237, %mul3A_287 : vector<16xf32>
        %get3A_289 = arith.index_cast %scan3A_67 : i32 to index
        %get3A_290 = arith.constant 544 : index
        %get3A_291 = tpu.vector_load %arg17[%get3A_289, %get3A_290] {strides = array<i32>} : memref<8x1024xf32, #tpu.memory_space<vmem>>, vector<1x16xf32>,
        %get3A_292 = vector.shape_cast %get3A_291 : vector<1x16xf32> to vector<16xf32>
        %mul3A_293 = arith.mulf %broadcast_in_dim3A_276, %get3A_292 : vector<16xf32>
        %add3A_294 = arith.addf %add3A_243, %mul3A_293 : vector<16xf32>
        %get3A_295 = arith.index_cast %scan3A_67 : i32 to index
        %get3A_296 = arith.constant 560 : index
        %get3A_297 = tpu.vector_load %arg17[%get3A_295, %get3A_296] {strides = array<i32>} : memref<8x1024xf32, #tpu.memory_space<vmem>>, vector<1x16xf32>,
        %get3A_298 = vector.shape_cast %get3A_297 : vector<1x16xf32> to vector<16xf32>
        %mul3A_299 = arith.mulf %broadcast_in_dim3A_276, %get3A_298 : vector<16xf32>
        %add3A_300 = arith.addf %add3A_249, %mul3A_299 : vector<16xf32>
        %get3A_301 = arith.index_cast %scan3A_67 : i32 to index
        %get3A_302 = arith.constant 576 : index
        %get3A_303 = tpu.vector_load %arg17[%get3A_301, %get3A_302] {strides = array<i32>} : memref<8x1024xf32, #tpu.memory_space<vmem>>, vector<1x16xf32>,
        %get3A_304 = vector.shape_cast %get3A_303 : vector<1x16xf32> to vector<16xf32>
        %mul3A_305 = arith.mulf %broadcast_in_dim3A_276, %get3A_304 : vector<16xf32>
        %add3A_306 = arith.addf %add3A_255, %mul3A_305 : vector<16xf32>
        %get3A_307 = arith.index_cast %scan3A_67 : i32 to index
        %get3A_308 = arith.constant 592 : index
        %get3A_309 = tpu.vector_load %arg17[%get3A_307, %get3A_308] {strides = array<i32>} : memref<8x1024xf32, #tpu.memory_space<vmem>>, vector<1x16xf32>,
        %get3A_310 = vector.shape_cast %get3A_309 : vector<1x16xf32> to vector<16xf32>
        %mul3A_311 = arith.mulf %broadcast_in_dim3A_276, %get3A_310 : vector<16xf32>
        %add3A_312 = arith.addf %add3A_261, %mul3A_311 : vector<16xf32>
        %get3A_313 = arith.index_cast %scan3A_67 : i32 to index
        %get3A_314 = arith.constant 608 : index
        %get3A_315 = tpu.vector_load %arg17[%get3A_313, %get3A_314] {strides = array<i32>} : memref<8x1024xf32, #tpu.memory_space<vmem>>, vector<1x16xf32>,
        %get3A_316 = vector.shape_cast %get3A_315 : vector<1x16xf32> to vector<16xf32>
        %mul3A_317 = arith.mulf %broadcast_in_dim3A_276, %get3A_316 : vector<16xf32>
        %add3A_318 = arith.addf %add3A_267, %mul3A_317 : vector<16xf32>
        %get3A_319 = arith.index_cast %scan3A_67 : i32 to index
        %get3A_320 = arith.constant 624 : index
        %get3A_321 = tpu.vector_load %arg17[%get3A_319, %get3A_320] {strides = array<i32>} : memref<8x1024xf32, #tpu.memory_space<vmem>>, vector<1x16xf32>,
        %get3A_322 = vector.shape_cast %get3A_321 : vector<1x16xf32> to vector<16xf32>
        %mul3A_323 = arith.mulf %broadcast_in_dim3A_276, %get3A_322 : vector<16xf32>
        %add3A_324 = arith.addf %add3A_273, %mul3A_323 : vector<16xf32>
        %slice3A_325 = vector.extract_strided_slice %get3A_71 {offsets = [5], sizes = [1], strides = [1]} : vector<16xf32> to vector<1xf32>
        %squeeze3A_326 = vector.extract %slice3A_325[0] : f32 from vector<1xf32>
        %broadcast_in_dim3A_327 = vector.broadcast %squeeze3A_326 : f32 to vector<16xf32>
        %get3A_328 = arith.index_cast %scan3A_67 : i32 to index
        %get3A_329 = arith.constant 640 : index
        %get3A_330 = tpu.vector_load %arg17[%get3A_328, %get3A_329] {strides = array<i32>} : memref<8x1024xf32, #tpu.memory_space<vmem>>, vector<1x16xf32>,
        %get3A_331 = vector.shape_cast %get3A_330 : vector<1x16xf32> to vector<16xf32>
        %mul3A_332 = arith.mulf %broadcast_in_dim3A_327, %get3A_331 : vector<16xf32>
        %add3A_333 = arith.addf %add3A_282, %mul3A_332 : vector<16xf32>
        %get3A_334 = arith.index_cast %scan3A_67 : i32 to index
        %get3A_335 = arith.constant 656 : index
        %get3A_336 = tpu.vector_load %arg17[%get3A_334, %get3A_335] {strides = array<i32>} : memref<8x1024xf32, #tpu.memory_space<vmem>>, vector<1x16xf32>,
        %get3A_337 = vector.shape_cast %get3A_336 : vector<1x16xf32> to vector<16xf32>
        %mul3A_338 = arith.mulf %broadcast_in_dim3A_327, %get3A_337 : vector<16xf32>
        %add3A_339 = arith.addf %add3A_288, %mul3A_338 : vector<16xf32>
        %get3A_340 = arith.index_cast %scan3A_67 : i32 to index
        %get3A_341 = arith.constant 672 : index
        %get3A_342 = tpu.vector_load %arg17[%get3A_340, %get3A_341] {strides = array<i32>} : memref<8x1024xf32, #tpu.memory_space<vmem>>, vector<1x16xf32>,
        %get3A_343 = vector.shape_cast %get3A_342 : vector<1x16xf32> to vector<16xf32>
        %mul3A_344 = arith.mulf %broadcast_in_dim3A_327, %get3A_343 : vector<16xf32>
        %add3A_345 = arith.addf %add3A_294, %mul3A_344 : vector<16xf32>
        %get3A_346 = arith.index_cast %scan3A_67 : i32 to index
        %get3A_347 = arith.constant 688 : index
        %get3A_348 = tpu.vector_load %arg17[%get3A_346, %get3A_347] {strides = array<i32>} : memref<8x1024xf32, #tpu.memory_space<vmem>>, vector<1x16xf32>,
        %get3A_349 = vector.shape_cast %get3A_348 : vector<1x16xf32> to vector<16xf32>
        %mul3A_350 = arith.mulf %broadcast_in_dim3A_327, %get3A_349 : vector<16xf32>
        %add3A_351 = arith.addf %add3A_300, %mul3A_350 : vector<16xf32>
        %get3A_352 = arith.index_cast %scan3A_67 : i32 to index
        %get3A_353 = arith.constant 704 : index
        %get3A_354 = tpu.vector_load %arg17[%get3A_352, %get3A_353] {strides = array<i32>} : memref<8x1024xf32, #tpu.memory_space<vmem>>, vector<1x16xf32>,
        %get3A_355 = vector.shape_cast %get3A_354 : vector<1x16xf32> to vector<16xf32>
        %mul3A_356 = arith.mulf %broadcast_in_dim3A_327, %get3A_355 : vector<16xf32>
        %add3A_357 = arith.addf %add3A_306, %mul3A_356 : vector<16xf32>
        %get3A_358 = arith.index_cast %scan3A_67 : i32 to index
        %get3A_359 = arith.constant 720 : index
        %get3A_360 = tpu.vector_load %arg17[%get3A_358, %get3A_359] {strides = array<i32>} : memref<8x1024xf32, #tpu.memory_space<vmem>>, vector<1x16xf32>,
        %get3A_361 = vector.shape_cast %get3A_360 : vector<1x16xf32> to vector<16xf32>
        %mul3A_362 = arith.mulf %broadcast_in_dim3A_327, %get3A_361 : vector<16xf32>
        %add3A_363 = arith.addf %add3A_312, %mul3A_362 : vector<16xf32>
        %get3A_364 = arith.index_cast %scan3A_67 : i32 to index
        %get3A_365 = arith.constant 736 : index
        %get3A_366 = tpu.vector_load %arg17[%get3A_364, %get3A_365] {strides = array<i32>} : memref<8x1024xf32, #tpu.memory_space<vmem>>, vector<1x16xf32>,
        %get3A_367 = vector.shape_cast %get3A_366 : vector<1x16xf32> to vector<16xf32>
        %mul3A_368 = arith.mulf %broadcast_in_dim3A_327, %get3A_367 : vector<16xf32>
        %add3A_369 = arith.addf %add3A_318, %mul3A_368 : vector<16xf32>
        %get3A_370 = arith.index_cast %scan3A_67 : i32 to index
        %get3A_371 = arith.constant 752 : index
        %get3A_372 = tpu.vector_load %arg17[%get3A_370, %get3A_371] {strides = array<i32>} : memref<8x1024xf32, #tpu.memory_space<vmem>>, vector<1x16xf32>,
        %get3A_373 = vector.shape_cast %get3A_372 : vector<1x16xf32> to vector<16xf32>
        %mul3A_374 = arith.mulf %broadcast_in_dim3A_327, %get3A_373 : vector<16xf32>
        %add3A_375 = arith.addf %add3A_324, %mul3A_374 : vector<16xf32>
        %slice3A_376 = vector.extract_strided_slice %get3A_71 {offsets = [6], sizes = [1], strides = [1]} : vector<16xf32> to vector<1xf32>
        %squeeze3A_377 = vector.extract %slice3A_376[0] : f32 from vector<1xf32>
        %broadcast_in_dim3A_378 = vector.broadcast %squeeze3A_377 : f32 to vector<16xf32>
        %get3A_379 = arith.index_cast %scan3A_67 : i32 to index
        %get3A_380 = arith.constant 768 : index
        %get3A_381 = tpu.vector_load %arg17[%get3A_379, %get3A_380] {strides = array<i32>} : memref<8x1024xf32, #tpu.memory_space<vmem>>, vector<1x16xf32>,
        %get3A_382 = vector.shape_cast %get3A_381 : vector<1x16xf32> to vector<16xf32>
        %mul3A_383 = arith.mulf %broadcast_in_dim3A_378, %get3A_382 : vector<16xf32>
        %add3A_384 = arith.addf %add3A_333, %mul3A_383 : vector<16xf32>
        %get3A_385 = arith.index_cast %scan3A_67 : i32 to index
        %get3A_386 = arith.constant 784 : index
        %get3A_387 = tpu.vector_load %arg17[%get3A_385, %get3A_386] {strides = array<i32>} : memref<8x1024xf32, #tpu.memory_space<vmem>>, vector<1x16xf32>,
        %get3A_388 = vector.shape_cast %get3A_387 : vector<1x16xf32> to vector<16xf32>
        %mul3A_389 = arith.mulf %broadcast_in_dim3A_378, %get3A_388 : vector<16xf32>
        %add3A_390 = arith.addf %add3A_339, %mul3A_389 : vector<16xf32>
        %get3A_391 = arith.index_cast %scan3A_67 : i32 to index
        %get3A_392 = arith.constant 800 : index
        %get3A_393 = tpu.vector_load %arg17[%get3A_391, %get3A_392] {strides = array<i32>} : memref<8x1024xf32, #tpu.memory_space<vmem>>, vector<1x16xf32>,
        %get3A_394 = vector.shape_cast %get3A_393 : vector<1x16xf32> to vector<16xf32>
        %mul3A_395 = arith.mulf %broadcast_in_dim3A_378, %get3A_394 : vector<16xf32>
        %add3A_396 = arith.addf %add3A_345, %mul3A_395 : vector<16xf32>
        %get3A_397 = arith.index_cast %scan3A_67 : i32 to index
        %get3A_398 = arith.constant 816 : index
        %get3A_399 = tpu.vector_load %arg17[%get3A_397, %get3A_398] {strides = array<i32>} : memref<8x1024xf32, #tpu.memory_space<vmem>>, vector<1x16xf32>,
        %get3A_400 = vector.shape_cast %get3A_399 : vector<1x16xf32> to vector<16xf32>
        %mul3A_401 = arith.mulf %broadcast_in_dim3A_378, %get3A_400 : vector<16xf32>
        %add3A_402 = arith.addf %add3A_351, %mul3A_401 : vector<16xf32>
        %get3A_403 = arith.index_cast %scan3A_67 : i32 to index
        %get3A_404 = arith.constant 832 : index
        %get3A_405 = tpu.vector_load %arg17[%get3A_403, %get3A_404] {strides = array<i32>} : memref<8x1024xf32, #tpu.memory_space<vmem>>, vector<1x16xf32>,
        %get3A_406 = vector.shape_cast %get3A_405 : vector<1x16xf32> to vector<16xf32>
        %mul3A_407 = arith.mulf %broadcast_in_dim3A_378, %get3A_406 : vector<16xf32>
        %add3A_408 = arith.addf %add3A_357, %mul3A_407 : vector<16xf32>
        %get3A_409 = arith.index_cast %scan3A_67 : i32 to index
        %get3A_410 = arith.constant 848 : index
        %get3A_411 = tpu.vector_load %arg17[%get3A_409, %get3A_410] {strides = array<i32>} : memref<8x1024xf32, #tpu.memory_space<vmem>>, vector<1x16xf32>,
        %get3A_412 = vector.shape_cast %get3A_411 : vector<1x16xf32> to vector<16xf32>
        %mul3A_413 = arith.mulf %broadcast_in_dim3A_378, %get3A_412 : vector<16xf32>
        %add3A_414 = arith.addf %add3A_363, %mul3A_413 : vector<16xf32>
        %get3A_415 = arith.index_cast %scan3A_67 : i32 to index
        %get3A_416 = arith.constant 864 : index
        %get3A_417 = tpu.vector_load %arg17[%get3A_415, %get3A_416] {strides = array<i32>} : memref<8x1024xf32, #tpu.memory_space<vmem>>, vector<1x16xf32>,
        %get3A_418 = vector.shape_cast %get3A_417 : vector<1x16xf32> to vector<16xf32>
        %mul3A_419 = arith.mulf %broadcast_in_dim3A_378, %get3A_418 : vector<16xf32>
        %add3A_420 = arith.addf %add3A_369, %mul3A_419 : vector<16xf32>
        %get3A_421 = arith.index_cast %scan3A_67 : i32 to index
        %get3A_422 = arith.constant 880 : index
        %get3A_423 = tpu.vector_load %arg17[%get3A_421, %get3A_422] {strides = array<i32>} : memref<8x1024xf32, #tpu.memory_space<vmem>>, vector<1x16xf32>,
        %get3A_424 = vector.shape_cast %get3A_423 : vector<1x16xf32> to vector<16xf32>
        %mul3A_425 = arith.mulf %broadcast_in_dim3A_378, %get3A_424 : vector<16xf32>
        %add3A_426 = arith.addf %add3A_375, %mul3A_425 : vector<16xf32>
        %slice3A_427 = vector.extract_strided_slice %get3A_71 {offsets = [7], sizes = [1], strides = [1]} : vector<16xf32> to vector<1xf32>
        %squeeze3A_428 = vector.extract %slice3A_427[0] : f32 from vector<1xf32>
        %broadcast_in_dim3A_429 = vector.broadcast %squeeze3A_428 : f32 to vector<16xf32>
        %get3A_430 = arith.index_cast %scan3A_67 : i32 to index
        %get3A_431 = arith.constant 896 : index
        %get3A_432 = tpu.vector_load %arg17[%get3A_430, %get3A_431] {strides = array<i32>} : memref<8x1024xf32, #tpu.memory_space<vmem>>, vector<1x16xf32>,
        %get3A_433 = vector.shape_cast %get3A_432 : vector<1x16xf32> to vector<16xf32>
        %mul3A_434 = arith.mulf %broadcast_in_dim3A_429, %get3A_433 : vector<16xf32>
        %add3A_435 = arith.addf %add3A_384, %mul3A_434 : vector<16xf32>
        %get3A_436 = arith.index_cast %scan3A_67 : i32 to index
        %get3A_437 = arith.constant 912 : index
        %get3A_438 = tpu.vector_load %arg17[%get3A_436, %get3A_437] {strides = array<i32>} : memref<8x1024xf32, #tpu.memory_space<vmem>>, vector<1x16xf32>,
        %get3A_439 = vector.shape_cast %get3A_438 : vector<1x16xf32> to vector<16xf32>
        %mul3A_440 = arith.mulf %broadcast_in_dim3A_429, %get3A_439 : vector<16xf32>
        %add3A_441 = arith.addf %add3A_390, %mul3A_440 : vector<16xf32>
        %get3A_442 = arith.index_cast %scan3A_67 : i32 to index
        %get3A_443 = arith.constant 928 : index
        %get3A_444 = tpu.vector_load %arg17[%get3A_442, %get3A_443] {strides = array<i32>} : memref<8x1024xf32, #tpu.memory_space<vmem>>, vector<1x16xf32>,
        %get3A_445 = vector.shape_cast %get3A_444 : vector<1x16xf32> to vector<16xf32>
        %mul3A_446 = arith.mulf %broadcast_in_dim3A_429, %get3A_445 : vector<16xf32>
        %add3A_447 = arith.addf %add3A_396, %mul3A_446 : vector<16xf32>
        %get3A_448 = arith.index_cast %scan3A_67 : i32 to index
        %get3A_449 = arith.constant 944 : index
        %get3A_450 = tpu.vector_load %arg17[%get3A_448, %get3A_449] {strides = array<i32>} : memref<8x1024xf32, #tpu.memory_space<vmem>>, vector<1x16xf32>,
        %get3A_451 = vector.shape_cast %get3A_450 : vector<1x16xf32> to vector<16xf32>
        %mul3A_452 = arith.mulf %broadcast_in_dim3A_429, %get3A_451 : vector<16xf32>
        %add3A_453 = arith.addf %add3A_402, %mul3A_452 : vector<16xf32>
        %get3A_454 = arith.index_cast %scan3A_67 : i32 to index
        %get3A_455 = arith.constant 960 : index
        %get3A_456 = tpu.vector_load %arg17[%get3A_454, %get3A_455] {strides = array<i32>} : memref<8x1024xf32, #tpu.memory_space<vmem>>, vector<1x16xf32>,
        %get3A_457 = vector.shape_cast %get3A_456 : vector<1x16xf32> to vector<16xf32>
        %mul3A_458 = arith.mulf %broadcast_in_dim3A_429, %get3A_457 : vector<16xf32>
        %add3A_459 = arith.addf %add3A_408, %mul3A_458 : vector<16xf32>
        %get3A_460 = arith.index_cast %scan3A_67 : i32 to index
        %get3A_461 = arith.constant 976 : index
        %get3A_462 = tpu.vector_load %arg17[%get3A_460, %get3A_461] {strides = array<i32>} : memref<8x1024xf32, #tpu.memory_space<vmem>>, vector<1x16xf32>,
        %get3A_463 = vector.shape_cast %get3A_462 : vector<1x16xf32> to vector<16xf32>
        %mul3A_464 = arith.mulf %broadcast_in_dim3A_429, %get3A_463 : vector<16xf32>
        %add3A_465 = arith.addf %add3A_414, %mul3A_464 : vector<16xf32>
        %get3A_466 = arith.index_cast %scan3A_67 : i32 to index
        %get3A_467 = arith.constant 992 : index
        %get3A_468 = tpu.vector_load %arg17[%get3A_466, %get3A_467] {strides = array<i32>} : memref<8x1024xf32, #tpu.memory_space<vmem>>, vector<1x16xf32>,
        %get3A_469 = vector.shape_cast %get3A_468 : vector<1x16xf32> to vector<16xf32>
        %mul3A_470 = arith.mulf %broadcast_in_dim3A_429, %get3A_469 : vector<16xf32>
        %add3A_471 = arith.addf %add3A_420, %mul3A_470 : vector<16xf32>
        %get3A_472 = arith.index_cast %scan3A_67 : i32 to index
        %get3A_473 = arith.constant 1008 : index
        %get3A_474 = tpu.vector_load %arg17[%get3A_472, %get3A_473] {strides = array<i32>} : memref<8x1024xf32, #tpu.memory_space<vmem>>, vector<1x16xf32>,
        %get3A_475 = vector.shape_cast %get3A_474 : vector<1x16xf32> to vector<16xf32>
        %mul3A_476 = arith.mulf %broadcast_in_dim3A_429, %get3A_475 : vector<16xf32>
        %add3A_477 = arith.addf %add3A_426, %mul3A_476 : vector<16xf32>
        %swap3A = arith.index_cast %scan3A_67 : i32 to index
        %swap3A_478 = arith.constant 0 : index
        %swap3A_479 = tpu.vector_load %arg22[%swap3A, %swap3A_478] {strides = array<i32>} : memref<8x128xf32, #tpu.memory_space<vmem>>, vector<1x16xf32>,
        %swap3A_480 = vector.shape_cast %swap3A_479 : vector<1x16xf32> to vector<16xf32>
        %swap3A_481 = vector.shape_cast %add3A_435 : vector<16xf32> to vector<1x16xf32>
        tpu.vector_store %arg22[%swap3A, %swap3A_478], %swap3A_481 {strides = array<i32>} : memref<8x128xf32, #tpu.memory_space<vmem>>, vector<1x16xf32>,
        %swap3A_482 = arith.index_cast %scan3A_67 : i32 to index
        %swap3A_483 = arith.constant 16 : index
        %swap3A_484 = tpu.vector_load %arg22[%swap3A_482, %swap3A_483] {strides = array<i32>} : memref<8x128xf32, #tpu.memory_space<vmem>>, vector<1x16xf32>,
        %swap3A_485 = vector.shape_cast %swap3A_484 : vector<1x16xf32> to vector<16xf32>
        %swap3A_486 = vector.shape_cast %add3A_441 : vector<16xf32> to vector<1x16xf32>
        tpu.vector_store %arg22[%swap3A_482, %swap3A_483], %swap3A_486 {strides = array<i32>} : memref<8x128xf32, #tpu.memory_space<vmem>>, vector<1x16xf32>,
        %swap3A_487 = arith.index_cast %scan3A_67 : i32 to index
        %swap3A_488 = arith.constant 32 : index
        %swap3A_489 = tpu.vector_load %arg22[%swap3A_487, %swap3A_488] {strides = array<i32>} : memref<8x128xf32, #tpu.memory_space<vmem>>, vector<1x16xf32>,
        %swap3A_490 = vector.shape_cast %swap3A_489 : vector<1x16xf32> to vector<16xf32>
        %swap3A_491 = vector.shape_cast %add3A_447 : vector<16xf32> to vector<1x16xf32>
        tpu.vector_store %arg22[%swap3A_487, %swap3A_488], %swap3A_491 {strides = array<i32>} : memref<8x128xf32, #tpu.memory_space<vmem>>, vector<1x16xf32>,
        %swap3A_492 = arith.index_cast %scan3A_67 : i32 to index
        %swap3A_493 = arith.constant 48 : index
        %swap3A_494 = tpu.vector_load %arg22[%swap3A_492, %swap3A_493] {strides = array<i32>} : memref<8x128xf32, #tpu.memory_space<vmem>>, vector<1x16xf32>,
        %swap3A_495 = vector.shape_cast %swap3A_494 : vector<1x16xf32> to vector<16xf32>
        %swap3A_496 = vector.shape_cast %add3A_453 : vector<16xf32> to vector<1x16xf32>
        tpu.vector_store %arg22[%swap3A_492, %swap3A_493], %swap3A_496 {strides = array<i32>} : memref<8x128xf32, #tpu.memory_space<vmem>>, vector<1x16xf32>,
        %swap3A_497 = arith.index_cast %scan3A_67 : i32 to index
        %swap3A_498 = arith.constant 64 : index
        %swap3A_499 = tpu.vector_load %arg22[%swap3A_497, %swap3A_498] {strides = array<i32>} : memref<8x128xf32, #tpu.memory_space<vmem>>, vector<1x16xf32>,
        %swap3A_500 = vector.shape_cast %swap3A_499 : vector<1x16xf32> to vector<16xf32>
        %swap3A_501 = vector.shape_cast %add3A_459 : vector<16xf32> to vector<1x16xf32>
        tpu.vector_store %arg22[%swap3A_497, %swap3A_498], %swap3A_501 {strides = array<i32>} : memref<8x128xf32, #tpu.memory_space<vmem>>, vector<1x16xf32>,
        %swap3A_502 = arith.index_cast %scan3A_67 : i32 to index
        %swap3A_503 = arith.constant 80 : index
        %swap3A_504 = tpu.vector_load %arg22[%swap3A_502, %swap3A_503] {strides = array<i32>} : memref<8x128xf32, #tpu.memory_space<vmem>>, vector<1x16xf32>,
        %swap3A_505 = vector.shape_cast %swap3A_504 : vector<1x16xf32> to vector<16xf32>
        %swap3A_506 = vector.shape_cast %add3A_465 : vector<16xf32> to vector<1x16xf32>
        tpu.vector_store %arg22[%swap3A_502, %swap3A_503], %swap3A_506 {strides = array<i32>} : memref<8x128xf32, #tpu.memory_space<vmem>>, vector<1x16xf32>,
        %swap3A_507 = arith.index_cast %scan3A_67 : i32 to index
        %swap3A_508 = arith.constant 96 : index
        %swap3A_509 = tpu.vector_load %arg22[%swap3A_507, %swap3A_508] {strides = array<i32>} : memref<8x128xf32, #tpu.memory_space<vmem>>, vector<1x16xf32>,
        %swap3A_510 = vector.shape_cast %swap3A_509 : vector<1x16xf32> to vector<16xf32>
        %swap3A_511 = vector.shape_cast %add3A_471 : vector<16xf32> to vector<1x16xf32>
        tpu.vector_store %arg22[%swap3A_507, %swap3A_508], %swap3A_511 {strides = array<i32>} : memref<8x128xf32, #tpu.memory_space<vmem>>, vector<1x16xf32>,
        %swap3A_512 = arith.index_cast %scan3A_67 : i32 to index
        %swap3A_513 = arith.constant 112 : index
        %swap3A_514 = tpu.vector_load %arg22[%swap3A_512, %swap3A_513] {strides = array<i32>} : memref<8x128xf32, #tpu.memory_space<vmem>>, vector<1x16xf32>,
        %swap3A_515 = vector.shape_cast %swap3A_514 : vector<1x16xf32> to vector<16xf32>
        %swap3A_516 = vector.shape_cast %add3A_477 : vector<16xf32> to vector<1x16xf32>
        tpu.vector_store %arg22[%swap3A_512, %swap3A_513], %swap3A_516 {strides = array<i32>} : memref<8x128xf32, #tpu.memory_space<vmem>>, vector<1x16xf32>,
      }
      %scan3A_66 = arith.constant 8 : i32
      "tpu.region"() ({
        %run_scoped3A = tpu.sem_alloc : memref<!tpu.dma_semaphore, #tpu.memory_space<semaphore_mem>>
        %dma_start3A = arith.constant 0 : i32
        %dma_start3A_67 = arith.constant 0 : i32
        %dma_start3A_68 = tpu.memref_slice %arg9[%dma_start3A, %dma_start3A_67] : memref<10000x128xf32, #tpu.memory_space<vmem_shared>> -> memref<10000x128xf32, #tpu.memory_space<vmem_shared>>
        tpu.enqueue_indirect_dma source(%arg22 : memref<8x128xf32, #tpu.memory_space<vmem>>) target(%dma_start3A_68 : memref<10000x128xf32, #tpu.memory_space<vmem_shared>>) offsets(%arg16 : memref<8xi32, #tpu.memory_space<vmem>>) semaphore(%run_scoped3A : memref<!tpu.dma_semaphore, #tpu.memory_space<semaphore_mem>>) {add = true}
        %dma_wait3A = arith.constant 0 : i32
        %dma_wait3A_69 = arith.constant 0 : i32
        %dma_wait3A_70 = tpu.memref_slice %arg9[%dma_wait3A, %dma_wait3A_69] : memref<10000x128xf32, #tpu.memory_space<vmem_shared>> -> memref<10000x128xf32, #tpu.memory_space<vmem_shared>>
        tpu.wait_indirect_dma semaphore(%run_scoped3A : memref<!tpu.dma_semaphore, #tpu.memory_space<semaphore_mem>>) src(%arg22 : memref<8x128xf32, #tpu.memory_space<vmem>>) dst(%dma_wait3A_70 : memref<10000x128xf32, #tpu.memory_space<vmem_shared>>)
        tpu.yield
      }) : () -> ()
    }
    %scan3A_42 = arith.constant 1250 : i32
    %barrier3A_43 = arith.constant 0 : index
    tpu.barrier barrier_id(%barrier3A_43)
    %scan3A_44 = arith.constant 0 : i32
    %scan3A_45 = arith.constant 79 : i32
    %scan3A_46 = arith.addi %scan3A_44, %scan3A_45 : i32
    %scan3A_47 = arith.constant 1 : i32
    scf.for %scan3A_49 = %scan3A_44 to %scan3A_46 step %scan3A_47  : i32 {
      %mul3A = arith.constant 16 : i32
      %mul3A_50 = arith.muli %scan3A_49, %mul3A : i32
      %add3A_51 = arith.addi %arg1, %mul3A_50 : i32
      %lt3A_52 = arith.constant 1250 : i32
      %lt3A_53 = arith.cmpi slt, %add3A_51, %lt3A_52 : i32
      %convert_element_type3A = arith.extui %lt3A_53 : i1 to i32
      %cond3A = arith.constant 0 : i32
      %cond3A_54 = arith.cmpi ne, %convert_element_type3A, %cond3A : i32
      scf.if %cond3A_54 {
        %mul3A_55 = arith.constant 8 : i32
        %mul3A_56 = arith.muli %add3A_51, %mul3A_55 : i32
        "tpu.region"() ({
          %run_scoped3A = tpu.sem_alloc : memref<!tpu.dma_semaphore, #tpu.memory_space<semaphore_mem>>
          %dma_start3A = arith.constant 0 : i32
          %dma_start3A_57 = tpu.memref_slice %arg9[%mul3A_56, %dma_start3A] : memref<10000x128xf32, #tpu.memory_space<vmem_shared>> -> memref<8x128xf32, #tpu.memory_space<vmem_shared>>
          %dma_start3A_58 = arith.constant 0 : i32
          %dma_start3A_59 = tpu.memref_slice %arg9[%mul3A_56, %dma_start3A_58] : memref<10000x128xf32, #tpu.memory_space<vmem_shared>> -> memref<8x128xf32, #tpu.memory_space<vmem_shared>>
          tpu.enqueue_dma source(%dma_start3A_59 : memref<8x128xf32, #tpu.memory_space<vmem_shared>>) target(%arg24 : memref<8x128xf32, #tpu.memory_space<vmem>>) target_semaphore(%run_scoped3A : memref<!tpu.dma_semaphore, #tpu.memory_space<semaphore_mem>>)
          %dma_wait3A = arith.constant 0 : i32
          %dma_wait3A_60 = tpu.memref_slice %arg9[%mul3A_56, %dma_wait3A] : memref<10000x128xf32, #tpu.memory_space<vmem_shared>> -> memref<8x128xf32, #tpu.memory_space<vmem_shared>>
          %dma_wait3A_61 = arith.constant 0 : i32
          %dma_wait3A_62 = tpu.memref_slice %arg9[%mul3A_56, %dma_wait3A_61] : memref<10000x128xf32, #tpu.memory_space<vmem_shared>> -> memref<8x128xf32, #tpu.memory_space<vmem_shared>>
          tpu.wait_dma2 semaphore(%run_scoped3A : memref<!tpu.dma_semaphore, #tpu.memory_space<semaphore_mem>>) src(%dma_wait3A_62 : memref<8x128xf32, #tpu.memory_space<vmem_shared>>) dst(%arg24 : memref<8x128xf32, #tpu.memory_space<vmem>>)
          tpu.yield
        }) : () -> ()
        "tpu.region"() ({
          %run_scoped3A = tpu.sem_alloc : memref<!tpu.dma_semaphore, #tpu.memory_space<semaphore_mem>>
          %dma_start3A = arith.constant 0 : i32
          %dma_start3A_57 = tpu.memref_slice %arg6[%arg0, %mul3A_56, %dma_start3A] : memref<2x10000x128xf32, #tpu.memory_space<hbm>> -> memref<1x8x128xf32, #tpu.memory_space<hbm>>
          %dma_start3A_58 = tpu.memref_squeeze %dma_start3A_57 : memref<1x8x128xf32, #tpu.memory_space<hbm>> -> memref<8x128xf32, #tpu.memory_space<hbm>>
          %dma_start3A_59 = arith.constant 0 : i32
          %dma_start3A_60 = tpu.memref_slice %arg6[%arg0, %mul3A_56, %dma_start3A_59] : memref<2x10000x128xf32, #tpu.memory_space<hbm>> -> memref<1x8x128xf32, #tpu.memory_space<hbm>>
          %dma_start3A_61 = tpu.memref_squeeze %dma_start3A_60 : memref<1x8x128xf32, #tpu.memory_space<hbm>> -> memref<8x128xf32, #tpu.memory_space<hbm>>
          tpu.enqueue_dma source(%arg24 : memref<8x128xf32, #tpu.memory_space<vmem>>) target(%dma_start3A_61 : memref<8x128xf32, #tpu.memory_space<hbm>>) target_semaphore(%run_scoped3A : memref<!tpu.dma_semaphore, #tpu.memory_space<semaphore_mem>>)
          %dma_wait3A = arith.constant 0 : i32
          %dma_wait3A_62 = tpu.memref_slice %arg6[%arg0, %mul3A_56, %dma_wait3A] : memref<2x10000x128xf32, #tpu.memory_space<hbm>> -> memref<1x8x128xf32, #tpu.memory_space<hbm>>
          %dma_wait3A_63 = tpu.memref_squeeze %dma_wait3A_62 : memref<1x8x128xf32, #tpu.memory_space<hbm>> -> memref<8x128xf32, #tpu.memory_space<hbm>>
          %dma_wait3A_64 = arith.constant 0 : i32
          %dma_wait3A_65 = tpu.memref_slice %arg6[%arg0, %mul3A_56, %dma_wait3A_64] : memref<2x10000x128xf32, #tpu.memory_space<hbm>> -> memref<1x8x128xf32, #tpu.memory_space<hbm>>
          %dma_wait3A_66 = tpu.memref_squeeze %dma_wait3A_65 : memref<1x8x128xf32, #tpu.memory_space<hbm>> -> memref<8x128xf32, #tpu.memory_space<hbm>>
          tpu.wait_dma2 semaphore(%run_scoped3A : memref<!tpu.dma_semaphore, #tpu.memory_space<semaphore_mem>>) src(%arg24 : memref<8x128xf32, #tpu.memory_space<vmem>>) dst(%dma_wait3A_66 : memref<8x128xf32, #tpu.memory_space<hbm>>)
          tpu.yield
        }) : () -> ()
      } else {
      }
    }
    %scan3A_48 = arith.constant 79 : i32
    return
  }
}

module attributes {stable_mosaic.version = 14 : i64} {
  func.func @body(%arg0: i32, %arg1: memref<400x128xf32, #tpu.memory_space<vmem>>, %arg2: memref<128x1024xf32, #tpu.memory_space<vmem>>, %arg3: memref<128x16xf32, #tpu.memory_space<vmem>>, %arg4: memref<400x1024xf32, #tpu.memory_space<vmem>>, %arg5: memref<400x16xf32, #tpu.memory_space<vmem>>) attributes {dimension_semantics = [#tpu.dimension_semantics<arbitrary>], iteration_bounds = array<i64: 25>, scalar_prefetch = 0 : i64, scratch_operands = 0 : i64, tpu.core_type = #tpu.core_type<tc>, window_params = [{transform_indices = @transform_0, window_bounds = array<i64: 400, 128>}, {pipeline_mode = #tpu.pipeline_mode<synchronous>, transform_indices = @transform_1, window_bounds = array<i64: 128, 1024>}, {pipeline_mode = #tpu.pipeline_mode<synchronous>, transform_indices = @transform_2, window_bounds = array<i64: 128, 16>}, {transform_indices = @transform_3, window_bounds = array<i64: 400, 1024>}, {transform_indices = @transform_4, window_bounds = array<i64: 400, 16>}]} {
    %get3A = arith.constant 0 : index
    %get3A_0 = arith.constant 0 : index
    %get3A_1 = vector.load %arg1[%get3A, %get3A_0] : memref<400x128xf32, #tpu.memory_space<vmem>>, vector<400x128xf32>
    %get3A_2 = arith.constant 0 : index
    %get3A_3 = arith.constant 0 : index
    %get3A_4 = vector.load %arg2[%get3A_2, %get3A_3] : memref<128x1024xf32, #tpu.memory_space<vmem>>, vector<128x1024xf32>
    %dot_general3A = arith.constant dense<0.000000e+00> : vector<400x1024xf32>
    %dot_general3A_5 = tpu.matmul %get3A_1, %get3A_4, %dot_general3A {dimension_numbers = #tpu.dot_dimension_numbers<[1], [0], [0], [1], [0, 0, 1, 1], [], []>, transpose_lhs_hint = false} : vector<400x128xf32>, vector<128x1024xf32>, vector<400x1024xf32> -> vector<400x1024xf32>
    %swap3A = arith.constant 0 : index
    %swap3A_6 = arith.constant 0 : index
    %swap3A_7 = vector.load %arg4[%swap3A, %swap3A_6] : memref<400x1024xf32, #tpu.memory_space<vmem>>, vector<400x1024xf32>
    tpu.vector_store %arg4[%swap3A, %swap3A_6], %dot_general3A_5 {strides = array<i32>} : memref<400x1024xf32, #tpu.memory_space<vmem>>, vector<400x1024xf32>,
    %get3A_8 = arith.constant 0 : index
    %get3A_9 = arith.constant 0 : index
    %get3A_10 = vector.load %arg3[%get3A_8, %get3A_9] : memref<128x16xf32, #tpu.memory_space<vmem>>, vector<128x16xf32>
    %dot_general3A_11 = arith.constant dense<0.000000e+00> : vector<400x16xf32>
    %dot_general3A_12 = tpu.matmul %get3A_1, %get3A_10, %dot_general3A_11 {dimension_numbers = #tpu.dot_dimension_numbers<[1], [0], [0], [1], [0, 0, 1, 1], [], []>, transpose_lhs_hint = false} : vector<400x128xf32>, vector<128x16xf32>, vector<400x16xf32> -> vector<400x16xf32>
    %swap3A_13 = arith.constant 0 : index
    %swap3A_14 = arith.constant 0 : index
    %swap3A_15 = vector.load %arg5[%swap3A_13, %swap3A_14] : memref<400x16xf32, #tpu.memory_space<vmem>>, vector<400x16xf32>
    tpu.vector_store %arg5[%swap3A_13, %swap3A_14], %dot_general3A_12 {strides = array<i32>} : memref<400x16xf32, #tpu.memory_space<vmem>>, vector<400x16xf32>,
    return
  }
  func.func @transform_0(%arg0: i32) -> (i32, i32) {
    %c0_i32 = arith.constant 0 : i32
    %c0_i32_0 = arith.constant 0 : i32
    return %arg0, %c0_i32 : i32, i32
  }
  func.func @transform_1(%arg0: i32) -> (i32, i32) {
    %c0_i32 = arith.constant 0 : i32
    %c0_i32_0 = arith.constant 0 : i32
    %c0_i32_1 = arith.constant 0 : i32
    return %c0_i32, %c0_i32_0 : i32, i32
  }
  func.func @transform_2(%arg0: i32) -> (i32, i32) {
    %c0_i32 = arith.constant 0 : i32
    %c0_i32_0 = arith.constant 0 : i32
    %c0_i32_1 = arith.constant 0 : i32
    return %c0_i32, %c0_i32_0 : i32, i32
  }
  func.func @transform_3(%arg0: i32) -> (i32, i32) {
    %c0_i32 = arith.constant 0 : i32
    %c0_i32_0 = arith.constant 0 : i32
    return %arg0, %c0_i32 : i32, i32
  }
  func.func @transform_4(%arg0: i32) -> (i32, i32) {
    %c0_i32 = arith.constant 0 : i32
    %c0_i32_0 = arith.constant 0 : i32
    return %arg0, %c0_i32 : i32, i32
  }
}

module attributes {stable_mosaic.version = 14 : i64} {
  func.func @body(%arg0: i32, %arg1: memref<400x128xf32, #tpu.memory_space<vmem>>, %arg2: memref<400x128xf32, #tpu.memory_space<vmem>>, %arg3: memref<1x128xf32, #tpu.memory_space<vmem>>, %arg4: memref<128x1024xf32, #tpu.memory_space<vmem>>, %arg5: memref<128x16xf32, #tpu.memory_space<vmem>>, %arg6: memref<400x1024xf32, #tpu.memory_space<vmem>>, %arg7: memref<400x16xf32, #tpu.memory_space<vmem>>) attributes {dimension_semantics = [#tpu.dimension_semantics<arbitrary>], iteration_bounds = array<i64: 25>, scalar_prefetch = 0 : i64, scratch_operands = 0 : i64, tpu.core_type = #tpu.core_type<tc>, window_params = [{transform_indices = @transform_0, window_bounds = array<i64: 400, 128>}, {transform_indices = @transform_1, window_bounds = array<i64: 400, 128>}, {pipeline_mode = #tpu.pipeline_mode<synchronous>, transform_indices = @transform_2, window_bounds = array<i64: 1, 128>}, {pipeline_mode = #tpu.pipeline_mode<synchronous>, transform_indices = @transform_3, window_bounds = array<i64: 128, 1024>}, {pipeline_mode = #tpu.pipeline_mode<synchronous>, transform_indices = @transform_4, window_bounds = array<i64: 128, 16>}, {transform_indices = @transform_5, window_bounds = array<i64: 400, 1024>}, {transform_indices = @transform_6, window_bounds = array<i64: 400, 16>}]} {
    %get3A = arith.constant 0 : index
    %get3A_0 = arith.constant 0 : index
    %get3A_1 = vector.load %arg1[%get3A, %get3A_0] : memref<400x128xf32, #tpu.memory_space<vmem>>, vector<400x128xf32>
    %get3A_2 = arith.constant 0 : index
    %get3A_3 = arith.constant 0 : index
    %get3A_4 = vector.load %arg2[%get3A_2, %get3A_3] : memref<400x128xf32, #tpu.memory_space<vmem>>, vector<400x128xf32>
    %add3A = arith.addf %get3A_1, %get3A_4 : vector<400x128xf32>
    %mul3A = arith.constant 1.250000e-01 : f32
    %mul3A_5 = vector.broadcast %mul3A : f32 to vector<400x128xf32>
    %mul3A_6 = arith.mulf %add3A, %mul3A_5 : vector<400x128xf32>
    %get3A_7 = arith.constant 0 : index
    %get3A_8 = arith.constant 0 : index
    %get3A_9 = vector.load %arg3[%get3A_7, %get3A_8] : memref<1x128xf32, #tpu.memory_space<vmem>>, vector<1x128xf32>
    %add3A_10 = vector.broadcast %get3A_9 : vector<1x128xf32> to vector<400x128xf32>
    %add3A_11 = arith.addf %mul3A_6, %add3A_10 : vector<400x128xf32>
    %gt3A = arith.constant 0.000000e+00 : f32
    %gt3A_12 = vector.broadcast %gt3A : f32 to vector<400x128xf32>
    %gt3A_13 = arith.cmpf ogt, %add3A_11, %gt3A_12 : vector<400x128xf32>
    %exp3A = math.exp %add3A_11 : vector<400x128xf32>
    %sub3A = arith.constant 1.000000e+00 : f32
    %sub3A_14 = vector.broadcast %sub3A : f32 to vector<400x128xf32>
    %sub3A_15 = arith.subf %exp3A, %sub3A_14 : vector<400x128xf32>
    %select_n3A = arith.select %gt3A_13, %add3A_11, %sub3A_15 : vector<400x128xi1>, vector<400x128xf32>
    %get3A_16 = arith.constant 0 : index
    %get3A_17 = arith.constant 0 : index
    %get3A_18 = vector.load %arg4[%get3A_16, %get3A_17] : memref<128x1024xf32, #tpu.memory_space<vmem>>, vector<128x1024xf32>
    %dot_general3A = arith.constant dense<0.000000e+00> : vector<400x1024xf32>
    %dot_general3A_19 = tpu.matmul %select_n3A, %get3A_18, %dot_general3A {dimension_numbers = #tpu.dot_dimension_numbers<[1], [0], [0], [1], [0, 0, 1, 1], [], []>, transpose_lhs_hint = false} : vector<400x128xf32>, vector<128x1024xf32>, vector<400x1024xf32> -> vector<400x1024xf32>
    %swap3A = arith.constant 0 : index
    %swap3A_20 = arith.constant 0 : index
    %swap3A_21 = vector.load %arg6[%swap3A, %swap3A_20] : memref<400x1024xf32, #tpu.memory_space<vmem>>, vector<400x1024xf32>
    tpu.vector_store %arg6[%swap3A, %swap3A_20], %dot_general3A_19 {strides = array<i32>} : memref<400x1024xf32, #tpu.memory_space<vmem>>, vector<400x1024xf32>,
    %get3A_22 = arith.constant 0 : index
    %get3A_23 = arith.constant 0 : index
    %get3A_24 = vector.load %arg5[%get3A_22, %get3A_23] : memref<128x16xf32, #tpu.memory_space<vmem>>, vector<128x16xf32>
    %dot_general3A_25 = arith.constant dense<0.000000e+00> : vector<400x16xf32>
    %dot_general3A_26 = tpu.matmul %select_n3A, %get3A_24, %dot_general3A_25 {dimension_numbers = #tpu.dot_dimension_numbers<[1], [0], [0], [1], [0, 0, 1, 1], [], []>, transpose_lhs_hint = false} : vector<400x128xf32>, vector<128x16xf32>, vector<400x16xf32> -> vector<400x16xf32>
    %swap3A_27 = arith.constant 0 : index
    %swap3A_28 = arith.constant 0 : index
    %swap3A_29 = vector.load %arg7[%swap3A_27, %swap3A_28] : memref<400x16xf32, #tpu.memory_space<vmem>>, vector<400x16xf32>
    tpu.vector_store %arg7[%swap3A_27, %swap3A_28], %dot_general3A_26 {strides = array<i32>} : memref<400x16xf32, #tpu.memory_space<vmem>>, vector<400x16xf32>,
    return
  }
  func.func @transform_0(%arg0: i32) -> (i32, i32) {
    %c0_i32 = arith.constant 0 : i32
    %c0_i32_0 = arith.constant 0 : i32
    return %arg0, %c0_i32 : i32, i32
  }
  func.func @transform_1(%arg0: i32) -> (i32, i32) {
    %c0_i32 = arith.constant 0 : i32
    %c0_i32_0 = arith.constant 0 : i32
    return %arg0, %c0_i32 : i32, i32
  }
  func.func @transform_2(%arg0: i32) -> (i32, i32) {
    %c0_i32 = arith.constant 0 : i32
    %c0_i32_0 = arith.constant 0 : i32
    %c0_i32_1 = arith.constant 0 : i32
    return %c0_i32, %c0_i32_0 : i32, i32
  }
  func.func @transform_3(%arg0: i32) -> (i32, i32) {
    %c0_i32 = arith.constant 0 : i32
    %c0_i32_0 = arith.constant 0 : i32
    %c0_i32_1 = arith.constant 0 : i32
    return %c0_i32, %c0_i32_0 : i32, i32
  }
  func.func @transform_4(%arg0: i32) -> (i32, i32) {
    %c0_i32 = arith.constant 0 : i32
    %c0_i32_0 = arith.constant 0 : i32
    %c0_i32_1 = arith.constant 0 : i32
    return %c0_i32, %c0_i32_0 : i32, i32
  }
  func.func @transform_5(%arg0: i32) -> (i32, i32) {
    %c0_i32 = arith.constant 0 : i32
    %c0_i32_0 = arith.constant 0 : i32
    return %arg0, %c0_i32 : i32, i32
  }
  func.func @transform_6(%arg0: i32) -> (i32, i32) {
    %c0_i32 = arith.constant 0 : i32
    %c0_i32_0 = arith.constant 0 : i32
    return %arg0, %c0_i32 : i32, i32
  }
}

module attributes {stable_mosaic.version = 14 : i64} {
  func.func @body(%arg0: i32, %arg1: memref<400x128xf32, #tpu.memory_space<vmem>>, %arg2: memref<400x128xf32, #tpu.memory_space<vmem>>, %arg3: memref<1x128xf32, #tpu.memory_space<vmem>>, %arg4: memref<128x128xf32, #tpu.memory_space<vmem>>, %arg5: memref<1x128xf32, #tpu.memory_space<vmem>>, %arg6: memref<400x128xf32, #tpu.memory_space<vmem>>) attributes {dimension_semantics = [#tpu.dimension_semantics<arbitrary>], iteration_bounds = array<i64: 25>, scalar_prefetch = 0 : i64, scratch_operands = 0 : i64, tpu.core_type = #tpu.core_type<tc>, window_params = [{transform_indices = @transform_0, window_bounds = array<i64: 400, 128>}, {transform_indices = @transform_1, window_bounds = array<i64: 400, 128>}, {pipeline_mode = #tpu.pipeline_mode<synchronous>, transform_indices = @transform_2, window_bounds = array<i64: 1, 128>}, {pipeline_mode = #tpu.pipeline_mode<synchronous>, transform_indices = @transform_3, window_bounds = array<i64: 128, 128>}, {pipeline_mode = #tpu.pipeline_mode<synchronous>, transform_indices = @transform_4, window_bounds = array<i64: 1, 128>}, {transform_indices = @transform_5, window_bounds = array<i64: 400, 128>}]} {
    %get3A = arith.constant 0 : index
    %get3A_0 = arith.constant 0 : index
    %get3A_1 = vector.load %arg1[%get3A, %get3A_0] : memref<400x128xf32, #tpu.memory_space<vmem>>, vector<400x128xf32>
    %get3A_2 = arith.constant 0 : index
    %get3A_3 = arith.constant 0 : index
    %get3A_4 = vector.load %arg2[%get3A_2, %get3A_3] : memref<400x128xf32, #tpu.memory_space<vmem>>, vector<400x128xf32>
    %add3A = arith.addf %get3A_1, %get3A_4 : vector<400x128xf32>
    %mul3A = arith.constant 1.250000e-01 : f32
    %mul3A_5 = vector.broadcast %mul3A : f32 to vector<400x128xf32>
    %mul3A_6 = arith.mulf %add3A, %mul3A_5 : vector<400x128xf32>
    %get3A_7 = arith.constant 0 : index
    %get3A_8 = arith.constant 0 : index
    %get3A_9 = vector.load %arg3[%get3A_7, %get3A_8] : memref<1x128xf32, #tpu.memory_space<vmem>>, vector<1x128xf32>
    %add3A_10 = vector.broadcast %get3A_9 : vector<1x128xf32> to vector<400x128xf32>
    %add3A_11 = arith.addf %mul3A_6, %add3A_10 : vector<400x128xf32>
    %gt3A = arith.constant 0.000000e+00 : f32
    %gt3A_12 = vector.broadcast %gt3A : f32 to vector<400x128xf32>
    %gt3A_13 = arith.cmpf ogt, %add3A_11, %gt3A_12 : vector<400x128xf32>
    %exp3A = math.exp %add3A_11 : vector<400x128xf32>
    %sub3A = arith.constant 1.000000e+00 : f32
    %sub3A_14 = vector.broadcast %sub3A : f32 to vector<400x128xf32>
    %sub3A_15 = arith.subf %exp3A, %sub3A_14 : vector<400x128xf32>
    %select_n3A = arith.select %gt3A_13, %add3A_11, %sub3A_15 : vector<400x128xi1>, vector<400x128xf32>
    %get3A_16 = arith.constant 0 : index
    %get3A_17 = arith.constant 0 : index
    %get3A_18 = vector.load %arg4[%get3A_16, %get3A_17] : memref<128x128xf32, #tpu.memory_space<vmem>>, vector<128x128xf32>
    %dot_general3A = arith.constant dense<0.000000e+00> : vector<400x128xf32>
    %dot_general3A_19 = tpu.matmul %select_n3A, %get3A_18, %dot_general3A {dimension_numbers = #tpu.dot_dimension_numbers<[1], [0], [0], [1], [0, 0, 1, 1], [], []>, transpose_lhs_hint = false} : vector<400x128xf32>, vector<128x128xf32>, vector<400x128xf32> -> vector<400x128xf32>
    %get3A_20 = arith.constant 0 : index
    %get3A_21 = arith.constant 0 : index
    %get3A_22 = vector.load %arg5[%get3A_20, %get3A_21] : memref<1x128xf32, #tpu.memory_space<vmem>>, vector<1x128xf32>
    %add3A_23 = vector.broadcast %get3A_22 : vector<1x128xf32> to vector<400x128xf32>
    %add3A_24 = arith.addf %dot_general3A_19, %add3A_23 : vector<400x128xf32>
    %swap3A = arith.constant 0 : index
    %swap3A_25 = arith.constant 0 : index
    %swap3A_26 = vector.load %arg6[%swap3A, %swap3A_25] : memref<400x128xf32, #tpu.memory_space<vmem>>, vector<400x128xf32>
    tpu.vector_store %arg6[%swap3A, %swap3A_25], %add3A_24 {strides = array<i32>} : memref<400x128xf32, #tpu.memory_space<vmem>>, vector<400x128xf32>,
    return
  }
  func.func @transform_0(%arg0: i32) -> (i32, i32) {
    %c0_i32 = arith.constant 0 : i32
    %c0_i32_0 = arith.constant 0 : i32
    return %arg0, %c0_i32 : i32, i32
  }
  func.func @transform_1(%arg0: i32) -> (i32, i32) {
    %c0_i32 = arith.constant 0 : i32
    %c0_i32_0 = arith.constant 0 : i32
    return %arg0, %c0_i32 : i32, i32
  }
  func.func @transform_2(%arg0: i32) -> (i32, i32) {
    %c0_i32 = arith.constant 0 : i32
    %c0_i32_0 = arith.constant 0 : i32
    %c0_i32_1 = arith.constant 0 : i32
    return %c0_i32, %c0_i32_0 : i32, i32
  }
  func.func @transform_3(%arg0: i32) -> (i32, i32) {
    %c0_i32 = arith.constant 0 : i32
    %c0_i32_0 = arith.constant 0 : i32
    %c0_i32_1 = arith.constant 0 : i32
    return %c0_i32, %c0_i32_0 : i32, i32
  }
  func.func @transform_4(%arg0: i32) -> (i32, i32) {
    %c0_i32 = arith.constant 0 : i32
    %c0_i32_0 = arith.constant 0 : i32
    %c0_i32_1 = arith.constant 0 : i32
    return %c0_i32, %c0_i32_0 : i32, i32
  }
  func.func @transform_5(%arg0: i32) -> (i32, i32) {
    %c0_i32 = arith.constant 0 : i32
    %c0_i32_0 = arith.constant 0 : i32
    return %arg0, %c0_i32 : i32, i32
  }
}

</mosaic_0001>

<sc_bundles>
// kernel: kernel.10.cloned.1.call-start
scs
__scs_entry_jumppad:
0x0: {  	(pc) =	sbr.rel $0x88, $3  }
0x1: {  	(tag) =	ssettag $0x0;
	lr =	simm.s32 $0x1  }
0x2: {  	[smem:$0x3F95] =	sst lr;
	_ =	strace $0xD0000000  }
0x3: {  	_ = 	snop  }
0x4: {  	_ = 	snop  }
0x5: {  	_ = 	snop  }
0x6: {  	_ = 	snop  }
0x7: {  	_ = 	snop  }
__scs_overlays_trampoline_lowered:
0x8: {  	[smem:$0x3FA4] =	sst s0  }
0x9: {  	[smem:$0x3FA5] =	sst s1  }
0xa: {  	[smem:$0x3FA6] =	sst s2  }
0xb: {  	[smem:$0x3FA7] =	sst s3  }
0xc: {  	[smem:$0x3FA8] =	sst s4  }
0xd: {  	[smem:$0x3FA9] =	sst s5  }
0xe: {  	[smem:$0x3FAA] =	sst s6  }
0xf: {  	[smem:$0x3FAB] =	sst s7  }
0x10: {  	[smem:$0x3FAC] =	sst s8  }
0x11: {  	[smem:$0x3FAD] =	sst s9;
	s0 =	simm.s32 @!p0 $0x0  }
0x12: {  	s1 =	sld [smem:$0x3F93];
	s0 =	simm.s32 @p0 $0x1  }
0x13: {  	[smem:$0x3FAE] =	sst s0;
	s0 =	simm.s32 @!p1 $0x0  }
0x14: {  	s2 =	sld [smem:$0x3F92];
	s0 =	simm.s32 @p1 $0x1  }
0x15: {  	[smem:$0x3FAF] =	sst s0;
	s0 =	simm.s32 @!p2 $0x0  }
0x16: {  	s3 =	sld [smem:$0x3FDB];
	s0 =	simm.s32 @p2 $0x1  }
0x17: {  	s4 =	simm.s32 $0x1BF5;
	[smem:$0x3FB1] =	sst s0  }
0x18: {  	s0 =	sld [smem:$0x3F94];
	_ =	swait.ge [sflag:s4], $0x0  }
0x19: {  	s7 =	sld [smem:$0x3F95]  }
0x1a: {  	s8 =	sadd.s32 $0xFFFFE003, lr  }
0x1b: {  	s9 =	sadd.s32 $0xFFFFFEF7, lr;
	s5 =	simm.s32 $0xFFFFFFFF;
	p2 =	slt.u32 s8, $0xFFFFF086  }
0x1c: {  	p1 =	slt.u32 s9, $0xF7A;
	s5 =	simm.s32 @!p2 $0x0  }
0x1d: {  	s5 =	simm.s32 @p1 $0x1;
	p0 =	seq.s32 s7, s2  }
0x1e: {  	s7 =	smul.u32 @!p0 $0xF7A, s2;
	p2 =	seq.s32 @!p0 s5, $0x0  }
0x1f: {  	s9 =	smul.u32 $0xF7A, s1;
	s8 =	simm.s32 @!p0 $0x1BF5;
	p2 =	por !p2, p0  }
0x20: {  	[sflag:s8] =	ssyncset.s32 @!p0 $0xFFFFF086;
	s6 =	sadd.s32 @!p0 s3, s7;
	s7 =	simm.s32 @!p0 $0x108  }
0x21: {  	s3 =	sadd.s32 s3, s9;
	s6 =	sadd.s32 @!p0 $0x88, s6;
	s7 =	simm.s32 @p2 $0x1082  }
0x22: {  	[simem:s7], [sflag:s8] =	dma.local @!p0 [hbm:s6], $0xF7A  }
0x23: {  	s9 =	sor.u32 $0xD0000000, s2;
	s6 =	simm.s32 $0x108;
	_ =	swait.ge @!p0 [sflag:s8], $0x0  }
0x24: {  	s3 =	sadd.s32 $0x88, s3;
	s6 =	simm.s32 @!p1 $0x1082;
	[sflag:s4] =	ssyncset.s32 $0xFFFFF086  }
0x25: {  	[simem:s6], [sflag:s4] =	dma.local [hbm:s3], $0xF7A  }
0x26: {  	[smem:$0x3F95] =	sst s1;
	(tag) =	ssettag s2;
	_ =	strace s9  }
0x27: {  	s1 =	sld [smem:$0x3FA5]  }
0x28: {  	s2 =	sld [smem:$0x3FA6]  }
0x29: {  	s4 =	sld [smem:$0x3FA8]  }
0x2a: {  	p0 =	seq.s32 s5, $0x0;
	s5 =	sld [smem:$0x3FA9]  }
0x2b: {  	s6 =	sld [smem:$0x3FAA]  }
0x2c: {  	s7 =	sld [smem:$0x3FAB]  }
0x2d: {  	s3 =	simm.s32 $0x108;
	s8 =	sld [smem:$0x3FAC]  }
0x2e: {  	s3 =	simm.s32 @!p0 $0x1082;
	s9 =	sld [smem:$0x3FAD]  }
0x2f: {  	lr =	sadd.s32 s0, s3;
	s0 =	sld [smem:$0x3FA4]  }
0x30: {  	s3 =	sld [smem:$0x3FA7]  }
0x31: {  	[smem:$0x3FB0] =	sst s10  }
0x32: {  	s10 =	sld [smem:$0x3FAE];
	_ =	sdelay $0x3  }
0x33: {  	p0 =	seq.s32 s10, $0x1;
	s10 =	sld [smem:$0x3FB0];
	_ =	sdelay $0x3  }
0x34: {  	[smem:$0x3FB0] =	sst s10  }
0x35: {  	s10 =	sld [smem:$0x3FAF];
	_ =	sdelay $0x3  }
0x36: {  	p1 =	seq.s32 s10, $0x1;
	s10 =	sld [smem:$0x3FB0];
	_ =	sdelay $0x3  }
0x37: {  	[smem:$0x3FB0] =	sst s10  }
0x38: {  	s10 =	sld [smem:$0x3FB1]  }
0x39: {  	_ = 	snop;
	(pc) =	sbr.ind lr, $3  }
0x3a: {  	_ = 	snop  }
0x3b: {  	_ = 	snop  }
0x3c: {  	p2 =	seq.s32 s10, $0x1;
	s10 =	sld [smem:$0x3FB0]  }
0x3d: {  	_ =	shalt  }
0x3e: {  	_ =	shalt  }
0x3f: {  	_ =	shalt  }
0x40: {  	_ =	shalt  }
0x41: {  	_ =	shalt  }
0x42: {  	_ =	shalt  }
0x43: {  	_ =	shalt  }
0x44: {  	_ =	shalt  }
0x45: {  	_ =	shalt  }
0x46: {  	_ =	shalt  }
0x47: {  	_ =	shalt  }
0x48: {  	_ =	shalt  }
0x49: {  	_ =	shalt  }
0x4a: {  	_ =	shalt  }
0x4b: {  	_ =	shalt  }
0x4c: {  	_ =	shalt  }
0x4d: {  	_ =	shalt  }
0x4e: {  	_ =	shalt  }
0x4f: {  	_ =	shalt  }
0x50: {  	_ =	shalt  }
0x51: {  	_ =	shalt  }
0x52: {  	_ =	shalt  }
0x53: {  	_ =	shalt  }
0x54: {  	_ =	shalt  }
0x55: {  	_ =	shalt  }
0x56: {  	_ =	shalt  }
0x57: {  	_ =	shalt  }
0x58: {  	_ =	shalt  }
0x59: {  	_ =	shalt  }
0x5a: {  	_ =	shalt  }
0x5b: {  	_ =	shalt  }
0x5c: {  	_ =	shalt  }
0x5d: {  	_ =	shalt  }
0x5e: {  	_ =	shalt  }
0x5f: {  	_ =	shalt  }
0x60: {  	_ =	shalt  }
0x61: {  	_ =	shalt  }
0x62: {  	_ =	shalt  }
0x63: {  	_ =	shalt  }
0x64: {  	_ =	shalt  }
0x65: {  	_ =	shalt  }
0x66: {  	_ =	shalt  }
0x67: {  	_ =	shalt  }
0x68: {  	_ =	shalt  }
0x69: {  	_ =	shalt  }
0x6a: {  	_ =	shalt  }
0x6b: {  	_ =	shalt  }
0x6c: {  	_ =	shalt  }
0x6d: {  	_ =	shalt  }
0x6e: {  	_ =	shalt  }
0x6f: {  	_ =	shalt  }
0x70: {  	_ =	shalt  }
0x71: {  	_ =	shalt  }
0x72: {  	_ =	shalt  }
0x73: {  	_ =	shalt  }
0x74: {  	_ =	shalt  }
0x75: {  	_ =	shalt  }
0x76: {  	_ =	shalt  }
0x77: {  	_ =	shalt  }
0x78: {  	_ =	shalt  }
0x79: {  	_ =	shalt  }
0x7a: {  	_ =	shalt  }
0x7b: {  	_ =	shalt  }
0x7c: {  	_ =	shalt  }
0x7d: {  	_ =	shalt  }
0x7e: {  	_ =	shalt  }
0x7f: {  	_ =	shalt  }
0x80: {  	_ =	shalt  }
0x81: {  	_ =	shalt  }
0x82: {  	_ =	shalt  }
0x83: {  	_ =	shalt  }
0x84: {  	_ =	shalt  }
0x85: {  	_ =	shalt  }
0x86: {  	_ =	shalt  }
0x87: {  	_ =	shalt  }
.Lfunc_end0:
.L_simem_size_0:
called_computation.1_lowered:
.L_overlay_start_0:
0x88: {  	s2 =	sld [smem:$0x3FD9]  }
0x89: {  	s3 =	sld [smem:$0x3FFE];
	_ =	sdelay $0x1  }
0x8a: {  	s1 =	srdreg.scid  }
0x8b: {  	s0 =	sand.u32 $0x1, s1  }
0x8c: {  	s17 =	sshll.u32 s0, $0xA;
	s2 =	sadd.s32 s3, s2  }
0x8d: {  	s2 =	sadd.s32 s2, s17  }
0x8e: {  	[smem:$0x3FBC] =	sst s2  }
0x8f: {  	_ = 	snop  }
0x90: {  	s2 =	sld [smem:$0x3FD0];
	(tm) =	ssettm $0x1  }
0x91: {  	s18 =	sld [smem:$0x3FFB];
	_ =	sdelay $0x3  }
0x92: {  	_ =	strace s18  }
0x93: {  	s3 =	sld [smem:$0x3FFC];
	_ =	sdelay $0x3  }
0x94: {  	_ =	strace s3  }
0x95: {  	s3 =	sld [smem:$0x3FFD];
	_ =	sdelay $0x3  }
0x96: {  	_ =	strace s3  }
0x97: {  	_ =	strace $0x8FFFFFFF  }
0x98: {  	s19 =	sld [smem:$0x3FDB];
	_ =	sdelay $0x1  }
0x99: {  	s4 =	simm.s32 $_scs_section_size  }
0x9a: {  	s5 =	simm.s32 $_size__tile_overlayer_lowered;
	s6 =	simm.s32 $_tile_overlayer_lowered  }
0x9b: {  	s22 =	simm.s32 $0x1BFF;
	s21 =	sshll.u32 s6, $0x1;
	s3 =	sadd.s32 s4, s19  }
0x9c: {  	s7 =	simm.s32 $0x0;
	s20 =	sshll.u32 s5, $0x1;
	s5 =	sadd.s32 s21, s3  }
0x9d: {  	[timem:s7], [sflag:s22] =	dma.local [hbm:s5], s20  }
0x9e: {  	_ =	swait.ge [sflag:s22], s20  }
0x9f: {  	s4 =	ssub.s32 $0x0, s20;
	[sflag:s22] =	ssyncset.done $0x0  }
0xa0: {  	[sflag:s22] =	ssyncadd.s32 s4;
	_ =	sdelay $0x1  }
0xa1: {  	s23 =	simm.s32 $0x1B8B  }
0xa2: {  	_ =	swait.ge [sflag:s23], $0x1  }
0xa3: {  	[sflag:s23] =	ssyncset.done $0x0  }
0xa4: {  	s25 =	simm.s32 $0x1B8E;
	s24 =	sld [smem:$0x3FFE];
	[sflag:s23] =	ssyncadd.s32 $0xFFFFFFFF  }
0xa5: {  	s26 =	simm.s32 $execute0_lowered;
	[smem:$0x3FD2] =	sst s25  }
0xa6: {  	s5 =	sshll.u32 s26, $0x1;
	_ =	strace $0x80000049;
	[dreg:$0x1] =	wrdreg $0xFFFFFFFF  }
0xa7: {  	s28 =	simm.s32 $_size_execute0_lowered;
	s3 =	sadd.s32 s3, s5;
	[dreg:$0x0] =	wrdreg $0x0  }
0xa8: {  	s5 =	sshll.u32 s28, $0x1;
	[dreg:$0x2] =	wrdreg s3  }
0xa9: {  	[dreg:$0x3] =	wrdreg s5  }
0xaa: {  	[dreg:$0x4] =	wrdreg $0xC0  }
0xab: {  	_ =	task [dreg:s7], $0x5FFFF  }
0xac: {  	[dreg:$0x1] =	wrdreg $0xFFFFFFFF  }
0xad: {  	[dreg:$0x0] =	wrdreg $0x60  }
0xae: {  	[dreg:$0x2] =	wrdreg s2  }
0xaf: {  	[dreg:$0x3] =	wrdreg s24  }
0xb0: {  	[dreg:$0x4] =	wrdreg $0x0  }
0xb1: {  	[dreg:$0x5] =	wrdreg $0x27100  }
0xb2: {  	[dreg:$0x6] =	wrdreg $0x4E200  }
0xb3: {  	[dreg:$0x7] =	wrdreg $0x9  }
0xb4: {  	_ =	task.clear_ibuf [dreg:s7], $0x8FFFF;
	_ =	strace $0x90000049  }
0xb5: {  	s29 =	simm.s32 $0x9;
	_ =	strace $0x8000004B  }
0xb6: {  	_ =	swait.ge [sflag:s29], $0x1  }
0xb7: {  	[sflag:s29] =	ssyncadd.s32 $0xFFFFFFFF  }
0xb8: {  	_ =	strace $0x9000004B  }
0xb9: {  	_ =	sfence  }
0xba: {  	s30 =	sld [smem:$0x0];
	_ =	sdelay $0x2  }
0xbb: {  	s31 =	sshll.u32 s1, $0xD;
	s1 =	sshrl.u32 s1, $0x2  }
0xbc: {  	s3 =	sand.u32 $0x4000, s31;
	s1 =	sadd.s32 s1, s30  }
0xbd: {  	s0 =	sor.u32 s3, s0;
	s1 =	sshll.u32 s1, $0x11  }
0xbe: {  	s0 =	sor.u32 s1, s0  }
0xbf: {  	s0 =	sadd.s32 $0x8F2B, s0  }
0xc0: {  	[sflag:s0] =	ssyncadd.remote.s32 $0x1  }
0xc1: {  	_ =	sfence.sel $0xFFFF  }
0xc2: {  	[dreg:$0x0] =	wrdreg $0xFFFFFFFF;
	(pc) =	sbr.abs _section_cstart, $3  }
0xc3: {  	[dreg:$0x1] =	wrdreg $0xFFFFFFFF  }
0xc4: {  	_ =	task.clear_ibuf [dreg:s7], $0x2FFFF;
	_ =	strace $0x9FFFFFFF  }
0xc5: {  	(tm) =	ssettm $0x7FFFFFFF  }
tec
execute0_lowered:
.L_overlay_start_1:
0x0: {  	(tag) =	ssettag $0x1  }
0x1: {  	s0 =	rddreg [dreg:$0x0]  }
0x2: {  	s3 =	rddreg [dreg:$0x1]  }
0x3: {  	s1 =	rddreg [dreg:$0x2]  }
0x4: {  	s2 =	rddreg [dreg:$0x3]  }
0x5: {  	s16 =	rddreg [dreg:$0x4];
	s19 =	simm.s32 $0x0  }
0x6: {  	s4 =	srdreg.scid;
	s5 =	stileid.u32;
	s20 =	simm.s32 $0x186A0  }
0x7: {  	s21 =	simm.s32 $0x1;
	s22 =	simm.s32 $0x18720;
	s23 =	simm.s32 $0x10  }
0x8: {  	s28 =	simm.s32 $0x19FA0;
	s29 =	simm.s32 $0x1A020;
	s24 =	simm.s32 $0x1CD20  }
0x9: {  	[smem:$0x7FF] =	sst s19;
	s4 =	sand.u32 $0x1, s4;
	s6 =	sadd.s32 $0x15E00, s3  }
0xa: {  	s7 =	sadd.s32 $0xC000, s3;
	s14 =	sshll.u32 s5, $0xA;
	s11 =	smul.u32 $0x2710, s5  }
0xb: {  	s13 =	sadd.s32 $0x16100, s3;
	s30 =	sshll.u32 s5, $0x7;
	s8 =	smul.u32 $0x138800, s4  }
0xc: {  	_ =	strace $0x8000004A;
	s9 =	smul.u32 $0x27100, s4;
	s4 =	ssub.s32 $0x2, s4  }
0xd: {  	v0 =	vimm.s32 $0xFEDCBA98;
	s15 =	sadd.s32 s14, s1;
	s16 =	sadd.s32 s14, s16;
	s0 =	sadd.s32 s30, s0  }
0xe: {  	v1 =	vimm.s32 $0x76543210;
	v0 =	vunpack.c.l.s4.s8 v0;
	s17 =	sadd.s32 s14, s2;
	s12 =	sshrl.u32 s4, $0x1;
	[dreg:$0x8] =	wrdreg s0  }
0xf: {  	v1 =	vunpack.c.l.s4.s8 v1;
	s10 =	sadd.s32 s14, s8;
	s8 =	sadd.s32 $0x2200, s3;
	s4 =	ssub.s32 s4, s12  }
0x10: {  	v0 =	vunpack.c.0.s8.s32 v0;
	s25 =	sadd.s32 s11, s9;
	s9 =	smul.u32 $0x4E20, s5;
	s10 =	sshrl.u32 s10, $0x3  }
0x11: {  	v3 =	vlaneseq.u32;
	vm0 =	vmmov $0xffff;
	v1 =	vunpack.c.0.s8.s32 v1;
	s11 =	sadd.s32 $0x15F00, s3;
	s26 =	smax.u32 s4, $0x1;
	s18 =	sadd.s32 s10, s3  }
0x12: {  	v4 =	vshrl.u32 v3, $0x3;
	s12 =	sadd.s32 $0x16000, s3;
	v2 =	vand.u32 $0xF, v0;
	v0 =	vimm.f32 $0.0e+00;
	[dreg:$0x7] =	wrdreg s26;
	s31 =	sadd.s32 $0x14E600, s18  }
0x13: {  	s10 =	sshrl.u32 s25, $0x3;
	v1 =	vcombine.low v2, v1;
	v2 =	vand.u32 $0x7, v3;
	v3 =	vmul.u32 $0x8, v4;
	s18 =	simm.s32 $0x8;
	[dreg:$0x9] =	wrdreg s31  }
.LBB2_1:
0x14: {  	[tilespmem:$0x1D120] =	vst v0  }
0x15: {  	[tilespmem:$0x1D1A0] =	vst v0  }
0x16: {  	[tilespmem:$0x1D220] =	vst v0  }
0x17: {  	[tilespmem:$0x1D2A0] =	vst v0  }
0x18: {  	[tilespmem:$0x1D320] =	vst v0  }
0x19: {  	[tilespmem:$0x1D3A0] =	vst v0  }
0x1a: {  	[tilespmem:$0x1D420] =	vst v0  }
0x1b: {  	[tilespmem:$0x1D4A0] =	vst v0  }
0x1c: {  	[tilespmem:$0x1D520] =	vst v0  }
0x1d: {  	[tilespmem:$0x1D530] =	vst v0  }
0x1e: {  	[tilespmem:$0x1D540] =	vst v0  }
0x1f: {  	[tilespmem:$0x1D550] =	vst v0  }
0x20: {  	[tilespmem:$0x1D560] =	vst v0  }
0x21: {  	[tilespmem:$0x1D570] =	vst v0  }
0x22: {  	[tilespmem:$0x1D580] =	vst v0  }
0x23: {  	[tilespmem:$0x1D590] =	vst v0  }
0x24: {  	[tilespmem:$0x1D5A0] =	vst v0  }
0x25: {  	[tilespmem:$0x1D5B0] =	vst v0  }
0x26: {  	[tilespmem:$0x1D5C0] =	vst v0  }
0x27: {  	[tilespmem:$0x1D5D0] =	vst v0  }
0x28: {  	[tilespmem:$0x1D5E0] =	vst v0  }
0x29: {  	[tilespmem:$0x1D5F0] =	vst v0  }
0x2a: {  	[tilespmem:$0x1D600] =	vst v0  }
0x2b: {  	[tilespmem:$0x1D610] =	vst v0  }
0x2c: {  	[tilespmem:$0x1D620] =	vst v0  }
0x2d: {  	[tilespmem:$0x1D630] =	vst v0  }
0x2e: {  	[tilespmem:$0x1D640] =	vst v0  }
0x2f: {  	[tilespmem:$0x1D650] =	vst v0  }
0x30: {  	[tilespmem:$0x1D660] =	vst v0  }
0x31: {  	[tilespmem:$0x1D670] =	vst v0  }
0x32: {  	[tilespmem:$0x1D680] =	vst v0  }
0x33: {  	[tilespmem:$0x1D690] =	vst v0  }
0x34: {  	[tilespmem:$0x1D6A0] =	vst v0  }
0x35: {  	[tilespmem:$0x1D6B0] =	vst v0  }
0x36: {  	[tilespmem:$0x1D6C0] =	vst v0  }
0x37: {  	[tilespmem:$0x1D6D0] =	vst v0  }
0x38: {  	[tilespmem:$0x1D6E0] =	vst v0  }
0x39: {  	[tilespmem:$0x1D6F0] =	vst v0  }
0x3a: {  	[tilespmem:$0x1D700] =	vst v0  }
0x3b: {  	[tilespmem:$0x1D710] =	vst v0  }
0x3c: {  	[tilespmem:$0x1D720] =	vst v0  }
0x3d: {  	[tilespmem:$0x1D730] =	vst v0  }
0x3e: {  	[tilespmem:$0x1D740] =	vst v0  }
0x3f: {  	[tilespmem:$0x1D750] =	vst v0  }
0x40: {  	[tilespmem:$0x1D760] =	vst v0  }
0x41: {  	[tilespmem:$0x1D770] =	vst v0  }
0x42: {  	[tilespmem:$0x1D780] =	vst v0  }
0x43: {  	[tilespmem:$0x1D790] =	vst v0  }
0x44: {  	[tilespmem:$0x1D7A0] =	vst v0  }
0x45: {  	[tilespmem:$0x1D7B0] =	vst v0  }
0x46: {  	[tilespmem:$0x1D7C0] =	vst v0  }
0x47: {  	[tilespmem:$0x1D7D0] =	vst v0  }
0x48: {  	[tilespmem:$0x1D7E0] =	vst v0  }
0x49: {  	[tilespmem:$0x1D7F0] =	vst v0  }
0x4a: {  	[tilespmem:$0x1D800] =	vst v0  }
0x4b: {  	[tilespmem:$0x1D810] =	vst v0  }
0x4c: {  	[tilespmem:$0x1D820] =	vst v0  }
0x4d: {  	[tilespmem:$0x1D830] =	vst v0  }
0x4e: {  	[tilespmem:$0x1D840] =	vst v0  }
0x4f: {  	[tilespmem:$0x1D850] =	vst v0  }
0x50: {  	[tilespmem:$0x1D860] =	vst v0  }
0x51: {  	[tilespmem:$0x1D870] =	vst v0  }
0x52: {  	[tilespmem:$0x1D880] =	vst v0  }
0x53: {  	[tilespmem:$0x1D890] =	vst v0  }
0x54: {  	[tilespmem:$0x1D8A0] =	vst v0  }
0x55: {  	[tilespmem:$0x1D8B0] =	vst v0  }
0x56: {  	[tilespmem:$0x1D8C0] =	vst v0  }
0x57: {  	[tilespmem:$0x1D8D0] =	vst v0  }
0x58: {  	[tilespmem:$0x1D8E0] =	vst v0  }
0x59: {  	[tilespmem:$0x1D8F0] =	vst v0;
	p0 =	sgt.u32 s5, $0x4E1  }
0x5a: {  	[dreg:$0x6] =	wrdreg s19;
	[tilespmem:$0x1D900] =	vst v0;
	s0 =	simm.s32 @!p0 $0x1D120  }
0x5b: {  	[tilespmem:$0x1D910] =	vst v0;
	s14 =	sadd.s32 @!p0 $0x0, s17;
	s19 =	simm.s32 @!p0 $0x2;
	p0 =	por p0, p0  }
0x5c: {  	[spmem:s14] =	stream.linear.scatter @!p0 [tilespmem:s0], [sflag:$0x2], $0x400, $0x38;
	[tilespmem:$0x1D920] =	vst v63  }
0x5d: {  	_ =	swait.ge @!p0 [sflag:s19], $0x400  }
0x5e: {  	s0 =	sshll.u32 @!p0 s5, $0x6;
	s14 =	sadd.s32 @!p0 $0x0, s16;
	[sflag:s19] =	ssyncset.done @!p0 $0x0  }
0x5f: {  	s25 =	simm.s32 @!p0 $0x1D520;
	s26 =	sadd.s32 @!p0 $0x0, s15;
	[sflag:s19] =	ssyncadd.s32 @!p0 $0xFFFFFC00  }
0x60: {  	[spmem:s14] =	stream.linear.scatter @!p0 [tilespmem:s25], [sflag:$0x2], $0x400, $0x38;
	[tilespmem:$0x1D920] =	vst v63  }
0x61: {  	s0 =	sor.u32 @!p0 $0x1C01, s0;
	s25 =	sadd.s32 $0x10, s5;
	_ =	swait.ge @!p0 [sflag:s19], $0x400  }
0x62: {  	s26 =	sshrl.u32 @!p0 s26, $0x3;
	p2 =	sgt.u32 s25, $0x4E1;
	[sflag:s19] =	ssyncset.done @!p0 $0x0  }
0x63: {  	s3 =	rddreg [dreg:$0x8];
	[sflag:s19] =	ssyncadd.s32 @!p0 $0xFFFFFC00;
	s19 =	simm.s32 @!p0 $0x1  }
0x64: {  	[spmem:s26], [sflag:s0] =	dma.local @!p0 [hbm:s3], $0x80  }
0x65: {  	s14 =	simm.s32 $0x20000;
	s30 =	simm.s32 @!p2 $0x1D120;
	_ =	swait.ge @!p0 [sflag:s19], $0x80  }
0x66: {  	s0 =	sadd.s32 $0x800, s3;
	s26 =	simm.s32 @!p2 $0x4000;
	[sflag:s19] =	ssyncset.done @!p0 $0x0  }
.LBB2_2:
0x67: {  	s31 =	sadd.s32 @!p2 s26, s17;
	s4 =	simm.s32 @!p2 $0x2  }
0x68: {  	[sflag:s19] =	ssyncadd.s32 @!p0 $0xFFFFFF80;
	s3 =	smov.u32 s14;
	p0 =	por p2, p2  }
0x69: {  	[spmem:s31] =	stream.linear.scatter @!p0 [tilespmem:s30], [sflag:$0x2], $0x400, $0x38;
	[tilespmem:$0x1D920] =	vst v63  }
0x6a: {  	s14 =	sadd.s32 $0x10000, s14;
	s19 =	sshll.u32 @!p0 s5, $0x6;
	_ =	swait.ge @!p0 [sflag:s4], $0x400  }
0x6b: {  	p1 =	sne.s32 s14, $0x4F0000;
	s30 =	sor.u32 @!p0 $0x1C01, s19;
	[sflag:s4] =	ssyncset.done @!p0 $0x0  }
0x6c: {  	s31 =	simm.s32 @!p0 $0x1D520;
	s19 =	sadd.s32 @!p0 s26, s16;
	[sflag:s4] =	ssyncadd.s32 @!p0 $0xFFFFFC00  }
0x6d: {  	[spmem:s19] =	stream.linear.scatter @!p0 [tilespmem:s31], [sflag:$0x2], $0x400, $0x38;
	[tilespmem:$0x1D920] =	vst v63  }
0x6e: {  	s25 =	sadd.s32 $0x10, s25;
	_ =	swait.ge @!p0 [sflag:s4], $0x400  }
.Ltmp0:
0x6f: {  	s19 =	sadd.s32 @!p0 s26, s15;
	[sflag:s4] =	ssyncset.done @!p0 $0x0;
	(pc) =	sbr.rel @p1 .LBB2_2-.Ltmp0, $4  }
0x70: {  	[sflag:s4] =	ssyncadd.s32 @!p0 $0xFFFFFC00;
	s4 =	sshrl.u32 @!p0 s19, $0x3;
	s19 =	simm.s32 @!p0 $0x1  }
0x71: {  	[spmem:s4], [sflag:s30] =	dma.local @!p0 [hbm:s0], $0x80  }
0x72: {  	p2 =	sgt.u32 s25, $0x4E1;
	s0 =	sadd.s32 $0x800, s0;
	_ =	swait.ge @!p0 [sflag:s19], $0x80  }
0x73: {  	s26 =	sshra.s32 @!p2 s3, $0x2;
	s30 =	simm.s32 @!p2 $0x1D120;
	[sflag:s19] =	ssyncset.done @!p0 $0x0  }
0x74: {  	s3 =	sadd.s32 @!p2 s26, s17  }
0x75: {  	s4 =	simm.s32 @!p2 $0x2;
	[sflag:s19] =	ssyncadd.s32 @!p0 $0xFFFFFF80;
	p0 =	por p2, p2  }
0x76: {  	[spmem:s3] =	stream.linear.scatter @!p0 [tilespmem:s30], [sflag:$0x2], $0x400, $0x38;
	[tilespmem:$0x1D920] =	vst v63  }
0x77: {  	_ =	swait.ge @!p0 [sflag:s4], $0x400  }
0x78: {  	[sflag:s4] =	ssyncset.done @!p0 $0x0  }
0x79: {  	s3 =	sadd.s32 @!p0 s26, s16;
	s14 =	simm.s32 @!p0 $0x1D520;
	[sflag:s4] =	ssyncadd.s32 @!p0 $0xFFFFFC00  }
0x7a: {  	[spmem:s3] =	stream.linear.scatter @!p0 [tilespmem:s14], [sflag:$0x2], $0x400, $0x38;
	[tilespmem:$0x1D920] =	vst v63  }
0x7b: {  	s3 =	sshll.u32 @!p0 s5, $0x6;
	_ =	swait.ge @!p0 [sflag:s4], $0x400  }
0x7c: {  	s14 =	sadd.s32 @!p0 s26, s15;
	s3 =	sor.u32 @!p0 $0x1C01, s3;
	[sflag:s4] =	ssyncset.done @!p0 $0x0  }
0x7d: {  	[sflag:s4] =	ssyncadd.s32 @!p0 $0xFFFFFC00;
	s4 =	sshrl.u32 @!p0 s14, $0x3;
	s14 =	simm.s32 @!p0 $0x1  }
0x7e: {  	[spmem:s4], [sflag:s3] =	dma.local @!p0 [hbm:s0], $0x80  }
0x7f: {  	_ =	swait.ge @!p0 [sflag:s14], $0x80  }
0x80: {  	[sflag:s14] =	ssyncset.done @!p0 $0x0  }
0x81: {  	[sflag:s14] =	ssyncadd.s32 @!p0 $0xFFFFFF80  }
0x82: {  	s25 =	simm.s32 $0x0;
	s0 =	simm.s32 $0x0;
	[bflag:$0x0] =	sbarrier.arrive $0xFFFF  }
.LBB2_4:
0x83: {  	s3 =	sshll.u32 s25, $0x4  }
0x84: {  	s3 =	sadd.s32 s9, s3  }
0x85: {  	s3 =	sshrl.u32 s3, $0x3  }
0x86: {  	s4 =	sadd.s32 s7, s3  }
0x87: {  	[tilespmem:s20], [sflag:$0x1] =	stream.linear.gather [hbm4b:s4+s0], $0x10, $0x38;
	[tilespmem:$0x1D920] =	vst v63  }
0x88: {  	_ =	swait.ge [sflag:s21], $0x10  }
0x89: {  	[sflag:s21] =	ssyncset.done $0x0  }
0x8a: {  	s3 =	sadd.s32 s8, s3;
	[sflag:s21] =	ssyncadd.s32 $0xFFFFFFF0  }
0x8b: {  	[tilespmem:s22], [sflag:$0x1] =	stream.linear.gather [hbm4b:s3+s0], $0x10, $0x38;
	[tilespmem:$0x1D920] =	vst v63  }
0x8c: {  	_ =	swait.ge [sflag:s21], $0x10  }
0x8d: {  	[sflag:s21] =	ssyncset.done $0x0  }
0x8e: {  	s19 =	simm.s32 $0x187A0;
	[sflag:s21] =	ssyncadd.s32 $0xFFFFFFF0  }
0x8f: {  	[tilespmem:s19], [sflag:$0x1] =	stream.indirect.gather [spmem:s1], $0x10, s20, s23, $0xb8;
	[tilespmem:$0x1D920] =	vst v63  }
0x90: {  	_ =	swait.ge [sflag:s21], $0x100  }
0x91: {  	[sflag:s21] =	ssyncset.done $0x0  }
0x92: {  	s26 =	simm.s32 $0x18FA0;
	[sflag:s21] =	ssyncadd.s32 $0xFFFFFF00  }
0x93: {  	[tilespmem:s26], [sflag:$0x1] =	stream.indirect.gather [spmem:s1], $0x10, s22, s23, $0xb8;
	[tilespmem:$0x1D920] =	vst v63  }
0x94: {  	_ =	swait.ge [sflag:s21], $0x100  }
0x95: {  	[sflag:s21] =	ssyncset.done $0x0  }
0x96: {  	s14 =	simm.s32 $0x0;
	[sflag:s21] =	ssyncadd.s32 $0xFFFFFF00  }
0x97: {  	s26 =	simm.s32 $0x80;
	v4 =	vld [tilespmem:s14+$0x18FA0]  }
0x98: {  	v5 =	vld [tilespmem:s26+$0x18FA0]  }
0x99: {  	v6 =	vld [tilespmem:s14+$0x187A0];
	_ =	sdelay $0x1  }
0x9a: {  	v7 =	vld [tilespmem:s26+$0x187A0]  }
0x9b: {  	v4 =	vperm.xlane v4, v1;
	_ =	sdelay $0x1  }
0x9c: {  	v5 =	vperm.xlane v5, v1;
	v4 =	vadd.f32 v4, v6;
	_ =	sdelay $0x1  }
0x9d: {  	v5 =	vadd.f32 v5, v7;
	v7 =	vmul.f32 $2.000000030e-01, v4  }
0x9e: {  	s30 =	simm.s32 $0x100  }
0x9f: {  	v8 =	vld [tilespmem:s30+$0x18FA0];
	v4 =	vmax.f32 v4, v7  }
0xa0: {  	v4 =	vmul.f32 $1.442695020e+00, v4  }
0xa1: {  	v9 =	vmul.f32 $2.000000030e-01, v5  }
0xa2: {  	v6 =	vld [tilespmem:s30+$0x187A0];
	(erf) = vpow2.f32 v4  }
0xa3: {  	v5 =	vmax.f32 v5, v9  }
0xa4: {  	v7 =	vperm.xlane v8, v1;
	v8 =	vmul.f32 $1.442695020e+00, v5  }
0xa5: {  	s31 =	simm.s32 $0x180  }
0xa6: {  	v4 =	vld [tilespmem:s31+$0x18FA0];
	(erf) = vpow2.f32 v8  }
0xa7: {  	v5 =	vadd.f32 v7, v6  }
0xa8: {  	v6 =	vld [tilespmem:s31+$0x187A0]  }
0xa9: {  	s19 =	simm.s32 $0x800;
	v7 =	vmul.f32 $2.000000030e-01, v5  }
.LBB2_5:
0xaa: {  	p0 =	sne.s32 s19, $0x1E00  }
.Ltmp1:
0xab: {  	s3 =	sshra.s32 s19, $0x2;
	s19 =	sadd.s32 $0x200, s19;
	v8 =	vperm.xlane v4, v1;
	v5 =	vmax.f32 v5, v7;
	v7 =	vpop (erf);
	(pc) =	sbr.rel @p0 .LBB2_5-.Ltmp1, $4  }
0xac: {  	v4 =	vld [tilespmem:s3+$0x18FA0];
	v9 =	vmul.f32 $1.442695020e+00, v5;
	[tilespmem:s14+$0x197A0] =	vst v7;
	s14 =	smov.u32 s26;
	s26 =	smov.u32 s30  }
0xad: {  	s30 =	smov.u32 s31;
	s31 =	smov.u32 s3;
	v5 =	vadd.f32 v8, v6  }
0xae: {  	v6 =	vld [tilespmem:s31+$0x187A0];
	(erf) = vpow2.f32 v9  }
0xaf: {  	v7 =	vmul.f32 $2.000000030e-01, v5  }
0xb0: {  	_ = 	snop  }
0xb1: {  	v4 =	vperm.xlane v4, v1;
	_ =	sdelay $0x1  }
0xb2: {  	v4 =	vadd.f32 v4, v6;
	_ =	sdelay $0x1  }
0xb3: {  	v6 =	vmul.f32 $2.000000030e-01, v4  }
0xb4: {  	v5 =	vmax.f32 v5, v7  }
0xb5: {  	v5 =	vmul.f32 $1.442695020e+00, v5;
	v4 =	vmax.f32 v4, v6  }
0xb6: {  	v4 =	vmul.f32 $1.442695020e+00, v4  }
0xb7: {  	(erf) = vpow2.f32 v5  }
0xb8: {  	(erf) = vpow2.f32 v4;
	_ =	sdelay $0x5  }
0xb9: {  	v4 =	vpop (erf)  }
0xba: {  	v5 =	vpop (erf);
	[tilespmem:s14+$0x197A0] =	vst v4  }
0xbb: {  	s25 =	sadd.s32 $0x1, s25;
	[tilespmem:s26+$0x197A0] =	vst v5;
	v4 =	vpop (erf)  }
0xbc: {  	p0 =	sne.s32 s25, $0x4E2;
	[tilespmem:s30+$0x197A0] =	vst v4;
	v4 =	vpop (erf)  }
.Ltmp2:
0xbd: {  	s3 =	simm.s32 $0x197A0;
	[tilespmem:s31+$0x197A0] =	vst v4;
	(pc) =	sbr.rel @p0 .LBB2_4-.Ltmp2, $4  }
0xbe: {  	[spmem:s2] =	stream.indirect.scatter.add.f32 [tilespmem:s3], [sflag:$0x1], $0x10, s22, s23, $0xb8;
	[tilespmem:$0x1D920] =	vst v63  }
0xbf: {  	_ =	swait.ge [sflag:s21], $0x100  }
0xc0: {  	[sflag:s21] =	ssyncset.done $0x0  }
0xc1: {  	[sflag:s21] =	ssyncadd.s32 $0xFFFFFF00  }
0xc2: {  	[bflag:$0x0] =	sbarrier.arrive $0xFFFF;
	s25 =	simm.s32 $0x0  }
0xc3: {  	s26 =	simm.s32 $0x0;
	s19 =	simm.s32 $0x1A0A0;
	s4 =	rddreg [dreg:$0x4]  }
.LBB2_8:
0xc4: {  	s0 =	sadd.s32 s10, s26  }
0xc5: {  	s3 =	sadd.s32 s7, s0  }
0xc6: {  	[tilespmem:s28], [sflag:$0x1] =	stream.linear.gather [hbm4b:s3+s25], $0x8, $0x38;
	[tilespmem:$0x1D920] =	vst v63  }
0xc7: {  	_ =	swait.ge [sflag:s21], $0x8  }
0xc8: {  	[sflag:s21] =	ssyncset.done $0x0  }
0xc9: {  	s0 =	sadd.s32 s8, s0;
	[sflag:s21] =	ssyncadd.s32 $0xFFFFFFF8  }
0xca: {  	[tilespmem:s29], [sflag:$0x1] =	stream.linear.gather [hbm4b:s0+s25], $0x8, $0x38;
	[tilespmem:$0x1D920] =	vst v63  }
0xcb: {  	_ =	swait.ge [sflag:s21], $0x8  }
0xcc: {  	[sflag:s21] =	ssyncset.done $0x0  }
0xcd: {  	[sflag:s21] =	ssyncadd.s32 $0xFFFFFFF8  }
0xce: {  	v4 =	vld.msk [tilespmem:$0x19FA0], $0xff;
	_ =	sdelay $0x4  }
0xcf: {  	v5 =	vshll.u32 v4, $0x3  }
0xd0: {  	v4 =	vand.u32 $0x7, v4;
	v5 =	vand.u32 $0xFFFFFFC0, v5  }
0xd1: {  	v4 =	vor.u32 v4, v5  }
0xd2: {  	v4 =	vperm.xlane v4, v2;
	_ =	sdelay $0x1  }
0xd3: {  	v4 =	vadd.s32 v3, v4;
	_ =	sdelay $0x4  }
0xd4: {  	[tilespmem:s19], [sflag:$0x1] =	stream.indirect_vreg.gather [hbm4b:s6+s25], $0x80, v4, vm0, $0xb8;
	[tilespmem:$0x1D920] =	vst v63  }
0xd5: {  	s3 =	simm.s32 $0x1A8A0  }
0xd6: {  	[tilespmem:s3], [sflag:$0x1] =	stream.indirect_vreg.gather [hbm4b:s11+s25], $0x80, v4, vm0, $0xb8;
	[tilespmem:$0x1D920] =	vst v63  }
0xd7: {  	s14 =	simm.s32 $0x1B0A0  }
0xd8: {  	[tilespmem:s14], [sflag:$0x1] =	stream.indirect_vreg.gather [hbm4b:s12+s25], $0x80, v4, vm0, $0xb8;
	[tilespmem:$0x1D920] =	vst v63  }
0xd9: {  	s3 =	simm.s32 $0x1B8A0  }
0xda: {  	[tilespmem:s3], [sflag:$0x1] =	stream.indirect_vreg.gather [hbm4b:s13+s25], $0x80, v4, vm0, $0xb8;
	[tilespmem:$0x1D920] =	vst v63  }
0xdb: {  	_ =	swait.ge [sflag:s21], $0x2000  }
0xdc: {  	[sflag:s21] =	ssyncset.done $0x0  }
0xdd: {  	s14 =	simm.s32 $0x1C0A0;
	[sflag:s21] =	ssyncadd.s32 $0xFFFFE000  }
0xde: {  	[tilespmem:s14], [sflag:$0x1] =	stream.indirect.gather [spmem:s1], $0x10, s28, s18, $0xb8;
	[tilespmem:$0x1D920] =	vst v63  }
0xdf: {  	_ =	swait.ge [sflag:s21], $0x80  }
0xe0: {  	[sflag:s21] =	ssyncset.done $0x0  }
0xe1: {  	s3 =	simm.s32 $0x1C4A0;
	[sflag:s21] =	ssyncadd.s32 $0xFFFFFF80  }
0xe2: {  	[tilespmem:s3], [sflag:$0x1] =	stream.indirect.gather [spmem:s1], $0x10, s29, s18, $0xb8;
	[tilespmem:$0x1D920] =	vst v63  }
0xe3: {  	_ =	swait.ge [sflag:s21], $0x80  }
0xe4: {  	[sflag:s21] =	ssyncset.done $0x0  }
0xe5: {  	s14 =	simm.s32 $0x1C8A0;
	[sflag:s21] =	ssyncadd.s32 $0xFFFFFF80  }
0xe6: {  	[tilespmem:s14], [sflag:$0x1] =	stream.indirect.gather [spmem:s2], $0x10, s29, s18, $0xb8;
	[tilespmem:$0x1D920] =	vst v63  }
0xe7: {  	_ =	swait.ge [sflag:s21], $0x80  }
0xe8: {  	[sflag:s21] =	ssyncset.done $0x0  }
0xe9: {  	[sflag:s21] =	ssyncadd.s32 $0xFFFFFF80  }
0xea: {  	v4 =	vld [tilespmem:$0x1C4A0]  }
0xeb: {  	v5 =	vld [tilespmem:$0x1C0A0]  }
0xec: {  	v6 =	vld [tilespmem:$0x1C520]  }
0xed: {  	v7 =	vld [tilespmem:$0x1C120]  }
0xee: {  	v8 =	vld [tilespmem:$0x1C5A0]  }
0xef: {  	v4 =	vperm.xlane v4, v1  }
0xf0: {  	v9 =	vld [tilespmem:$0x1C1A0]  }
0xf1: {  	v10 =	vld [tilespmem:$0x1C620];
	v6 =	vperm.xlane v6, v1;
	v4 =	vadd.f32 v4, v5  }
0xf2: {  	v5 =	vld [tilespmem:$0x1C8A0]  }
0xf3: {  	v12 =	vld [tilespmem:$0x1C920];
	v6 =	vadd.f32 v6, v7;
	v7 =	vperm.xlane v8, v1;
	v11 =	vmul.f32 $2.000000030e-01, v4  }
0xf4: {  	v8 =	vld [tilespmem:$0x1C220]  }
0xf5: {  	v7 =	vadd.f32 v7, v9;
	v9 =	vld [tilespmem:$0x1C6A0];
	v4 =	vmax.f32 v4, v11;
	v11 =	vmul.f32 $2.000000030e-01, v6  }
0xf6: {  	v10 =	vperm.xlane v10, v1;
	v4 =	vmul.f32 $1.442695020e+00, v4  }
0xf7: {  	v13 =	vld [tilespmem:$0x1C9A0];
	v5 =	vadd.f32 $1.000000020e-16, v5;
	v6 =	vmax.f32 v6, v11;
	v11 =	vmul.f32 $2.000000030e-01, v7  }
0xf8: {  	(erf) = vpow2.f32 v4;
	v4 =	vmul.f32 $1.442695020e+00, v6;
	v6 =	vld [tilespmem:$0x1C2A0]  }
0xf9: {  	(erf) = vrcp.f32 v5;
	v5 =	vmax.f32 v7, v11;
	v7 =	vadd.f32 v10, v8;
	v8 =	vld [tilespmem:$0x1CA20]  }
0xfa: {  	v9 =	vperm.xlane v9, v1;
	v10 =	vld [tilespmem:$0x1C720];
	(erf) = vpow2.f32 v4;
	v4 =	vadd.f32 $1.000000020e-16, v12  }
0xfb: {  	v5 =	vmul.f32 $1.442695020e+00, v5;
	v12 =	vld [tilespmem:$0x1C320];
	v11 =	vmul.f32 $2.000000030e-01, v7  }
0xfc: {  	(erf) = vrcp.f32 v4;
	v4 =	vadd.f32 $1.000000020e-16, v13;
	v13 =	vld [tilespmem:$0x1C7A0]  }
0xfd: {  	(erf) = vpow2.f32 v5;
	v5 =	vmax.f32 v7, v11;
	v6 =	vadd.f32 v9, v6;
	v7 =	vld [tilespmem:$0x1C3A0]  }
0xfe: {  	(erf) = vrcp.f32 v4;
	v4 =	vmul.f32 $1.442695020e+00, v5;
	v5 =	vld [tilespmem:$0x1C820]  }
0xff: {  	v11 =	vld [tilespmem:$0x1CAA0];
	v10 =	vperm.xlane v10, v1;
	v9 =	vmul.f32 $2.000000030e-01, v6  }
0x100: {  	(erf) = vpow2.f32 v4;
	v4 =	vadd.f32 $1.000000020e-16, v8;
	v8 =	vld [tilespmem:$0x1C420]  }
0x101: {  	v6 =	vmax.f32 v6, v9;
	v9 =	vadd.f32 v10, v12;
	v10 =	vperm.xlane v13, v1  }
0x102: {  	(erf) = vrcp.f32 v4;
	v4 =	vmul.f32 $1.442695020e+00, v6;
	v6 =	vld [tilespmem:$0x1CB20]  }
0x103: {  	v12 =	vmul.f32 $2.000000030e-01, v9;
	v7 =	vadd.f32 v10, v7;
	v5 =	vperm.xlane v5, v1  }
0x104: {  	v10 =	vld [tilespmem:$0x1CBA0];
	(erf) = vpow2.f32 v4;
	v4 =	vadd.f32 $1.000000020e-16, v11  }
0x105: {  	v9 =	vmax.f32 v9, v12;
	v11 =	vmul.f32 $2.000000030e-01, v7;
	v5 =	vadd.f32 v5, v8  }
0x106: {  	v8 =	vld [tilespmem:$0x1CC20];
	(erf) = vrcp.f32 v4;
	v4 =	vmul.f32 $1.442695020e+00, v9  }
0x107: {  	v6 =	vadd.f32 $1.000000020e-16, v6;
	v7 =	vmax.f32 v7, v11;
	v11 =	vmul.f32 $2.000000030e-01, v5  }
0x108: {  	v9 =	vpop (erf);
	(erf) = vpow2.f32 v4;
	v4 =	vmul.f32 $1.442695020e+00, v7  }
0x109: {  	v12 =	vpop (erf);
	(erf) = vrcp.f32 v6;
	v6 =	vadd.f32 $1.000000020e-16, v10;
	v5 =	vmax.f32 v5, v11  }
0x10a: {  	v7 =	vpop (erf);
	(erf) = vpow2.f32 v4;
	v4 =	vmul.f32 $1.442695020e+00, v5  }
0x10b: {  	v10 =	vpop (erf);
	(erf) = vrcp.f32 v6;
	v6 =	vadd.f32 $1.000000020e-16, v8  }
0x10c: {  	v5 =	vpop (erf)  }
0x10d: {  	(erf) = vpow2.f32 v4;
	v8 =	vpop (erf)  }
0x10e: {  	(erf) = vrcp.f32 v6;
	v4 =	vpop (erf)  }
0x10f: {  	v6 =	vpop (erf)  }
0x110: {  	v11 =	vpop (erf)  }
0x111: {  	v9 =	vmul.f32 v9, v12;
	v13 =	vpop (erf)  }
0x112: {  	v7 =	vmul.f32 v7, v10;
	v12 =	vpop (erf)  }
0x113: {  	[tilespmem:$0x1CCA0] =	vst v9;
	v5 =	vmul.f32 v5, v8;
	v10 =	vpop (erf)  }
0x114: {  	[tilespmem:$0x1CCB0] =	vst v7;
	v4 =	vmul.f32 v4, v6;
	v8 =	vpop (erf)  }
0x115: {  	[tilespmem:$0x1CCC0] =	vst v5;
	v5 =	vmul.f32 v11, v13;
	v6 =	vpop (erf)  }
0x116: {  	[tilespmem:$0x1CCD0] =	vst v4;
	v4 =	vmul.f32 v12, v10;
	v7 =	vpop (erf)  }
0x117: {  	[tilespmem:$0x1CCE0] =	vst v5;
	v5 =	vmul.f32 v8, v6;
	v6 =	vpop (erf)  }
0x118: {  	[tilespmem:$0x1CCF0] =	vst v4;
	v4 =	vmul.f32 v7, v6  }
0x119: {  	[tilespmem:$0x1CD00] =	vst v5  }
0x11a: {  	s30 =	simm.s32 $0x0;
	[tilespmem:$0x1CD10] =	vst v4  }
0x11b: {  	v15 =	vld [tilespmem:s30+$0x1BCA0]  }
0x11c: {  	v14 =	vld [tilespmem:s30+$0x1BCB0]  }
0x11d: {  	v12 =	vld [tilespmem:s30+$0x1BCC0]  }
0x11e: {  	v10 =	vld [tilespmem:s30+$0x1BCD0]  }
0x11f: {  	v9 =	vld [tilespmem:s30+$0x1BCE0]  }
0x120: {  	v7 =	vld [tilespmem:s30+$0x1BCF0]  }
0x121: {  	v5 =	vld [tilespmem:s30+$0x1BD00]  }
0x122: {  	v4 =	vld [tilespmem:s30+$0x1BD10]  }
0x123: {  	v22 =	vld [tilespmem:s30+$0x1B8A0]  }
0x124: {  	v18 =	vld [tilespmem:s30+$0x1B8B0]  }
0x125: {  	v16 =	vld [tilespmem:s30+$0x1B8C0]  }
0x126: {  	v13 =	vld [tilespmem:s30+$0x1B8D0]  }
0x127: {  	v11 =	vld [tilespmem:s30+$0x1B8E0]  }
0x128: {  	v8 =	vld [tilespmem:s30+$0x1B8F0]  }
0x129: {  	v6 =	vld [tilespmem:s30+$0x1B900]  }
0x12a: {  	v26 =	vld [tilespmem:s30+$0x1B4A0]  }
0x12b: {  	v27 =	vld [tilespmem:s30+$0x1B4B0]  }
0x12c: {  	v20 =	vld [tilespmem:s30+$0x1B4C0]  }
0x12d: {  	v25 =	vld [tilespmem:s30+$0x1B0A0]  }
0x12e: {  	s31 =	simm.s32 $0x1CCA0;
	v24 =	vld [tilespmem:s30+$0x1A8A0]  }
0x12f: {  	s0 =	simm.s32 $0x200;
	v28 =	vld [tilespmem:s31+$0x0]  }
.LBB2_9:
0x130: {  	p0 =	sne.s32 s0, $0xE00;
	v19 =	vld [tilespmem:s30+$0x1A0A0]  }
0x131: {  	v21 =	vld [tilespmem:s30+$0x1A0B0]  }
0x132: {  	v23 =	vld [tilespmem:s30+$0x1A0C0]  }
0x133: {  	v29 =	vld [tilespmem:s30+$0x1A4A0]  }
0x134: {  	v17 =	vbroadcast v28, $0x0;
	v30 =	vld [tilespmem:s30+$0x1A4B0]  }
0x135: {  	v31 =	vld [tilespmem:s30+$0x1A8B0]  }
0x136: {  	v32 =	vmul.f32 v19, v17;
	v19 =	vbroadcast v28, $0x1;
	v33 =	vld [tilespmem:s30+$0x1A4C0]  }
0x137: {  	v34 =	vmul.f32 v21, v17;
	v23 =	vmul.f32 v23, v17;
	v35 =	vld [tilespmem:s30+$0x1ACA0]  }
0x138: {  	v21 =	vbroadcast v28, $0x2;
	v32 =	vadd.f32 $0.0e+00, v32;
	v29 =	vmul.f32 v29, v19;
	v36 =	vld [tilespmem:s30+$0x1ACB0]  }
0x139: {  	v34 =	vadd.f32 $0.0e+00, v34;
	v37 =	vadd.f32 $0.0e+00, v23;
	v30 =	vmul.f32 v30, v19;
	v38 =	vld [tilespmem:s30+$0x1B0B0]  }
0x13a: {  	v24 =	vmul.f32 v24, v21;
	v23 =	vbroadcast v28, $0x3;
	v29 =	vadd.f32 v29, v32;
	v32 =	vld [tilespmem:s30+$0x1A8C0]  }
0x13b: {  	v31 =	vmul.f32 v31, v21;
	v30 =	vadd.f32 v30, v34;
	v33 =	vmul.f32 v33, v19;
	v34 =	vld [tilespmem:s30+$0x1B4D0]  }
0x13c: {  	v29 =	vadd.f32 v24, v29;
	v35 =	vmul.f32 v35, v23;
	v24 =	vbroadcast v28, $0x4;
	v39 =	vld [tilespmem:s30+$0x1B4E0]  }
0x13d: {  	v33 =	vadd.f32 v33, v37;
	v30 =	vadd.f32 v31, v30;
	v31 =	vmul.f32 v36, v23;
	v36 =	vld [tilespmem:s30+$0x1B4F0]  }
0x13e: {  	v29 =	vadd.f32 v35, v29;
	v35 =	vld [tilespmem:s30+$0x1ACC0];
	v37 =	vmul.f32 v25, v24;
	v25 =	vbroadcast v28, $0x5  }
0x13f: {  	v32 =	vmul.f32 v32, v21;
	v30 =	vadd.f32 v31, v30;
	v31 =	vmul.f32 v38, v24;
	v38 =	vld [tilespmem:s30+$0x1B0C0]  }
0x140: {  	v29 =	vadd.f32 v37, v29;
	v37 =	vld [tilespmem:s30+$0x1B0D0];
	v40 =	vmul.f32 v26, v25;
	v26 =	vbroadcast v28, $0x6  }
0x141: {  	v27 =	vmul.f32 v27, v25;
	v32 =	vadd.f32 v32, v33;
	v33 =	vld [tilespmem:s30+$0x1ACD0];
	v30 =	vadd.f32 v31, v30  }
0x142: {  	v31 =	vld [tilespmem:s30+$0x1A4D0];
	v29 =	vadd.f32 v40, v29;
	v40 =	vmul.f32 v22, v26;
	v22 =	vbroadcast v28, $0x7  }
0x143: {  	v18 =	vmul.f32 v18, v26;
	v28 =	vld [tilespmem:s30+$0x1A0D0];
	v35 =	vmul.f32 v35, v23;
	v27 =	vadd.f32 v27, v30  }
0x144: {  	v30 =	vld [tilespmem:s30+$0x1A8D0];
	v29 =	vadd.f32 v40, v29;
	v15 =	vmul.f32 v15, v22;
	v14 =	vmul.f32 v14, v22  }
0x145: {  	v38 =	vmul.f32 v38, v24;
	v32 =	vadd.f32 v35, v32;
	v35 =	vld [tilespmem:s30+$0x1ACE0];
	v18 =	vadd.f32 v18, v27  }
0x146: {  	v20 =	vmul.f32 v20, v25;
	v16 =	vmul.f32 v16, v26;
	v27 =	vld [tilespmem:s30+$0x1A4E0];
	v15 =	vadd.f32 v15, v29  }
0x147: {  	v12 =	vmul.f32 v12, v22;
	v29 =	vld [tilespmem:s30+$0x1A0E0];
	v32 =	vadd.f32 v38, v32;
	v14 =	vadd.f32 v14, v18  }
0x148: {  	v18 =	vmul.f32 v28, v17;
	v28 =	vmul.f32 v31, v19;
	v31 =	vld [tilespmem:s30+$0x1A8E0];
	[tilespmem:s30+$0x1CD20] =	vst v15  }
0x149: {  	v15 =	vmul.f32 v30, v21;
	v30 =	vmul.f32 v33, v23;
	v33 =	vld [tilespmem:s30+$0x1B0E0];
	v20 =	vadd.f32 v20, v32;
	[tilespmem:s30+$0x1CD30] =	vst v14  }
0x14a: {  	v34 =	vmul.f32 v34, v25;
	v14 =	vadd.f32 $0.0e+00, v18;
	v18 =	vmul.f32 v37, v24;
	v32 =	vld [tilespmem:s30+$0x1B0F0]  }
0x14b: {  	v13 =	vmul.f32 v13, v26;
	v10 =	vmul.f32 v10, v22;
	v37 =	vld [tilespmem:s30+$0x1A4F0];
	v16 =	vadd.f32 v16, v20  }
0x14c: {  	v27 =	vmul.f32 v27, v19;
	v20 =	vmul.f32 v29, v17;
	v29 =	vld [tilespmem:s30+$0x1A0F0];
	v14 =	vadd.f32 v28, v14  }
0x14d: {  	v35 =	vmul.f32 v35, v23;
	v28 =	vmul.f32 v31, v21;
	v31 =	vld [tilespmem:s30+$0x1A8F0];
	v12 =	vadd.f32 v12, v16  }
0x14e: {  	v16 =	vadd.f32 $0.0e+00, v20;
	v14 =	vadd.f32 v15, v14;
	v15 =	vld [tilespmem:s30+$0x1ACF0];
	v20 =	vmul.f32 v33, v24  }
0x14f: {  	v11 =	vmul.f32 v11, v26;
	v33 =	vmul.f32 v39, v25;
	v38 =	vld [tilespmem:s30+$0x1B500];
	[tilespmem:s30+$0x1CD40] =	vst v12  }
0x150: {  	v9 =	vmul.f32 v9, v22;
	v12 =	vadd.f32 v27, v16;
	v16 =	vld [tilespmem:s30+$0x1A900];
	v14 =	vadd.f32 v30, v14  }
0x151: {  	v30 =	vmul.f32 v37, v19;
	v27 =	vmul.f32 v29, v17;
	v29 =	vld [tilespmem:s30+$0x1A100]  }
0x152: {  	v37 =	vld [tilespmem:s30+$0x1A500];
	v12 =	vadd.f32 v28, v12;
	v28 =	vmul.f32 v31, v21;
	v14 =	vadd.f32 v18, v14  }
0x153: {  	v31 =	vmul.f32 v32, v24;
	v18 =	vadd.f32 $0.0e+00, v27;
	v15 =	vmul.f32 v15, v23;
	v27 =	vld [tilespmem:s30+$0x1AD00]  }
0x154: {  	v12 =	vadd.f32 v35, v12;
	v32 =	vld [tilespmem:s30+$0x1B100];
	v14 =	vadd.f32 v34, v14;
	v34 =	vmul.f32 v36, v25  }
0x155: {  	v8 =	vmul.f32 v8, v26;
	v35 =	vmul.f32 v7, v22;
	v18 =	vadd.f32 v30, v18;
	v30 =	vld [tilespmem:s30+$0x1B110]  }
0x156: {  	v7 =	vmul.f32 v29, v17;
	v29 =	vld [tilespmem:s30+$0x1A510];
	v12 =	vadd.f32 v20, v12;
	v13 =	vadd.f32 v13, v14  }
0x157: {  	v16 =	vmul.f32 v16, v21;
	v14 =	vld [tilespmem:s30+$0x1A110];
	v20 =	vmul.f32 v37, v19;
	v18 =	vadd.f32 v28, v18  }
0x158: {  	v28 =	vld [tilespmem:s30+$0x1A910];
	v27 =	vmul.f32 v27, v23;
	v12 =	vadd.f32 v33, v12;
	v10 =	vadd.f32 v10, v13  }
0x159: {  	v7 =	vadd.f32 $0.0e+00, v7;
	v13 =	vadd.f32 v15, v18;
	v18 =	vld [tilespmem:s30+$0x1AD10];
	v32 =	vmul.f32 v32, v24  }
0x15a: {  	v6 =	vmul.f32 v6, v26;
	v33 =	vmul.f32 v38, v25;
	v36 =	vld [tilespmem:s30+$0x1B510];
	v11 =	vadd.f32 v11, v12;
	[tilespmem:s30+$0x1CD50] =	vst v10  }
0x15b: {  	s14 =	sshra.s32 s0, $0x2;
	v7 =	vadd.f32 v20, v7;
	v20 =	vmul.f32 v5, v22;
	v10 =	vadd.f32 v31, v13;
	v13 =	vld [tilespmem:s30+$0x1B910]  }
0x15c: {  	v15 =	vld [tilespmem:s14+$0x1BCA0];
	v5 =	vmul.f32 v14, v17;
	v17 =	vmul.f32 v29, v19;
	v9 =	vadd.f32 v9, v11  }
0x15d: {  	v7 =	vadd.f32 v16, v7;
	v14 =	vld [tilespmem:s14+$0x1BCB0];
	v11 =	vmul.f32 v28, v21;
	v16 =	vadd.f32 v34, v10  }
0x15e: {  	v19 =	vmul.f32 v30, v24;
	v12 =	vld [tilespmem:s14+$0x1BCC0];
	v5 =	vadd.f32 $0.0e+00, v5;
	v18 =	vmul.f32 v18, v23;
	[tilespmem:s30+$0x1CD60] =	vst v9  }
0x15f: {  	v21 =	vadd.f32 v27, v7;
	v10 =	vld [tilespmem:s14+$0x1BCD0];
	v23 =	vmul.f32 v36, v25;
	v8 =	vadd.f32 v8, v16  }
0x160: {  	v24 =	vmul.f32 v4, v22;
	v9 =	vld [tilespmem:s14+$0x1BCE0];
	v16 =	vadd.f32 v17, v5;
	v17 =	vmul.f32 v13, v26  }
0x161: {  	v13 =	vadd.f32 v32, v21;
	v7 =	vld [tilespmem:s14+$0x1BCF0];
	v8 =	vadd.f32 v35, v8  }
0x162: {  	v5 =	vld [tilespmem:s14+$0x1BD00];
	v11 =	vadd.f32 v11, v16  }
0x163: {  	v13 =	vadd.f32 v33, v13;
	v4 =	vld [tilespmem:s14+$0x1BD10];
	[tilespmem:s30+$0x1CD70] =	vst v8  }
0x164: {  	v22 =	vld [tilespmem:s14+$0x1B8A0];
	v8 =	vadd.f32 v18, v11  }
0x165: {  	v6 =	vadd.f32 v6, v13;
	v18 =	vld [tilespmem:s14+$0x1B8B0]  }
0x166: {  	v16 =	vld [tilespmem:s14+$0x1B8C0];
	v8 =	vadd.f32 v19, v8  }
0x167: {  	v6 =	vadd.f32 v20, v6;
	v13 =	vld [tilespmem:s14+$0x1B8D0]  }
0x168: {  	v11 =	vld [tilespmem:s14+$0x1B8E0];
	v19 =	vadd.f32 v23, v8  }
0x169: {  	v8 =	vld [tilespmem:s14+$0x1B8F0];
	[tilespmem:s30+$0x1CD80] =	vst v6  }
0x16a: {  	v6 =	vld [tilespmem:s14+$0x1B900];
	v17 =	vadd.f32 v17, v19  }
0x16b: {  	v26 =	vld [tilespmem:s14+$0x1B4A0]  }
.Ltmp3:
0x16c: {  	v27 =	vld [tilespmem:s14+$0x1B4B0];
	v17 =	vadd.f32 v24, v17;
	(pc) =	sbr.rel @p0 .LBB2_9-.Ltmp3, $4  }
0x16d: {  	v20 =	vld [tilespmem:s14+$0x1B4C0]  }
0x16e: {  	v25 =	vld [tilespmem:s14+$0x1B0A0];
	[tilespmem:s30+$0x1CD90] =	vst v17;
	s30 =	smov.u32 s14  }
0x16f: {  	s31 =	sadd.s32 $0x10, s31;
	v24 =	vld [tilespmem:s30+$0x1A8A0]  }
0x170: {  	s0 =	sadd.s32 $0x200, s0;
	v28 =	vld [tilespmem:s31+$0x0]  }
0x171: {  	v17 =	vld [tilespmem:s30+$0x1A0A0]  }
0x172: {  	v19 =	vld [tilespmem:s30+$0x1A0B0]  }
0x173: {  	v29 =	vld [tilespmem:s30+$0x1A0C0]  }
0x174: {  	v21 =	vld [tilespmem:s30+$0x1A4A0]  }
0x175: {  	v30 =	vld [tilespmem:s30+$0x1A4B0]  }
0x176: {  	v32 =	vld [tilespmem:s30+$0x1A8B0]  }
0x177: {  	v33 =	vld [tilespmem:s30+$0x1A4C0]  }
0x178: {  	v34 =	vld [tilespmem:s30+$0x1ACA0]  }
0x179: {  	v35 =	vld [tilespmem:s30+$0x1ACB0]  }
0x17a: {  	v53 =	vld [tilespmem:s30+$0x1A4D0];
	v31 =	vbroadcast v28, $0x0  }
0x17b: {  	v54 =	vld [tilespmem:s30+$0x1A0D0];
	v23 =	vbroadcast v28, $0x1  }
0x17c: {  	v59 =	vld [tilespmem:s30+$0x1A4E0];
	v17 =	vmul.f32 v17, v31  }
0x17d: {  	v37 =	vld [tilespmem:s30+$0x1B0B0];
	v19 =	vmul.f32 v19, v31;
	v36 =	vmul.f32 v21, v23  }
0x17e: {  	v38 =	vld [tilespmem:s30+$0x1A8C0];
	v21 =	vbroadcast v28, $0x2;
	v30 =	vmul.f32 v30, v23  }
0x17f: {  	v56 =	vld [tilespmem:s30+$0x1A8D0];
	v29 =	vmul.f32 v29, v31;
	v33 =	vmul.f32 v33, v23  }
0x180: {  	v63 =	vld [tilespmem:s30+$0x1A8E0];
	v44 =	vmul.f32 v54, v31;
	v45 =	vmul.f32 v53, v23  }
0x181: {  	v50 =	vld [tilespmem:s30+$0x1ACC0];
	v54 =	vmul.f32 v59, v23;
	v17 =	vadd.f32 $0.0e+00, v17;
	v19 =	vadd.f32 $0.0e+00, v19  }
0x182: {  	v41 =	vld [tilespmem:s30+$0x1B0C0];
	v24 =	vmul.f32 v24, v21;
	v32 =	vmul.f32 v32, v21;
	v29 =	vadd.f32 $0.0e+00, v29  }
0x183: {  	v42 =	vld [tilespmem:s30+$0x1ACD0];
	v55 =	vmul.f32 v38, v21;
	v36 =	vadd.f32 v36, v17;
	v17 =	vbroadcast v28, $0x3  }
0x184: {  	v59 =	vld [tilespmem:s30+$0x1A500];
	v46 =	vmul.f32 v56, v21;
	v30 =	vadd.f32 v30, v19;
	v19 =	vbroadcast v28, $0x4  }
0x185: {  	v56 =	vld [tilespmem:s30+$0x1A100];
	v29 =	vadd.f32 v33, v29;
	v33 =	vmul.f32 v63, v21;
	v34 =	vmul.f32 v34, v17  }
0x186: {  	v52 =	vld [tilespmem:s30+$0x1B0D0];
	v24 =	vadd.f32 v24, v36;
	v49 =	vmul.f32 v35, v17;
	v25 =	vmul.f32 v25, v19  }
0x187: {  	v30 =	vadd.f32 v32, v30;
	v51 =	vmul.f32 v37, v19;
	v58 =	vmul.f32 v50, v17  }
0x188: {  	v29 =	vadd.f32 v55, v29;
	v62 =	vmul.f32 v41, v19;
	v48 =	vmul.f32 v42, v17  }
0x189: {  	v39 =	vld [tilespmem:s30+$0x1B4D0];
	v42 =	vmul.f32 v59, v23;
	v34 =	vadd.f32 v34, v24;
	v24 =	vbroadcast v28, $0x5  }
0x18a: {  	v43 =	vld [tilespmem:s30+$0x1B0E0];
	v63 =	vmul.f32 v56, v31;
	v30 =	vadd.f32 v49, v30;
	v61 =	vadd.f32 v58, v29  }
0x18b: {  	v50 =	vld [tilespmem:s30+$0x1A4F0];
	v49 =	vmul.f32 v52, v19;
	v34 =	vadd.f32 v25, v34;
	v26 =	vmul.f32 v26, v24  }
0x18c: {  	v36 =	vld [tilespmem:s30+$0x1B4F0];
	v25 =	vbroadcast v28, $0x6;
	v30 =	vadd.f32 v51, v30;
	v27 =	vmul.f32 v27, v24  }
0x18d: {  	v28 =	vbroadcast v28, $0x7;
	v38 =	vmul.f32 v20, v24;
	v41 =	vadd.f32 v62, v61  }
0x18e: {  	v60 =	vld [tilespmem:s30+$0x1A0E0];
	v51 =	vmul.f32 v39, v24;
	v26 =	vadd.f32 v26, v34;
	v22 =	vmul.f32 v22, v25  }
0x18f: {  	v20 =	vmul.f32 v43, v19;
	v27 =	vadd.f32 v27, v30;
	v18 =	vmul.f32 v18, v25  }
0x190: {  	v58 =	vmul.f32 v50, v23;
	v15 =	vmul.f32 v15, v28;
	v22 =	vadd.f32 v22, v26  }
0x191: {  	v57 =	vld [tilespmem:s30+$0x1ACE0];
	v36 =	vmul.f32 v36, v24;
	v14 =	vmul.f32 v14, v28;
	v18 =	vadd.f32 v18, v27  }
0x192: {  	v40 =	vld [tilespmem:s30+$0x1B4E0];
	v16 =	vmul.f32 v16, v25;
	v12 =	vmul.f32 v12, v28;
	v15 =	vadd.f32 v15, v22  }
0x193: {  	v52 =	vld [tilespmem:s30+$0x1A0F0];
	v27 =	vadd.f32 $0.0e+00, v44;
	v14 =	vadd.f32 v14, v18;
	v22 =	vmul.f32 v60, v31  }
0x194: {  	v53 =	vld [tilespmem:s30+$0x1A8F0];
	v13 =	vmul.f32 v13, v25;
	v10 =	vmul.f32 v10, v28;
	[tilespmem:s30+$0x1CD20] =	vst v15;
	v15 =	vadd.f32 v38, v41  }
0x195: {  	v47 =	vld [tilespmem:s30+$0x1B0F0];
	v11 =	vmul.f32 v11, v25;
	[tilespmem:s30+$0x1CD30] =	vst v14;
	v14 =	vadd.f32 v45, v27;
	v22 =	vadd.f32 $0.0e+00, v22  }
0x196: {  	v9 =	vmul.f32 v9, v28;
	v26 =	vmul.f32 v57, v17;
	v57 =	vld [tilespmem:s30+$0x1A110];
	v15 =	vadd.f32 v16, v15  }
0x197: {  	v61 =	vld [tilespmem:s30+$0x1A510];
	v8 =	vmul.f32 v8, v25;
	v14 =	vadd.f32 v46, v14;
	v22 =	vadd.f32 v54, v22  }
0x198: {  	v55 =	vld [tilespmem:s30+$0x1ACF0];
	v7 =	vmul.f32 v7, v28;
	v16 =	vmul.f32 v52, v31;
	v12 =	vadd.f32 v12, v15  }
0x199: {  	v62 =	vld [tilespmem:s30+$0x1A900];
	v60 =	vmul.f32 v53, v21;
	v14 =	vadd.f32 v48, v14;
	v22 =	vadd.f32 v33, v22  }
0x19a: {  	v18 =	vmul.f32 v47, v19;
	v16 =	vadd.f32 $0.0e+00, v16;
	[tilespmem:s30+$0x1CD40] =	vst v12;
	v12 =	vmul.f32 v40, v24;
	v40 =	vld [tilespmem:s30+$0x1A910]  }
0x19b: {  	v41 =	vld [tilespmem:s30+$0x1AD00];
	v27 =	vmul.f32 v57, v31;
	v14 =	vadd.f32 v49, v14;
	v22 =	vadd.f32 v26, v22  }
0x19c: {  	v43 =	vld [tilespmem:s30+$0x1AD10];
	v45 =	vmul.f32 v61, v23;
	v16 =	vadd.f32 v58, v16;
	v26 =	vadd.f32 $0.0e+00, v63  }
0x19d: {  	v44 =	vld [tilespmem:s30+$0x1B100];
	v46 =	vadd.f32 $0.0e+00, v27;
	v15 =	vmul.f32 v55, v17;
	v14 =	vadd.f32 v51, v14  }
0x19e: {  	v47 =	vld [tilespmem:s30+$0x1B110];
	v48 =	vmul.f32 v62, v21;
	v16 =	vadd.f32 v60, v16;
	v26 =	vadd.f32 v42, v26  }
0x19f: {  	v35 =	vld [tilespmem:s30+$0x1B500];
	v13 =	vadd.f32 v13, v14;
	v14 =	vadd.f32 v45, v46;
	v49 =	vmul.f32 v40, v21  }
0x1a0: {  	v50 =	vmul.f32 v41, v17;
	v51 =	vld [tilespmem:s30+$0x1B510];
	v26 =	vadd.f32 v48, v26;
	v15 =	vadd.f32 v15, v16  }
0x1a1: {  	v52 =	vmul.f32 v43, v17;
	v10 =	vadd.f32 v10, v13;
	v13 =	vadd.f32 v49, v14  }
0x1a2: {  	v54 =	vmul.f32 v44, v19;
	v55 =	vld [tilespmem:s30+$0x1B910];
	v53 =	vadd.f32 v20, v22;
	v56 =	vadd.f32 v50, v26  }
0x1a3: {  	v57 =	vmul.f32 v47, v19;
	v15 =	vadd.f32 v18, v15;
	[tilespmem:s30+$0x1CD50] =	vst v10;
	v10 =	vadd.f32 v52, v13  }
0x1a4: {  	v58 =	vmul.f32 v35, v24;
	v12 =	vadd.f32 v12, v53;
	v59 =	vadd.f32 v54, v56  }
0x1a5: {  	v60 =	vmul.f32 v51, v24;
	v15 =	vadd.f32 v36, v15;
	v10 =	vadd.f32 v57, v10  }
0x1a6: {  	v6 =	vmul.f32 v6, v25;
	v11 =	vadd.f32 v11, v12;
	v61 =	vadd.f32 v58, v59  }
0x1a7: {  	v62 =	vmul.f32 v55, v25;
	v8 =	vadd.f32 v8, v15;
	v10 =	vadd.f32 v60, v10  }
0x1a8: {  	v5 =	vmul.f32 v5, v28;
	v9 =	vadd.f32 v9, v11;
	v6 =	vadd.f32 v6, v61  }
0x1a9: {  	v4 =	vmul.f32 v4, v28;
	v7 =	vadd.f32 v7, v8;
	v63 =	vadd.f32 v62, v10  }
0x1aa: {  	[tilespmem:s30+$0x1CD60] =	vst v9;
	v5 =	vadd.f32 v5, v6  }
0x1ab: {  	s26 =	sadd.s32 $0x1, s26;
	[tilespmem:s30+$0x1CD70] =	vst v7;
	v4 =	vadd.f32 v4, v63  }
0x1ac: {  	p0 =	sne.s32 s26, $0x4E2;
	[tilespmem:s30+$0x1CD80] =	vst v5  }
.Ltmp4:
0x1ad: {  	[tilespmem:s30+$0x1CD90] =	vst v4;
	(pc) =	sbr.rel @p0 .LBB2_8-.Ltmp4, $4  }
0x1ae: {  	[spmem:s4] =	stream.indirect.scatter.add.f32 [tilespmem:s24], [sflag:$0x1], $0x80, s29, s18, $0xb8;
	[tilespmem:$0x1D920] =	vst v63  }
0x1af: {  	_ =	swait.ge [sflag:s21], $0x400  }
0x1b0: {  	[sflag:s21] =	ssyncset.done $0x0  }
0x1b1: {  	[sflag:s21] =	ssyncadd.s32 $0xFFFFFC00  }
0x1b2: {  	s0 =	sadd.s32 $0x0, s5  }
0x1b3: {  	[bflag:$0x0] =	sbarrier.arrive $0xFFFF;
	p0 =	sgt.u32 s0, $0x4E1  }
0x1b4: {  	s0 =	simm.s32 @!p0 $0x1D520;
	s3 =	simm.s32 @!p0 $0x2;
	p0 =	por p0, p0  }
0x1b5: {  	[tilespmem:s0], [sflag:$0x2] =	stream.linear.gather @!p0 [spmem:s16], $0x400, $0x38;
	[tilespmem:$0x1D920] =	vst v63  }
0x1b6: {  	_ =	swait.ge @!p0 [sflag:s3], $0x400  }
0x1b7: {  	s14 =	simm.s32 $0x20;
	s19 =	simm.s32 @!p0 $0x1;
	[sflag:s3] =	ssyncset.done @!p0 $0x0  }
0x1b8: {  	s4 =	rddreg [dreg:$0x9];
	[sflag:s3] =	ssyncadd.s32 @!p0 $0xFFFFFC00;
	s3 =	simm.s32 @!p0 $0x0  }
0x1b9: {  	[hbm4b:s4+s3] =	stream.linear.scatter @!p0 [tilespmem:s0], [sflag:$0x1], $0x400, $0x38;
	[tilespmem:$0x1D920] =	vst v63  }
0x1ba: {  	s31 =	sadd.s32 $0x10, s5;
	s25 =	sadd.s32 $0x4000, s16;
	_ =	swait.ge @!p0 [sflag:s19], $0x400  }
0x1bb: {  	p1 =	sgt.u32 s31, $0x4E1;
	s0 =	sadd.s32 $0x800, s4;
	[sflag:s19] =	ssyncset.done @!p0 $0x0  }
.LBB2_12:
0x1bc: {  	s3 =	simm.s32 @!p1 $0x1D520;
	s4 =	simm.s32 @!p1 $0x2;
	[sflag:s19] =	ssyncadd.s32 @!p0 $0xFFFFFC00  }
0x1bd: {  	s26 =	smov.u32 s14;
	p0 =	por p1, p1;
	s14 =	sadd.s32 $0x10, s14  }
0x1be: {  	[tilespmem:s3], [sflag:$0x2] =	stream.linear.gather @!p0 [spmem:s25], $0x400, $0x38;
	[tilespmem:$0x1D920] =	vst v63  }
0x1bf: {  	p2 =	sne.s32 s14, $0x4F0;
	_ =	swait.ge @!p0 [sflag:s4], $0x400  }
.Ltmp5:
0x1c0: {  	[sflag:s4] =	ssyncset.done @!p0 $0x0;
	(pc) =	sbr.rel @p2 .LBB2_12-.Ltmp5, $4  }
0x1c1: {  	s19 =	simm.s32 @!p0 $0x1;
	[sflag:s4] =	ssyncadd.s32 @!p0 $0xFFFFFC00;
	s4 =	simm.s32 @!p0 $0x0  }
0x1c2: {  	[hbm4b:s0+s4] =	stream.linear.scatter @!p0 [tilespmem:s3], [sflag:$0x1], $0x400, $0x38;
	[tilespmem:$0x1D920] =	vst v63  }
0x1c3: {  	s3 =	sadd.s32 s26, s5;
	s0 =	sadd.s32 $0x800, s0;
	_ =	swait.ge @!p0 [sflag:s19], $0x400  }
0x1c4: {  	s25 =	sadd.s32 $0x4000, s25;
	p1 =	sgt.u32 s3, $0x4E1;
	[sflag:s19] =	ssyncset.done @!p0 $0x0  }
0x1c5: {  	s3 =	simm.s32 @!p1 $0x1D520  }
0x1c6: {  	s4 =	simm.s32 @!p1 $0x2;
	[sflag:s19] =	ssyncadd.s32 @!p0 $0xFFFFFC00;
	p0 =	por p1, p1  }
0x1c7: {  	[tilespmem:s3], [sflag:$0x2] =	stream.linear.gather @!p0 [spmem:s25], $0x400, $0x38;
	[tilespmem:$0x1D920] =	vst v63  }
0x1c8: {  	_ =	swait.ge @!p0 [sflag:s4], $0x400  }
0x1c9: {  	[sflag:s4] =	ssyncset.done @!p0 $0x0  }
0x1ca: {  	s14 =	simm.s32 @!p0 $0x1;
	[sflag:s4] =	ssyncadd.s32 @!p0 $0xFFFFFC00;
	s4 =	simm.s32 @!p0 $0x0  }
0x1cb: {  	[hbm4b:s0+s4] =	stream.linear.scatter @!p0 [tilespmem:s3], [sflag:$0x1], $0x400, $0x38;
	[tilespmem:$0x1D920] =	vst v63  }
0x1cc: {  	_ =	swait.ge @!p0 [sflag:s14], $0x400  }
0x1cd: {  	s30 =	rddreg [dreg:$0x6]  }
0x1ce: {  	s31 =	rddreg [dreg:$0x7];
	s19 =	sadd.s32 $0x1, s30  }
0x1cf: {  	p1 =	sne.s32 s19, s31  }
.Ltmp6:
0x1d0: {  	_ = 	snop;
	(pc) =	sbr.rel @p1 .LBB2_1-.Ltmp6, $3  }
0x1d1: {  	_ =	sdelay $0x1  }
0x1d2: {  	[sflag:s14] =	ssyncset.done @!p0 $0x0  }
0x1d3: {  	[sflag:s14] =	ssyncadd.s32 @!p0 $0xFFFFFC00  }
0x1d4: {  	_ =	sfence.sel $0x180000  }
0x1d5: {  	[bflag:$0x0] =	sbarrier.arrive $0xFFFF  }
0x1d6: {  	_ =	strace $0x9000004A  }
0x1d7: {  	[bflag:$0x2] =	sbarrier.arrive $0xFFFF  }
0x1d8: {  	p0 =	sne.s32 s5, $0x0;
	s0 =	rddreg [dreg:$0x5]  }
0x1d9: {  	s0 =	sadd.s32 @!p0 $0x100000, s0  }
0x1da: {  	[sflag:s0] =	ssyncadd.tile.s32 @!p0 $0x1;
	_ =	shalt  }
.Lfunc_end2:
_tile_overlayer_lowered:
.L_overlay_start_2:
0x1db: {  	(tag) =	ssettag $0x2  }
0x1dc: {  	s0 =	rddreg [dreg:$0x0];
	s2 =	stileid.u32  }
0x1dd: {  	s1 =	rddreg [dreg:$0x1];
	p0 =	sne.s32 s2, $0x0  }
0x1de: {  	s3 =	rddreg [dreg:$0x2];
	[bflag:$0x3] =	sbarrier.arrive $0xFFFF;
	s2 =	simm.s32 @!p0 $0x1C01  }
0x1df: {  	[timem:s3], [sflag:s2] =	dma.local @!p0 [hbm:s0], s1  }
0x1e0: {  	s0 =	simm.s32 @!p0 $0x1  }
0x1e1: {  	_ =	swait.ge @!p0 [sflag:s0], s1  }
0x1e2: {  	s1 =	ssub.s32 @!p0 $0x0, s1;
	[sflag:s0] =	ssyncset.done @!p0 $0x0  }
0x1e3: {  	[sflag:s0] =	ssyncadd.s32 @!p0 s1  }
0x1e4: {  	[bflag:$0x3] =	sbarrier.arrive $0xFFFF  }
0x1e5: {  	_ =	shalt  }

// kernel: kernel.7.cloned.1.call-start
scs
__scs_entry_jumppad:
0x0: {  	(pc) =	sbr.rel $0x88, $3  }
0x1: {  	(tag) =	ssettag $0x0;
	lr =	simm.s32 $0x1  }
0x2: {  	[smem:$0x3F95] =	sst lr;
	_ =	strace $0xD0000000  }
0x3: {  	_ = 	snop  }
0x4: {  	_ = 	snop  }
0x5: {  	_ = 	snop  }
0x6: {  	_ = 	snop  }
0x7: {  	_ = 	snop  }
__scs_overlays_trampoline_lowered:
0x8: {  	[smem:$0x3FA4] =	sst s0  }
0x9: {  	[smem:$0x3FA5] =	sst s1  }
0xa: {  	[smem:$0x3FA6] =	sst s2  }
0xb: {  	[smem:$0x3FA7] =	sst s3  }
0xc: {  	[smem:$0x3FA8] =	sst s4  }
0xd: {  	[smem:$0x3FA9] =	sst s5  }
0xe: {  	[smem:$0x3FAA] =	sst s6  }
0xf: {  	[smem:$0x3FAB] =	sst s7  }
0x10: {  	[smem:$0x3FAC] =	sst s8  }
0x11: {  	[smem:$0x3FAD] =	sst s9;
	s0 =	simm.s32 @!p0 $0x0  }
0x12: {  	s1 =	sld [smem:$0x3F93];
	s0 =	simm.s32 @p0 $0x1  }
0x13: {  	[smem:$0x3FAE] =	sst s0;
	s0 =	simm.s32 @!p1 $0x0  }
0x14: {  	s2 =	sld [smem:$0x3F92];
	s0 =	simm.s32 @p1 $0x1  }
0x15: {  	[smem:$0x3FAF] =	sst s0;
	s0 =	simm.s32 @!p2 $0x0  }
0x16: {  	s3 =	sld [smem:$0x3FDB];
	s0 =	simm.s32 @p2 $0x1  }
0x17: {  	s4 =	simm.s32 $0x1BF5;
	[smem:$0x3FB1] =	sst s0  }
0x18: {  	s0 =	sld [smem:$0x3F94];
	_ =	swait.ge [sflag:s4], $0x0  }
0x19: {  	s7 =	sld [smem:$0x3F95]  }
0x1a: {  	s8 =	sadd.s32 $0xFFFFE003, lr  }
0x1b: {  	s9 =	sadd.s32 $0xFFFFFEF7, lr;
	s5 =	simm.s32 $0xFFFFFFFF;
	p2 =	slt.u32 s8, $0xFFFFF086  }
0x1c: {  	p1 =	slt.u32 s9, $0xF7A;
	s5 =	simm.s32 @!p2 $0x0  }
0x1d: {  	s5 =	simm.s32 @p1 $0x1;
	p0 =	seq.s32 s7, s2  }
0x1e: {  	s7 =	smul.u32 @!p0 $0xF7A, s2;
	p2 =	seq.s32 @!p0 s5, $0x0  }
0x1f: {  	s9 =	smul.u32 $0xF7A, s1;
	s8 =	simm.s32 @!p0 $0x1BF5;
	p2 =	por !p2, p0  }
0x20: {  	[sflag:s8] =	ssyncset.s32 @!p0 $0xFFFFF086;
	s6 =	sadd.s32 @!p0 s3, s7;
	s7 =	simm.s32 @!p0 $0x108  }
0x21: {  	s3 =	sadd.s32 s3, s9;
	s6 =	sadd.s32 @!p0 $0x88, s6;
	s7 =	simm.s32 @p2 $0x1082  }
0x22: {  	[simem:s7], [sflag:s8] =	dma.local @!p0 [hbm:s6], $0xF7A  }
0x23: {  	s9 =	sor.u32 $0xD0000000, s2;
	s6 =	simm.s32 $0x108;
	_ =	swait.ge @!p0 [sflag:s8], $0x0  }
0x24: {  	s3 =	sadd.s32 $0x88, s3;
	s6 =	simm.s32 @!p1 $0x1082;
	[sflag:s4] =	ssyncset.s32 $0xFFFFF086  }
0x25: {  	[simem:s6], [sflag:s4] =	dma.local [hbm:s3], $0xF7A  }
0x26: {  	[smem:$0x3F95] =	sst s1;
	(tag) =	ssettag s2;
	_ =	strace s9  }
0x27: {  	s1 =	sld [smem:$0x3FA5]  }
0x28: {  	s2 =	sld [smem:$0x3FA6]  }
0x29: {  	s4 =	sld [smem:$0x3FA8]  }
0x2a: {  	p0 =	seq.s32 s5, $0x0;
	s5 =	sld [smem:$0x3FA9]  }
0x2b: {  	s6 =	sld [smem:$0x3FAA]  }
0x2c: {  	s7 =	sld [smem:$0x3FAB]  }
0x2d: {  	s3 =	simm.s32 $0x108;
	s8 =	sld [smem:$0x3FAC]  }
0x2e: {  	s3 =	simm.s32 @!p0 $0x1082;
	s9 =	sld [smem:$0x3FAD]  }
0x2f: {  	lr =	sadd.s32 s0, s3;
	s0 =	sld [smem:$0x3FA4]  }
0x30: {  	s3 =	sld [smem:$0x3FA7]  }
0x31: {  	[smem:$0x3FB0] =	sst s10  }
0x32: {  	s10 =	sld [smem:$0x3FAE];
	_ =	sdelay $0x3  }
0x33: {  	p0 =	seq.s32 s10, $0x1;
	s10 =	sld [smem:$0x3FB0];
	_ =	sdelay $0x3  }
0x34: {  	[smem:$0x3FB0] =	sst s10  }
0x35: {  	s10 =	sld [smem:$0x3FAF];
	_ =	sdelay $0x3  }
0x36: {  	p1 =	seq.s32 s10, $0x1;
	s10 =	sld [smem:$0x3FB0];
	_ =	sdelay $0x3  }
0x37: {  	[smem:$0x3FB0] =	sst s10  }
0x38: {  	s10 =	sld [smem:$0x3FB1]  }
0x39: {  	_ = 	snop;
	(pc) =	sbr.ind lr, $3  }
0x3a: {  	_ = 	snop  }
0x3b: {  	_ = 	snop  }
0x3c: {  	p2 =	seq.s32 s10, $0x1;
	s10 =	sld [smem:$0x3FB0]  }
0x3d: {  	_ =	shalt  }
0x3e: {  	_ =	shalt  }
0x3f: {  	_ =	shalt  }
0x40: {  	_ =	shalt  }
0x41: {  	_ =	shalt  }
0x42: {  	_ =	shalt  }
0x43: {  	_ =	shalt  }
0x44: {  	_ =	shalt  }
0x45: {  	_ =	shalt  }
0x46: {  	_ =	shalt  }
0x47: {  	_ =	shalt  }
0x48: {  	_ =	shalt  }
0x49: {  	_ =	shalt  }
0x4a: {  	_ =	shalt  }
0x4b: {  	_ =	shalt  }
0x4c: {  	_ =	shalt  }
0x4d: {  	_ =	shalt  }
0x4e: {  	_ =	shalt  }
0x4f: {  	_ =	shalt  }
0x50: {  	_ =	shalt  }
0x51: {  	_ =	shalt  }
0x52: {  	_ =	shalt  }
0x53: {  	_ =	shalt  }
0x54: {  	_ =	shalt  }
0x55: {  	_ =	shalt  }
0x56: {  	_ =	shalt  }
0x57: {  	_ =	shalt  }
0x58: {  	_ =	shalt  }
0x59: {  	_ =	shalt  }
0x5a: {  	_ =	shalt  }
0x5b: {  	_ =	shalt  }
0x5c: {  	_ =	shalt  }
0x5d: {  	_ =	shalt  }
0x5e: {  	_ =	shalt  }
0x5f: {  	_ =	shalt  }
0x60: {  	_ =	shalt  }
0x61: {  	_ =	shalt  }
0x62: {  	_ =	shalt  }
0x63: {  	_ =	shalt  }
0x64: {  	_ =	shalt  }
0x65: {  	_ =	shalt  }
0x66: {  	_ =	shalt  }
0x67: {  	_ =	shalt  }
0x68: {  	_ =	shalt  }
0x69: {  	_ =	shalt  }
0x6a: {  	_ =	shalt  }
0x6b: {  	_ =	shalt  }
0x6c: {  	_ =	shalt  }
0x6d: {  	_ =	shalt  }
0x6e: {  	_ =	shalt  }
0x6f: {  	_ =	shalt  }
0x70: {  	_ =	shalt  }
0x71: {  	_ =	shalt  }
0x72: {  	_ =	shalt  }
0x73: {  	_ =	shalt  }
0x74: {  	_ =	shalt  }
0x75: {  	_ =	shalt  }
0x76: {  	_ =	shalt  }
0x77: {  	_ =	shalt  }
0x78: {  	_ =	shalt  }
0x79: {  	_ =	shalt  }
0x7a: {  	_ =	shalt  }
0x7b: {  	_ =	shalt  }
0x7c: {  	_ =	shalt  }
0x7d: {  	_ =	shalt  }
0x7e: {  	_ =	shalt  }
0x7f: {  	_ =	shalt  }
0x80: {  	_ =	shalt  }
0x81: {  	_ =	shalt  }
0x82: {  	_ =	shalt  }
0x83: {  	_ =	shalt  }
0x84: {  	_ =	shalt  }
0x85: {  	_ =	shalt  }
0x86: {  	_ =	shalt  }
0x87: {  	_ =	shalt  }
.Lfunc_end0:
.L_simem_size_0:
called_computation_lowered:
.L_overlay_start_0:
0x88: {  	s2 =	sld [smem:$0x3FD9]  }
0x89: {  	s3 =	sld [smem:$0x3FFE];
	_ =	sdelay $0x1  }
0x8a: {  	s1 =	srdreg.scid  }
0x8b: {  	s0 =	sand.u32 $0x1, s1  }
0x8c: {  	s17 =	sshll.u32 s0, $0xA;
	s2 =	sadd.s32 s3, s2  }
0x8d: {  	s2 =	sadd.s32 s2, s17  }
0x8e: {  	[smem:$0x3FBC] =	sst s2  }
0x8f: {  	_ = 	snop  }
0x90: {  	s2 =	sld [smem:$0x3FD0];
	(tm) =	ssettm $0x1  }
0x91: {  	s18 =	sld [smem:$0x3FFB];
	_ =	sdelay $0x3  }
0x92: {  	_ =	strace s18  }
0x93: {  	s3 =	sld [smem:$0x3FFC];
	_ =	sdelay $0x3  }
0x94: {  	_ =	strace s3  }
0x95: {  	s3 =	sld [smem:$0x3FFD];
	_ =	sdelay $0x3  }
0x96: {  	_ =	strace s3  }
0x97: {  	_ =	strace $0x8FFFFFFF  }
0x98: {  	s19 =	sld [smem:$0x3FDB];
	_ =	sdelay $0x1  }
0x99: {  	s4 =	simm.s32 $_scs_section_size  }
0x9a: {  	s5 =	simm.s32 $_size__tile_overlayer_lowered;
	s6 =	simm.s32 $_tile_overlayer_lowered  }
0x9b: {  	s22 =	simm.s32 $0x1BFF;
	s21 =	sshll.u32 s6, $0x1;
	s3 =	sadd.s32 s4, s19  }
0x9c: {  	s7 =	simm.s32 $0x0;
	s20 =	sshll.u32 s5, $0x1;
	s5 =	sadd.s32 s21, s3  }
0x9d: {  	[timem:s7], [sflag:s22] =	dma.local [hbm:s5], s20  }
0x9e: {  	_ =	swait.ge [sflag:s22], s20  }
0x9f: {  	s4 =	ssub.s32 $0x0, s20;
	[sflag:s22] =	ssyncset.done $0x0  }
0xa0: {  	[sflag:s22] =	ssyncadd.s32 s4;
	_ =	sdelay $0x1  }
0xa1: {  	s23 =	simm.s32 $0x1B8B  }
0xa2: {  	_ =	swait.ge [sflag:s23], $0x1  }
0xa3: {  	[sflag:s23] =	ssyncset.done $0x0  }
0xa4: {  	s25 =	simm.s32 $0x1B8E;
	s24 =	sld [smem:$0x3FFE];
	[sflag:s23] =	ssyncadd.s32 $0xFFFFFFFF  }
0xa5: {  	s26 =	simm.s32 $execute0_lowered;
	[smem:$0x3FD2] =	sst s25  }
0xa6: {  	s5 =	sshll.u32 s26, $0x1;
	_ =	strace $0x80000046;
	[dreg:$0x1] =	wrdreg $0xFFFFFFFF  }
0xa7: {  	s28 =	simm.s32 $_size_execute0_lowered;
	s3 =	sadd.s32 s3, s5;
	[dreg:$0x0] =	wrdreg $0x0  }
0xa8: {  	s5 =	sshll.u32 s28, $0x1;
	[dreg:$0x2] =	wrdreg s3  }
0xa9: {  	[dreg:$0x3] =	wrdreg s5  }
0xaa: {  	[dreg:$0x4] =	wrdreg $0xC0  }
0xab: {  	_ =	task [dreg:s7], $0x5FFFF  }
0xac: {  	[dreg:$0x1] =	wrdreg $0xFFFFFFFF  }
0xad: {  	[dreg:$0x0] =	wrdreg $0x60  }
0xae: {  	[dreg:$0x2] =	wrdreg s2  }
0xaf: {  	[dreg:$0x3] =	wrdreg s24  }
0xb0: {  	[dreg:$0x4] =	wrdreg $0x0  }
0xb1: {  	[dreg:$0x5] =	wrdreg $0x27100  }
0xb2: {  	[dreg:$0x6] =	wrdreg $0x4E200  }
0xb3: {  	[dreg:$0x7] =	wrdreg $0x9  }
0xb4: {  	_ =	task.clear_ibuf [dreg:s7], $0x8FFFF;
	_ =	strace $0x90000046  }
0xb5: {  	s29 =	simm.s32 $0x9;
	_ =	strace $0x80000048  }
0xb6: {  	_ =	swait.ge [sflag:s29], $0x1  }
0xb7: {  	[sflag:s29] =	ssyncadd.s32 $0xFFFFFFFF  }
0xb8: {  	_ =	strace $0x90000048  }
0xb9: {  	_ =	sfence  }
0xba: {  	s30 =	sld [smem:$0x0];
	_ =	sdelay $0x2  }
0xbb: {  	s31 =	sshll.u32 s1, $0xD;
	s1 =	sshrl.u32 s1, $0x2  }
0xbc: {  	s3 =	sand.u32 $0x4000, s31;
	s1 =	sadd.s32 s1, s30  }
0xbd: {  	s0 =	sor.u32 s3, s0;
	s1 =	sshll.u32 s1, $0x11  }
0xbe: {  	s0 =	sor.u32 s1, s0  }
0xbf: {  	s0 =	sadd.s32 $0x8F2B, s0  }
0xc0: {  	[sflag:s0] =	ssyncadd.remote.s32 $0x1  }
0xc1: {  	_ =	sfence.sel $0xFFFF  }
0xc2: {  	[dreg:$0x0] =	wrdreg $0xFFFFFFFF;
	(pc) =	sbr.abs _section_cstart, $3  }
0xc3: {  	[dreg:$0x1] =	wrdreg $0xFFFFFFFF  }
0xc4: {  	_ =	task.clear_ibuf [dreg:s7], $0x2FFFF;
	_ =	strace $0x9FFFFFFF  }
0xc5: {  	(tm) =	ssettm $0x7FFFFFFF  }
tec
execute0_lowered:
.L_overlay_start_1:
0x0: {  	(tag) =	ssettag $0x1  }
0x1: {  	s0 =	rddreg [dreg:$0x0]  }
0x2: {  	s3 =	rddreg [dreg:$0x1]  }
0x3: {  	s1 =	rddreg [dreg:$0x2]  }
0x4: {  	s2 =	rddreg [dreg:$0x3]  }
0x5: {  	s16 =	rddreg [dreg:$0x4];
	s19 =	simm.s32 $0x0  }
0x6: {  	s4 =	srdreg.scid;
	s5 =	stileid.u32;
	s20 =	simm.s32 $0x186A0  }
0x7: {  	s21 =	simm.s32 $0x1;
	s22 =	simm.s32 $0x18720;
	s23 =	simm.s32 $0x10  }
0x8: {  	s28 =	simm.s32 $0x19FA0;
	s29 =	simm.s32 $0x1A020;
	s24 =	simm.s32 $0x1CD20  }
0x9: {  	[smem:$0x7FF] =	sst s19;
	s4 =	sand.u32 $0x1, s4;
	s6 =	sadd.s32 $0x15E00, s3  }
0xa: {  	s7 =	sadd.s32 $0xC000, s3;
	s14 =	sshll.u32 s5, $0xA;
	s11 =	smul.u32 $0x2710, s5  }
0xb: {  	s13 =	sadd.s32 $0x16100, s3;
	s30 =	sshll.u32 s5, $0x7;
	s8 =	smul.u32 $0x138800, s4  }
0xc: {  	_ =	strace $0x80000047;
	s9 =	smul.u32 $0x27100, s4;
	s4 =	ssub.s32 $0x2, s4  }
0xd: {  	v0 =	vimm.s32 $0xFEDCBA98;
	s15 =	sadd.s32 s14, s1;
	s16 =	sadd.s32 s14, s16;
	s0 =	sadd.s32 s30, s0  }
0xe: {  	v1 =	vimm.s32 $0x76543210;
	v0 =	vunpack.c.l.s4.s8 v0;
	s17 =	sadd.s32 s14, s2;
	s12 =	sshrl.u32 s4, $0x1;
	[dreg:$0x8] =	wrdreg s0  }
0xf: {  	v1 =	vunpack.c.l.s4.s8 v1;
	s10 =	sadd.s32 s14, s8;
	s8 =	sadd.s32 $0x2200, s3;
	s4 =	ssub.s32 s4, s12  }
0x10: {  	v0 =	vunpack.c.0.s8.s32 v0;
	s25 =	sadd.s32 s11, s9;
	s9 =	smul.u32 $0x4E20, s5;
	s10 =	sshrl.u32 s10, $0x3  }
0x11: {  	v3 =	vlaneseq.u32;
	vm0 =	vmmov $0xffff;
	v1 =	vunpack.c.0.s8.s32 v1;
	s11 =	sadd.s32 $0x15F00, s3;
	s26 =	smax.u32 s4, $0x1;
	s18 =	sadd.s32 s10, s3  }
0x12: {  	v4 =	vshrl.u32 v3, $0x3;
	s12 =	sadd.s32 $0x16000, s3;
	v2 =	vand.u32 $0xF, v0;
	v0 =	vimm.f32 $0.0e+00;
	[dreg:$0x7] =	wrdreg s26;
	s31 =	sadd.s32 $0x14E600, s18  }
0x13: {  	s10 =	sshrl.u32 s25, $0x3;
	v1 =	vcombine.low v2, v1;
	v2 =	vand.u32 $0x7, v3;
	v3 =	vmul.u32 $0x8, v4;
	s18 =	simm.s32 $0x8;
	[dreg:$0x9] =	wrdreg s31  }
.LBB2_1:
0x14: {  	[tilespmem:$0x1D120] =	vst v0  }
0x15: {  	[tilespmem:$0x1D1A0] =	vst v0  }
0x16: {  	[tilespmem:$0x1D220] =	vst v0  }
0x17: {  	[tilespmem:$0x1D2A0] =	vst v0  }
0x18: {  	[tilespmem:$0x1D320] =	vst v0  }
0x19: {  	[tilespmem:$0x1D3A0] =	vst v0  }
0x1a: {  	[tilespmem:$0x1D420] =	vst v0  }
0x1b: {  	[tilespmem:$0x1D4A0] =	vst v0  }
0x1c: {  	[tilespmem:$0x1D520] =	vst v0  }
0x1d: {  	[tilespmem:$0x1D530] =	vst v0  }
0x1e: {  	[tilespmem:$0x1D540] =	vst v0  }
0x1f: {  	[tilespmem:$0x1D550] =	vst v0  }
0x20: {  	[tilespmem:$0x1D560] =	vst v0  }
0x21: {  	[tilespmem:$0x1D570] =	vst v0  }
0x22: {  	[tilespmem:$0x1D580] =	vst v0  }
0x23: {  	[tilespmem:$0x1D590] =	vst v0  }
0x24: {  	[tilespmem:$0x1D5A0] =	vst v0  }
0x25: {  	[tilespmem:$0x1D5B0] =	vst v0  }
0x26: {  	[tilespmem:$0x1D5C0] =	vst v0  }
0x27: {  	[tilespmem:$0x1D5D0] =	vst v0  }
0x28: {  	[tilespmem:$0x1D5E0] =	vst v0  }
0x29: {  	[tilespmem:$0x1D5F0] =	vst v0  }
0x2a: {  	[tilespmem:$0x1D600] =	vst v0  }
0x2b: {  	[tilespmem:$0x1D610] =	vst v0  }
0x2c: {  	[tilespmem:$0x1D620] =	vst v0  }
0x2d: {  	[tilespmem:$0x1D630] =	vst v0  }
0x2e: {  	[tilespmem:$0x1D640] =	vst v0  }
0x2f: {  	[tilespmem:$0x1D650] =	vst v0  }
0x30: {  	[tilespmem:$0x1D660] =	vst v0  }
0x31: {  	[tilespmem:$0x1D670] =	vst v0  }
0x32: {  	[tilespmem:$0x1D680] =	vst v0  }
0x33: {  	[tilespmem:$0x1D690] =	vst v0  }
0x34: {  	[tilespmem:$0x1D6A0] =	vst v0  }
0x35: {  	[tilespmem:$0x1D6B0] =	vst v0  }
0x36: {  	[tilespmem:$0x1D6C0] =	vst v0  }
0x37: {  	[tilespmem:$0x1D6D0] =	vst v0  }
0x38: {  	[tilespmem:$0x1D6E0] =	vst v0  }
0x39: {  	[tilespmem:$0x1D6F0] =	vst v0  }
0x3a: {  	[tilespmem:$0x1D700] =	vst v0  }
0x3b: {  	[tilespmem:$0x1D710] =	vst v0  }
0x3c: {  	[tilespmem:$0x1D720] =	vst v0  }
0x3d: {  	[tilespmem:$0x1D730] =	vst v0  }
0x3e: {  	[tilespmem:$0x1D740] =	vst v0  }
0x3f: {  	[tilespmem:$0x1D750] =	vst v0  }
0x40: {  	[tilespmem:$0x1D760] =	vst v0  }
0x41: {  	[tilespmem:$0x1D770] =	vst v0  }
0x42: {  	[tilespmem:$0x1D780] =	vst v0  }
0x43: {  	[tilespmem:$0x1D790] =	vst v0  }
0x44: {  	[tilespmem:$0x1D7A0] =	vst v0  }
0x45: {  	[tilespmem:$0x1D7B0] =	vst v0  }
0x46: {  	[tilespmem:$0x1D7C0] =	vst v0  }
0x47: {  	[tilespmem:$0x1D7D0] =	vst v0  }
0x48: {  	[tilespmem:$0x1D7E0] =	vst v0  }
0x49: {  	[tilespmem:$0x1D7F0] =	vst v0  }
0x4a: {  	[tilespmem:$0x1D800] =	vst v0  }
0x4b: {  	[tilespmem:$0x1D810] =	vst v0  }
0x4c: {  	[tilespmem:$0x1D820] =	vst v0  }
0x4d: {  	[tilespmem:$0x1D830] =	vst v0  }
0x4e: {  	[tilespmem:$0x1D840] =	vst v0  }
0x4f: {  	[tilespmem:$0x1D850] =	vst v0  }
0x50: {  	[tilespmem:$0x1D860] =	vst v0  }
0x51: {  	[tilespmem:$0x1D870] =	vst v0  }
0x52: {  	[tilespmem:$0x1D880] =	vst v0  }
0x53: {  	[tilespmem:$0x1D890] =	vst v0  }
0x54: {  	[tilespmem:$0x1D8A0] =	vst v0  }
0x55: {  	[tilespmem:$0x1D8B0] =	vst v0  }
0x56: {  	[tilespmem:$0x1D8C0] =	vst v0  }
0x57: {  	[tilespmem:$0x1D8D0] =	vst v0  }
0x58: {  	[tilespmem:$0x1D8E0] =	vst v0  }
0x59: {  	[tilespmem:$0x1D8F0] =	vst v0;
	p0 =	sgt.u32 s5, $0x4E1  }
0x5a: {  	[dreg:$0x6] =	wrdreg s19;
	[tilespmem:$0x1D900] =	vst v0;
	s0 =	simm.s32 @!p0 $0x1D120  }
0x5b: {  	[tilespmem:$0x1D910] =	vst v0;
	s14 =	sadd.s32 @!p0 $0x0, s17;
	s19 =	simm.s32 @!p0 $0x2;
	p0 =	por p0, p0  }
0x5c: {  	[spmem:s14] =	stream.linear.scatter @!p0 [tilespmem:s0], [sflag:$0x2], $0x400, $0x38;
	[tilespmem:$0x1D920] =	vst v63  }
0x5d: {  	_ =	swait.ge @!p0 [sflag:s19], $0x400  }
0x5e: {  	s0 =	sshll.u32 @!p0 s5, $0x6;
	s14 =	sadd.s32 @!p0 $0x0, s16;
	[sflag:s19] =	ssyncset.done @!p0 $0x0  }
0x5f: {  	s25 =	simm.s32 @!p0 $0x1D520;
	s26 =	sadd.s32 @!p0 $0x0, s15;
	[sflag:s19] =	ssyncadd.s32 @!p0 $0xFFFFFC00  }
0x60: {  	[spmem:s14] =	stream.linear.scatter @!p0 [tilespmem:s25], [sflag:$0x2], $0x400, $0x38;
	[tilespmem:$0x1D920] =	vst v63  }
0x61: {  	s0 =	sor.u32 @!p0 $0x1C01, s0;
	s25 =	sadd.s32 $0x10, s5;
	_ =	swait.ge @!p0 [sflag:s19], $0x400  }
0x62: {  	s26 =	sshrl.u32 @!p0 s26, $0x3;
	p2 =	sgt.u32 s25, $0x4E1;
	[sflag:s19] =	ssyncset.done @!p0 $0x0  }
0x63: {  	s3 =	rddreg [dreg:$0x8];
	[sflag:s19] =	ssyncadd.s32 @!p0 $0xFFFFFC00;
	s19 =	simm.s32 @!p0 $0x1  }
0x64: {  	[spmem:s26], [sflag:s0] =	dma.local @!p0 [hbm:s3], $0x80  }
0x65: {  	s14 =	simm.s32 $0x20000;
	s30 =	simm.s32 @!p2 $0x1D120;
	_ =	swait.ge @!p0 [sflag:s19], $0x80  }
0x66: {  	s0 =	sadd.s32 $0x800, s3;
	s26 =	simm.s32 @!p2 $0x4000;
	[sflag:s19] =	ssyncset.done @!p0 $0x0  }
.LBB2_2:
0x67: {  	s31 =	sadd.s32 @!p2 s26, s17;
	s4 =	simm.s32 @!p2 $0x2  }
0x68: {  	[sflag:s19] =	ssyncadd.s32 @!p0 $0xFFFFFF80;
	s3 =	smov.u32 s14;
	p0 =	por p2, p2  }
0x69: {  	[spmem:s31] =	stream.linear.scatter @!p0 [tilespmem:s30], [sflag:$0x2], $0x400, $0x38;
	[tilespmem:$0x1D920] =	vst v63  }
0x6a: {  	s14 =	sadd.s32 $0x10000, s14;
	s19 =	sshll.u32 @!p0 s5, $0x6;
	_ =	swait.ge @!p0 [sflag:s4], $0x400  }
0x6b: {  	p1 =	sne.s32 s14, $0x4F0000;
	s30 =	sor.u32 @!p0 $0x1C01, s19;
	[sflag:s4] =	ssyncset.done @!p0 $0x0  }
0x6c: {  	s31 =	simm.s32 @!p0 $0x1D520;
	s19 =	sadd.s32 @!p0 s26, s16;
	[sflag:s4] =	ssyncadd.s32 @!p0 $0xFFFFFC00  }
0x6d: {  	[spmem:s19] =	stream.linear.scatter @!p0 [tilespmem:s31], [sflag:$0x2], $0x400, $0x38;
	[tilespmem:$0x1D920] =	vst v63  }
0x6e: {  	s25 =	sadd.s32 $0x10, s25;
	_ =	swait.ge @!p0 [sflag:s4], $0x400  }
.Ltmp0:
0x6f: {  	s19 =	sadd.s32 @!p0 s26, s15;
	[sflag:s4] =	ssyncset.done @!p0 $0x0;
	(pc) =	sbr.rel @p1 .LBB2_2-.Ltmp0, $4  }
0x70: {  	[sflag:s4] =	ssyncadd.s32 @!p0 $0xFFFFFC00;
	s4 =	sshrl.u32 @!p0 s19, $0x3;
	s19 =	simm.s32 @!p0 $0x1  }
0x71: {  	[spmem:s4], [sflag:s30] =	dma.local @!p0 [hbm:s0], $0x80  }
0x72: {  	p2 =	sgt.u32 s25, $0x4E1;
	s0 =	sadd.s32 $0x800, s0;
	_ =	swait.ge @!p0 [sflag:s19], $0x80  }
0x73: {  	s26 =	sshra.s32 @!p2 s3, $0x2;
	s30 =	simm.s32 @!p2 $0x1D120;
	[sflag:s19] =	ssyncset.done @!p0 $0x0  }
0x74: {  	s3 =	sadd.s32 @!p2 s26, s17  }
0x75: {  	s4 =	simm.s32 @!p2 $0x2;
	[sflag:s19] =	ssyncadd.s32 @!p0 $0xFFFFFF80;
	p0 =	por p2, p2  }
0x76: {  	[spmem:s3] =	stream.linear.scatter @!p0 [tilespmem:s30], [sflag:$0x2], $0x400, $0x38;
	[tilespmem:$0x1D920] =	vst v63  }
0x77: {  	_ =	swait.ge @!p0 [sflag:s4], $0x400  }
0x78: {  	[sflag:s4] =	ssyncset.done @!p0 $0x0  }
0x79: {  	s3 =	sadd.s32 @!p0 s26, s16;
	s14 =	simm.s32 @!p0 $0x1D520;
	[sflag:s4] =	ssyncadd.s32 @!p0 $0xFFFFFC00  }
0x7a: {  	[spmem:s3] =	stream.linear.scatter @!p0 [tilespmem:s14], [sflag:$0x2], $0x400, $0x38;
	[tilespmem:$0x1D920] =	vst v63  }
0x7b: {  	s3 =	sshll.u32 @!p0 s5, $0x6;
	_ =	swait.ge @!p0 [sflag:s4], $0x400  }
0x7c: {  	s14 =	sadd.s32 @!p0 s26, s15;
	s3 =	sor.u32 @!p0 $0x1C01, s3;
	[sflag:s4] =	ssyncset.done @!p0 $0x0  }
0x7d: {  	[sflag:s4] =	ssyncadd.s32 @!p0 $0xFFFFFC00;
	s4 =	sshrl.u32 @!p0 s14, $0x3;
	s14 =	simm.s32 @!p0 $0x1  }
0x7e: {  	[spmem:s4], [sflag:s3] =	dma.local @!p0 [hbm:s0], $0x80  }
0x7f: {  	_ =	swait.ge @!p0 [sflag:s14], $0x80  }
0x80: {  	[sflag:s14] =	ssyncset.done @!p0 $0x0  }
0x81: {  	[sflag:s14] =	ssyncadd.s32 @!p0 $0xFFFFFF80  }
0x82: {  	s25 =	simm.s32 $0x0;
	s0 =	simm.s32 $0x0;
	[bflag:$0x0] =	sbarrier.arrive $0xFFFF  }
.LBB2_4:
0x83: {  	s3 =	sshll.u32 s25, $0x4  }
0x84: {  	s3 =	sadd.s32 s9, s3  }
0x85: {  	s3 =	sshrl.u32 s3, $0x3  }
0x86: {  	s4 =	sadd.s32 s7, s3  }
0x87: {  	[tilespmem:s20], [sflag:$0x1] =	stream.linear.gather [hbm4b:s4+s0], $0x10, $0x38;
	[tilespmem:$0x1D920] =	vst v63  }
0x88: {  	_ =	swait.ge [sflag:s21], $0x10  }
0x89: {  	[sflag:s21] =	ssyncset.done $0x0  }
0x8a: {  	s3 =	sadd.s32 s8, s3;
	[sflag:s21] =	ssyncadd.s32 $0xFFFFFFF0  }
0x8b: {  	[tilespmem:s22], [sflag:$0x1] =	stream.linear.gather [hbm4b:s3+s0], $0x10, $0x38;
	[tilespmem:$0x1D920] =	vst v63  }
0x8c: {  	_ =	swait.ge [sflag:s21], $0x10  }
0x8d: {  	[sflag:s21] =	ssyncset.done $0x0  }
0x8e: {  	s19 =	simm.s32 $0x187A0;
	[sflag:s21] =	ssyncadd.s32 $0xFFFFFFF0  }
0x8f: {  	[tilespmem:s19], [sflag:$0x1] =	stream.indirect.gather [spmem:s1], $0x10, s20, s23, $0xb8;
	[tilespmem:$0x1D920] =	vst v63  }
0x90: {  	_ =	swait.ge [sflag:s21], $0x100  }
0x91: {  	[sflag:s21] =	ssyncset.done $0x0  }
0x92: {  	s26 =	simm.s32 $0x18FA0;
	[sflag:s21] =	ssyncadd.s32 $0xFFFFFF00  }
0x93: {  	[tilespmem:s26], [sflag:$0x1] =	stream.indirect.gather [spmem:s1], $0x10, s22, s23, $0xb8;
	[tilespmem:$0x1D920] =	vst v63  }
0x94: {  	_ =	swait.ge [sflag:s21], $0x100  }
0x95: {  	[sflag:s21] =	ssyncset.done $0x0  }
0x96: {  	s14 =	simm.s32 $0x0;
	[sflag:s21] =	ssyncadd.s32 $0xFFFFFF00  }
0x97: {  	s26 =	simm.s32 $0x80;
	v4 =	vld [tilespmem:s14+$0x18FA0]  }
0x98: {  	v5 =	vld [tilespmem:s26+$0x18FA0]  }
0x99: {  	v6 =	vld [tilespmem:s14+$0x187A0];
	_ =	sdelay $0x1  }
0x9a: {  	v7 =	vld [tilespmem:s26+$0x187A0]  }
0x9b: {  	v4 =	vperm.xlane v4, v1;
	_ =	sdelay $0x1  }
0x9c: {  	v5 =	vperm.xlane v5, v1;
	v4 =	vadd.f32 v4, v6;
	_ =	sdelay $0x1  }
0x9d: {  	v5 =	vadd.f32 v5, v7;
	v7 =	vmul.f32 $2.000000030e-01, v4  }
0x9e: {  	s30 =	simm.s32 $0x100  }
0x9f: {  	v8 =	vld [tilespmem:s30+$0x18FA0];
	v4 =	vmax.f32 v4, v7  }
0xa0: {  	v4 =	vmul.f32 $1.442695020e+00, v4  }
0xa1: {  	v9 =	vmul.f32 $2.000000030e-01, v5  }
0xa2: {  	v6 =	vld [tilespmem:s30+$0x187A0];
	(erf) = vpow2.f32 v4  }
0xa3: {  	v5 =	vmax.f32 v5, v9  }
0xa4: {  	v7 =	vperm.xlane v8, v1;
	v8 =	vmul.f32 $1.442695020e+00, v5  }
0xa5: {  	s31 =	simm.s32 $0x180  }
0xa6: {  	v4 =	vld [tilespmem:s31+$0x18FA0];
	(erf) = vpow2.f32 v8  }
0xa7: {  	v5 =	vadd.f32 v7, v6  }
0xa8: {  	v6 =	vld [tilespmem:s31+$0x187A0]  }
0xa9: {  	s19 =	simm.s32 $0x800;
	v7 =	vmul.f32 $2.000000030e-01, v5  }
.LBB2_5:
0xaa: {  	p0 =	sne.s32 s19, $0x1E00  }
.Ltmp1:
0xab: {  	s3 =	sshra.s32 s19, $0x2;
	s19 =	sadd.s32 $0x200, s19;
	v8 =	vperm.xlane v4, v1;
	v5 =	vmax.f32 v5, v7;
	v7 =	vpop (erf);
	(pc) =	sbr.rel @p0 .LBB2_5-.Ltmp1, $4  }
0xac: {  	v4 =	vld [tilespmem:s3+$0x18FA0];
	v9 =	vmul.f32 $1.442695020e+00, v5;
	[tilespmem:s14+$0x197A0] =	vst v7;
	s14 =	smov.u32 s26;
	s26 =	smov.u32 s30  }
0xad: {  	s30 =	smov.u32 s31;
	s31 =	smov.u32 s3;
	v5 =	vadd.f32 v8, v6  }
0xae: {  	v6 =	vld [tilespmem:s31+$0x187A0];
	(erf) = vpow2.f32 v9  }
0xaf: {  	v7 =	vmul.f32 $2.000000030e-01, v5  }
0xb0: {  	_ = 	snop  }
0xb1: {  	v4 =	vperm.xlane v4, v1;
	_ =	sdelay $0x1  }
0xb2: {  	v4 =	vadd.f32 v4, v6;
	_ =	sdelay $0x1  }
0xb3: {  	v6 =	vmul.f32 $2.000000030e-01, v4  }
0xb4: {  	v5 =	vmax.f32 v5, v7  }
0xb5: {  	v5 =	vmul.f32 $1.442695020e+00, v5;
	v4 =	vmax.f32 v4, v6  }
0xb6: {  	v4 =	vmul.f32 $1.442695020e+00, v4  }
0xb7: {  	(erf) = vpow2.f32 v5  }
0xb8: {  	(erf) = vpow2.f32 v4;
	_ =	sdelay $0x5  }
0xb9: {  	v4 =	vpop (erf)  }
0xba: {  	v5 =	vpop (erf);
	[tilespmem:s14+$0x197A0] =	vst v4  }
0xbb: {  	s25 =	sadd.s32 $0x1, s25;
	[tilespmem:s26+$0x197A0] =	vst v5;
	v4 =	vpop (erf)  }
0xbc: {  	p0 =	sne.s32 s25, $0x4E2;
	[tilespmem:s30+$0x197A0] =	vst v4;
	v4 =	vpop (erf)  }
.Ltmp2:
0xbd: {  	s3 =	simm.s32 $0x197A0;
	[tilespmem:s31+$0x197A0] =	vst v4;
	(pc) =	sbr.rel @p0 .LBB2_4-.Ltmp2, $4  }
0xbe: {  	[spmem:s2] =	stream.indirect.scatter.add.f32 [tilespmem:s3], [sflag:$0x1], $0x10, s22, s23, $0xb8;
	[tilespmem:$0x1D920] =	vst v63  }
0xbf: {  	_ =	swait.ge [sflag:s21], $0x100  }
0xc0: {  	[sflag:s21] =	ssyncset.done $0x0  }
0xc1: {  	[sflag:s21] =	ssyncadd.s32 $0xFFFFFF00  }
0xc2: {  	[bflag:$0x0] =	sbarrier.arrive $0xFFFF;
	s25 =	simm.s32 $0x0  }
0xc3: {  	s26 =	simm.s32 $0x0;
	s19 =	simm.s32 $0x1A0A0;
	s4 =	rddreg [dreg:$0x4]  }
.LBB2_8:
0xc4: {  	s0 =	sadd.s32 s10, s26  }
0xc5: {  	s3 =	sadd.s32 s7, s0  }
0xc6: {  	[tilespmem:s28], [sflag:$0x1] =	stream.linear.gather [hbm4b:s3+s25], $0x8, $0x38;
	[tilespmem:$0x1D920] =	vst v63  }
0xc7: {  	_ =	swait.ge [sflag:s21], $0x8  }
0xc8: {  	[sflag:s21] =	ssyncset.done $0x0  }
0xc9: {  	s0 =	sadd.s32 s8, s0;
	[sflag:s21] =	ssyncadd.s32 $0xFFFFFFF8  }
0xca: {  	[tilespmem:s29], [sflag:$0x1] =	stream.linear.gather [hbm4b:s0+s25], $0x8, $0x38;
	[tilespmem:$0x1D920] =	vst v63  }
0xcb: {  	_ =	swait.ge [sflag:s21], $0x8  }
0xcc: {  	[sflag:s21] =	ssyncset.done $0x0  }
0xcd: {  	[sflag:s21] =	ssyncadd.s32 $0xFFFFFFF8  }
0xce: {  	v4 =	vld.msk [tilespmem:$0x19FA0], $0xff;
	_ =	sdelay $0x4  }
0xcf: {  	v5 =	vshll.u32 v4, $0x3  }
0xd0: {  	v4 =	vand.u32 $0x7, v4;
	v5 =	vand.u32 $0xFFFFFFC0, v5  }
0xd1: {  	v4 =	vor.u32 v4, v5  }
0xd2: {  	v4 =	vperm.xlane v4, v2;
	_ =	sdelay $0x1  }
0xd3: {  	v4 =	vadd.s32 v3, v4;
	_ =	sdelay $0x4  }
0xd4: {  	[tilespmem:s19], [sflag:$0x1] =	stream.indirect_vreg.gather [hbm4b:s6+s25], $0x80, v4, vm0, $0xb8;
	[tilespmem:$0x1D920] =	vst v63  }
0xd5: {  	s3 =	simm.s32 $0x1A8A0  }
0xd6: {  	[tilespmem:s3], [sflag:$0x1] =	stream.indirect_vreg.gather [hbm4b:s11+s25], $0x80, v4, vm0, $0xb8;
	[tilespmem:$0x1D920] =	vst v63  }
0xd7: {  	s14 =	simm.s32 $0x1B0A0  }
0xd8: {  	[tilespmem:s14], [sflag:$0x1] =	stream.indirect_vreg.gather [hbm4b:s12+s25], $0x80, v4, vm0, $0xb8;
	[tilespmem:$0x1D920] =	vst v63  }
0xd9: {  	s3 =	simm.s32 $0x1B8A0  }
0xda: {  	[tilespmem:s3], [sflag:$0x1] =	stream.indirect_vreg.gather [hbm4b:s13+s25], $0x80, v4, vm0, $0xb8;
	[tilespmem:$0x1D920] =	vst v63  }
0xdb: {  	_ =	swait.ge [sflag:s21], $0x2000  }
0xdc: {  	[sflag:s21] =	ssyncset.done $0x0  }
0xdd: {  	s14 =	simm.s32 $0x1C0A0;
	[sflag:s21] =	ssyncadd.s32 $0xFFFFE000  }
0xde: {  	[tilespmem:s14], [sflag:$0x1] =	stream.indirect.gather [spmem:s1], $0x10, s28, s18, $0xb8;
	[tilespmem:$0x1D920] =	vst v63  }
0xdf: {  	_ =	swait.ge [sflag:s21], $0x80  }
0xe0: {  	[sflag:s21] =	ssyncset.done $0x0  }
0xe1: {  	s3 =	simm.s32 $0x1C4A0;
	[sflag:s21] =	ssyncadd.s32 $0xFFFFFF80  }
0xe2: {  	[tilespmem:s3], [sflag:$0x1] =	stream.indirect.gather [spmem:s1], $0x10, s29, s18, $0xb8;
	[tilespmem:$0x1D920] =	vst v63  }
0xe3: {  	_ =	swait.ge [sflag:s21], $0x80  }
0xe4: {  	[sflag:s21] =	ssyncset.done $0x0  }
0xe5: {  	s14 =	simm.s32 $0x1C8A0;
	[sflag:s21] =	ssyncadd.s32 $0xFFFFFF80  }
0xe6: {  	[tilespmem:s14], [sflag:$0x1] =	stream.indirect.gather [spmem:s2], $0x10, s29, s18, $0xb8;
	[tilespmem:$0x1D920] =	vst v63  }
0xe7: {  	_ =	swait.ge [sflag:s21], $0x80  }
0xe8: {  	[sflag:s21] =	ssyncset.done $0x0  }
0xe9: {  	[sflag:s21] =	ssyncadd.s32 $0xFFFFFF80  }
0xea: {  	v4 =	vld [tilespmem:$0x1C4A0]  }
0xeb: {  	v5 =	vld [tilespmem:$0x1C0A0]  }
0xec: {  	v6 =	vld [tilespmem:$0x1C520]  }
0xed: {  	v7 =	vld [tilespmem:$0x1C120]  }
0xee: {  	v8 =	vld [tilespmem:$0x1C5A0]  }
0xef: {  	v4 =	vperm.xlane v4, v1  }
0xf0: {  	v9 =	vld [tilespmem:$0x1C1A0]  }
0xf1: {  	v10 =	vld [tilespmem:$0x1C620];
	v6 =	vperm.xlane v6, v1;
	v4 =	vadd.f32 v4, v5  }
0xf2: {  	v5 =	vld [tilespmem:$0x1C8A0]  }
0xf3: {  	v12 =	vld [tilespmem:$0x1C920];
	v6 =	vadd.f32 v6, v7;
	v7 =	vperm.xlane v8, v1;
	v11 =	vmul.f32 $2.000000030e-01, v4  }
0xf4: {  	v8 =	vld [tilespmem:$0x1C220]  }
0xf5: {  	v7 =	vadd.f32 v7, v9;
	v9 =	vld [tilespmem:$0x1C6A0];
	v4 =	vmax.f32 v4, v11;
	v11 =	vmul.f32 $2.000000030e-01, v6  }
0xf6: {  	v10 =	vperm.xlane v10, v1;
	v4 =	vmul.f32 $1.442695020e+00, v4  }
0xf7: {  	v13 =	vld [tilespmem:$0x1C9A0];
	v5 =	vadd.f32 $1.000000020e-16, v5;
	v6 =	vmax.f32 v6, v11;
	v11 =	vmul.f32 $2.000000030e-01, v7  }
0xf8: {  	(erf) = vpow2.f32 v4;
	v4 =	vmul.f32 $1.442695020e+00, v6;
	v6 =	vld [tilespmem:$0x1C2A0]  }
0xf9: {  	(erf) = vrcp.f32 v5;
	v5 =	vmax.f32 v7, v11;
	v7 =	vadd.f32 v10, v8;
	v8 =	vld [tilespmem:$0x1CA20]  }
0xfa: {  	v9 =	vperm.xlane v9, v1;
	v10 =	vld [tilespmem:$0x1C720];
	(erf) = vpow2.f32 v4;
	v4 =	vadd.f32 $1.000000020e-16, v12  }
0xfb: {  	v5 =	vmul.f32 $1.442695020e+00, v5;
	v12 =	vld [tilespmem:$0x1C320];
	v11 =	vmul.f32 $2.000000030e-01, v7  }
0xfc: {  	(erf) = vrcp.f32 v4;
	v4 =	vadd.f32 $1.000000020e-16, v13;
	v13 =	vld [tilespmem:$0x1C7A0]  }
0xfd: {  	(erf) = vpow2.f32 v5;
	v5 =	vmax.f32 v7, v11;
	v6 =	vadd.f32 v9, v6;
	v7 =	vld [tilespmem:$0x1C3A0]  }
0xfe: {  	(erf) = vrcp.f32 v4;
	v4 =	vmul.f32 $1.442695020e+00, v5;
	v5 =	vld [tilespmem:$0x1C820]  }
0xff: {  	v11 =	vld [tilespmem:$0x1CAA0];
	v10 =	vperm.xlane v10, v1;
	v9 =	vmul.f32 $2.000000030e-01, v6  }
0x100: {  	(erf) = vpow2.f32 v4;
	v4 =	vadd.f32 $1.000000020e-16, v8;
	v8 =	vld [tilespmem:$0x1C420]  }
0x101: {  	v6 =	vmax.f32 v6, v9;
	v9 =	vadd.f32 v10, v12;
	v10 =	vperm.xlane v13, v1  }
0x102: {  	(erf) = vrcp.f32 v4;
	v4 =	vmul.f32 $1.442695020e+00, v6;
	v6 =	vld [tilespmem:$0x1CB20]  }
0x103: {  	v12 =	vmul.f32 $2.000000030e-01, v9;
	v7 =	vadd.f32 v10, v7;
	v5 =	vperm.xlane v5, v1  }
0x104: {  	v10 =	vld [tilespmem:$0x1CBA0];
	(erf) = vpow2.f32 v4;
	v4 =	vadd.f32 $1.000000020e-16, v11  }
0x105: {  	v9 =	vmax.f32 v9, v12;
	v11 =	vmul.f32 $2.000000030e-01, v7;
	v5 =	vadd.f32 v5, v8  }
0x106: {  	v8 =	vld [tilespmem:$0x1CC20];
	(erf) = vrcp.f32 v4;
	v4 =	vmul.f32 $1.442695020e+00, v9  }
0x107: {  	v6 =	vadd.f32 $1.000000020e-16, v6;
	v7 =	vmax.f32 v7, v11;
	v11 =	vmul.f32 $2.000000030e-01, v5  }
0x108: {  	v9 =	vpop (erf);
	(erf) = vpow2.f32 v4;
	v4 =	vmul.f32 $1.442695020e+00, v7  }
0x109: {  	v12 =	vpop (erf);
	(erf) = vrcp.f32 v6;
	v6 =	vadd.f32 $1.000000020e-16, v10;
	v5 =	vmax.f32 v5, v11  }
0x10a: {  	v7 =	vpop (erf);
	(erf) = vpow2.f32 v4;
	v4 =	vmul.f32 $1.442695020e+00, v5  }
0x10b: {  	v10 =	vpop (erf);
	(erf) = vrcp.f32 v6;
	v6 =	vadd.f32 $1.000000020e-16, v8  }
0x10c: {  	v5 =	vpop (erf)  }
0x10d: {  	(erf) = vpow2.f32 v4;
	v8 =	vpop (erf)  }
0x10e: {  	(erf) = vrcp.f32 v6;
	v4 =	vpop (erf)  }
0x10f: {  	v6 =	vpop (erf)  }
0x110: {  	v11 =	vpop (erf)  }
0x111: {  	v9 =	vmul.f32 v9, v12;
	v13 =	vpop (erf)  }
0x112: {  	v7 =	vmul.f32 v7, v10;
	v12 =	vpop (erf)  }
0x113: {  	[tilespmem:$0x1CCA0] =	vst v9;
	v5 =	vmul.f32 v5, v8;
	v10 =	vpop (erf)  }
0x114: {  	[tilespmem:$0x1CCB0] =	vst v7;
	v4 =	vmul.f32 v4, v6;
	v8 =	vpop (erf)  }
0x115: {  	[tilespmem:$0x1CCC0] =	vst v5;
	v5 =	vmul.f32 v11, v13;
	v6 =	vpop (erf)  }
0x116: {  	[tilespmem:$0x1CCD0] =	vst v4;
	v4 =	vmul.f32 v12, v10;
	v7 =	vpop (erf)  }
0x117: {  	[tilespmem:$0x1CCE0] =	vst v5;
	v5 =	vmul.f32 v8, v6;
	v6 =	vpop (erf)  }
0x118: {  	[tilespmem:$0x1CCF0] =	vst v4;
	v4 =	vmul.f32 v7, v6  }
0x119: {  	[tilespmem:$0x1CD00] =	vst v5  }
0x11a: {  	s30 =	simm.s32 $0x0;
	[tilespmem:$0x1CD10] =	vst v4  }
0x11b: {  	v15 =	vld [tilespmem:s30+$0x1BCA0]  }
0x11c: {  	v14 =	vld [tilespmem:s30+$0x1BCB0]  }
0x11d: {  	v12 =	vld [tilespmem:s30+$0x1BCC0]  }
0x11e: {  	v10 =	vld [tilespmem:s30+$0x1BCD0]  }
0x11f: {  	v9 =	vld [tilespmem:s30+$0x1BCE0]  }
0x120: {  	v7 =	vld [tilespmem:s30+$0x1BCF0]  }
0x121: {  	v5 =	vld [tilespmem:s30+$0x1BD00]  }
0x122: {  	v4 =	vld [tilespmem:s30+$0x1BD10]  }
0x123: {  	v22 =	vld [tilespmem:s30+$0x1B8A0]  }
0x124: {  	v18 =	vld [tilespmem:s30+$0x1B8B0]  }
0x125: {  	v16 =	vld [tilespmem:s30+$0x1B8C0]  }
0x126: {  	v13 =	vld [tilespmem:s30+$0x1B8D0]  }
0x127: {  	v11 =	vld [tilespmem:s30+$0x1B8E0]  }
0x128: {  	v8 =	vld [tilespmem:s30+$0x1B8F0]  }
0x129: {  	v6 =	vld [tilespmem:s30+$0x1B900]  }
0x12a: {  	v26 =	vld [tilespmem:s30+$0x1B4A0]  }
0x12b: {  	v27 =	vld [tilespmem:s30+$0x1B4B0]  }
0x12c: {  	v20 =	vld [tilespmem:s30+$0x1B4C0]  }
0x12d: {  	v25 =	vld [tilespmem:s30+$0x1B0A0]  }
0x12e: {  	s31 =	simm.s32 $0x1CCA0;
	v24 =	vld [tilespmem:s30+$0x1A8A0]  }
0x12f: {  	s0 =	simm.s32 $0x200;
	v28 =	vld [tilespmem:s31+$0x0]  }
.LBB2_9:
0x130: {  	p0 =	sne.s32 s0, $0xE00;
	v19 =	vld [tilespmem:s30+$0x1A0A0]  }
0x131: {  	v21 =	vld [tilespmem:s30+$0x1A0B0]  }
0x132: {  	v23 =	vld [tilespmem:s30+$0x1A0C0]  }
0x133: {  	v29 =	vld [tilespmem:s30+$0x1A4A0]  }
0x134: {  	v17 =	vbroadcast v28, $0x0;
	v30 =	vld [tilespmem:s30+$0x1A4B0]  }
0x135: {  	v31 =	vld [tilespmem:s30+$0x1A8B0]  }
0x136: {  	v32 =	vmul.f32 v19, v17;
	v19 =	vbroadcast v28, $0x1;
	v33 =	vld [tilespmem:s30+$0x1A4C0]  }
0x137: {  	v34 =	vmul.f32 v21, v17;
	v23 =	vmul.f32 v23, v17;
	v35 =	vld [tilespmem:s30+$0x1ACA0]  }
0x138: {  	v21 =	vbroadcast v28, $0x2;
	v32 =	vadd.f32 $0.0e+00, v32;
	v29 =	vmul.f32 v29, v19;
	v36 =	vld [tilespmem:s30+$0x1ACB0]  }
0x139: {  	v34 =	vadd.f32 $0.0e+00, v34;
	v37 =	vadd.f32 $0.0e+00, v23;
	v30 =	vmul.f32 v30, v19;
	v38 =	vld [tilespmem:s30+$0x1B0B0]  }
0x13a: {  	v24 =	vmul.f32 v24, v21;
	v23 =	vbroadcast v28, $0x3;
	v29 =	vadd.f32 v29, v32;
	v32 =	vld [tilespmem:s30+$0x1A8C0]  }
0x13b: {  	v31 =	vmul.f32 v31, v21;
	v30 =	vadd.f32 v30, v34;
	v33 =	vmul.f32 v33, v19;
	v34 =	vld [tilespmem:s30+$0x1B4D0]  }
0x13c: {  	v29 =	vadd.f32 v24, v29;
	v35 =	vmul.f32 v35, v23;
	v24 =	vbroadcast v28, $0x4;
	v39 =	vld [tilespmem:s30+$0x1B4E0]  }
0x13d: {  	v33 =	vadd.f32 v33, v37;
	v30 =	vadd.f32 v31, v30;
	v31 =	vmul.f32 v36, v23;
	v36 =	vld [tilespmem:s30+$0x1B4F0]  }
0x13e: {  	v29 =	vadd.f32 v35, v29;
	v35 =	vld [tilespmem:s30+$0x1ACC0];
	v37 =	vmul.f32 v25, v24;
	v25 =	vbroadcast v28, $0x5  }
0x13f: {  	v32 =	vmul.f32 v32, v21;
	v30 =	vadd.f32 v31, v30;
	v31 =	vmul.f32 v38, v24;
	v38 =	vld [tilespmem:s30+$0x1B0C0]  }
0x140: {  	v29 =	vadd.f32 v37, v29;
	v37 =	vld [tilespmem:s30+$0x1B0D0];
	v40 =	vmul.f32 v26, v25;
	v26 =	vbroadcast v28, $0x6  }
0x141: {  	v27 =	vmul.f32 v27, v25;
	v32 =	vadd.f32 v32, v33;
	v33 =	vld [tilespmem:s30+$0x1ACD0];
	v30 =	vadd.f32 v31, v30  }
0x142: {  	v31 =	vld [tilespmem:s30+$0x1A4D0];
	v29 =	vadd.f32 v40, v29;
	v40 =	vmul.f32 v22, v26;
	v22 =	vbroadcast v28, $0x7  }
0x143: {  	v18 =	vmul.f32 v18, v26;
	v28 =	vld [tilespmem:s30+$0x1A0D0];
	v35 =	vmul.f32 v35, v23;
	v27 =	vadd.f32 v27, v30  }
0x144: {  	v30 =	vld [tilespmem:s30+$0x1A8D0];
	v29 =	vadd.f32 v40, v29;
	v15 =	vmul.f32 v15, v22;
	v14 =	vmul.f32 v14, v22  }
0x145: {  	v38 =	vmul.f32 v38, v24;
	v32 =	vadd.f32 v35, v32;
	v35 =	vld [tilespmem:s30+$0x1ACE0];
	v18 =	vadd.f32 v18, v27  }
0x146: {  	v20 =	vmul.f32 v20, v25;
	v16 =	vmul.f32 v16, v26;
	v27 =	vld [tilespmem:s30+$0x1A4E0];
	v15 =	vadd.f32 v15, v29  }
0x147: {  	v12 =	vmul.f32 v12, v22;
	v29 =	vld [tilespmem:s30+$0x1A0E0];
	v32 =	vadd.f32 v38, v32;
	v14 =	vadd.f32 v14, v18  }
0x148: {  	v18 =	vmul.f32 v28, v17;
	v28 =	vmul.f32 v31, v19;
	v31 =	vld [tilespmem:s30+$0x1A8E0];
	[tilespmem:s30+$0x1CD20] =	vst v15  }
0x149: {  	v15 =	vmul.f32 v30, v21;
	v30 =	vmul.f32 v33, v23;
	v33 =	vld [tilespmem:s30+$0x1B0E0];
	v20 =	vadd.f32 v20, v32;
	[tilespmem:s30+$0x1CD30] =	vst v14  }
0x14a: {  	v34 =	vmul.f32 v34, v25;
	v14 =	vadd.f32 $0.0e+00, v18;
	v18 =	vmul.f32 v37, v24;
	v32 =	vld [tilespmem:s30+$0x1B0F0]  }
0x14b: {  	v13 =	vmul.f32 v13, v26;
	v10 =	vmul.f32 v10, v22;
	v37 =	vld [tilespmem:s30+$0x1A4F0];
	v16 =	vadd.f32 v16, v20  }
0x14c: {  	v27 =	vmul.f32 v27, v19;
	v20 =	vmul.f32 v29, v17;
	v29 =	vld [tilespmem:s30+$0x1A0F0];
	v14 =	vadd.f32 v28, v14  }
0x14d: {  	v35 =	vmul.f32 v35, v23;
	v28 =	vmul.f32 v31, v21;
	v31 =	vld [tilespmem:s30+$0x1A8F0];
	v12 =	vadd.f32 v12, v16  }
0x14e: {  	v16 =	vadd.f32 $0.0e+00, v20;
	v14 =	vadd.f32 v15, v14;
	v15 =	vld [tilespmem:s30+$0x1ACF0];
	v20 =	vmul.f32 v33, v24  }
0x14f: {  	v11 =	vmul.f32 v11, v26;
	v33 =	vmul.f32 v39, v25;
	v38 =	vld [tilespmem:s30+$0x1B500];
	[tilespmem:s30+$0x1CD40] =	vst v12  }
0x150: {  	v9 =	vmul.f32 v9, v22;
	v12 =	vadd.f32 v27, v16;
	v16 =	vld [tilespmem:s30+$0x1A900];
	v14 =	vadd.f32 v30, v14  }
0x151: {  	v30 =	vmul.f32 v37, v19;
	v27 =	vmul.f32 v29, v17;
	v29 =	vld [tilespmem:s30+$0x1A100]  }
0x152: {  	v37 =	vld [tilespmem:s30+$0x1A500];
	v12 =	vadd.f32 v28, v12;
	v28 =	vmul.f32 v31, v21;
	v14 =	vadd.f32 v18, v14  }
0x153: {  	v31 =	vmul.f32 v32, v24;
	v18 =	vadd.f32 $0.0e+00, v27;
	v15 =	vmul.f32 v15, v23;
	v27 =	vld [tilespmem:s30+$0x1AD00]  }
0x154: {  	v12 =	vadd.f32 v35, v12;
	v32 =	vld [tilespmem:s30+$0x1B100];
	v14 =	vadd.f32 v34, v14;
	v34 =	vmul.f32 v36, v25  }
0x155: {  	v8 =	vmul.f32 v8, v26;
	v35 =	vmul.f32 v7, v22;
	v18 =	vadd.f32 v30, v18;
	v30 =	vld [tilespmem:s30+$0x1B110]  }
0x156: {  	v7 =	vmul.f32 v29, v17;
	v29 =	vld [tilespmem:s30+$0x1A510];
	v12 =	vadd.f32 v20, v12;
	v13 =	vadd.f32 v13, v14  }
0x157: {  	v16 =	vmul.f32 v16, v21;
	v14 =	vld [tilespmem:s30+$0x1A110];
	v20 =	vmul.f32 v37, v19;
	v18 =	vadd.f32 v28, v18  }
0x158: {  	v28 =	vld [tilespmem:s30+$0x1A910];
	v27 =	vmul.f32 v27, v23;
	v12 =	vadd.f32 v33, v12;
	v10 =	vadd.f32 v10, v13  }
0x159: {  	v7 =	vadd.f32 $0.0e+00, v7;
	v13 =	vadd.f32 v15, v18;
	v18 =	vld [tilespmem:s30+$0x1AD10];
	v32 =	vmul.f32 v32, v24  }
0x15a: {  	v6 =	vmul.f32 v6, v26;
	v33 =	vmul.f32 v38, v25;
	v36 =	vld [tilespmem:s30+$0x1B510];
	v11 =	vadd.f32 v11, v12;
	[tilespmem:s30+$0x1CD50] =	vst v10  }
0x15b: {  	s14 =	sshra.s32 s0, $0x2;
	v7 =	vadd.f32 v20, v7;
	v20 =	vmul.f32 v5, v22;
	v10 =	vadd.f32 v31, v13;
	v13 =	vld [tilespmem:s30+$0x1B910]  }
0x15c: {  	v15 =	vld [tilespmem:s14+$0x1BCA0];
	v5 =	vmul.f32 v14, v17;
	v17 =	vmul.f32 v29, v19;
	v9 =	vadd.f32 v9, v11  }
0x15d: {  	v7 =	vadd.f32 v16, v7;
	v14 =	vld [tilespmem:s14+$0x1BCB0];
	v11 =	vmul.f32 v28, v21;
	v16 =	vadd.f32 v34, v10  }
0x15e: {  	v19 =	vmul.f32 v30, v24;
	v12 =	vld [tilespmem:s14+$0x1BCC0];
	v5 =	vadd.f32 $0.0e+00, v5;
	v18 =	vmul.f32 v18, v23;
	[tilespmem:s30+$0x1CD60] =	vst v9  }
0x15f: {  	v21 =	vadd.f32 v27, v7;
	v10 =	vld [tilespmem:s14+$0x1BCD0];
	v23 =	vmul.f32 v36, v25;
	v8 =	vadd.f32 v8, v16  }
0x160: {  	v24 =	vmul.f32 v4, v22;
	v9 =	vld [tilespmem:s14+$0x1BCE0];
	v16 =	vadd.f32 v17, v5;
	v17 =	vmul.f32 v13, v26  }
0x161: {  	v13 =	vadd.f32 v32, v21;
	v7 =	vld [tilespmem:s14+$0x1BCF0];
	v8 =	vadd.f32 v35, v8  }
0x162: {  	v5 =	vld [tilespmem:s14+$0x1BD00];
	v11 =	vadd.f32 v11, v16  }
0x163: {  	v13 =	vadd.f32 v33, v13;
	v4 =	vld [tilespmem:s14+$0x1BD10];
	[tilespmem:s30+$0x1CD70] =	vst v8  }
0x164: {  	v22 =	vld [tilespmem:s14+$0x1B8A0];
	v8 =	vadd.f32 v18, v11  }
0x165: {  	v6 =	vadd.f32 v6, v13;
	v18 =	vld [tilespmem:s14+$0x1B8B0]  }
0x166: {  	v16 =	vld [tilespmem:s14+$0x1B8C0];
	v8 =	vadd.f32 v19, v8  }
0x167: {  	v6 =	vadd.f32 v20, v6;
	v13 =	vld [tilespmem:s14+$0x1B8D0]  }
0x168: {  	v11 =	vld [tilespmem:s14+$0x1B8E0];
	v19 =	vadd.f32 v23, v8  }
0x169: {  	v8 =	vld [tilespmem:s14+$0x1B8F0];
	[tilespmem:s30+$0x1CD80] =	vst v6  }
0x16a: {  	v6 =	vld [tilespmem:s14+$0x1B900];
	v17 =	vadd.f32 v17, v19  }
0x16b: {  	v26 =	vld [tilespmem:s14+$0x1B4A0]  }
.Ltmp3:
0x16c: {  	v27 =	vld [tilespmem:s14+$0x1B4B0];
	v17 =	vadd.f32 v24, v17;
	(pc) =	sbr.rel @p0 .LBB2_9-.Ltmp3, $4  }
0x16d: {  	v20 =	vld [tilespmem:s14+$0x1B4C0]  }
0x16e: {  	v25 =	vld [tilespmem:s14+$0x1B0A0];
	[tilespmem:s30+$0x1CD90] =	vst v17;
	s30 =	smov.u32 s14  }
0x16f: {  	s31 =	sadd.s32 $0x10, s31;
	v24 =	vld [tilespmem:s30+$0x1A8A0]  }
0x170: {  	s0 =	sadd.s32 $0x200, s0;
	v28 =	vld [tilespmem:s31+$0x0]  }
0x171: {  	v17 =	vld [tilespmem:s30+$0x1A0A0]  }
0x172: {  	v19 =	vld [tilespmem:s30+$0x1A0B0]  }
0x173: {  	v29 =	vld [tilespmem:s30+$0x1A0C0]  }
0x174: {  	v21 =	vld [tilespmem:s30+$0x1A4A0]  }
0x175: {  	v30 =	vld [tilespmem:s30+$0x1A4B0]  }
0x176: {  	v32 =	vld [tilespmem:s30+$0x1A8B0]  }
0x177: {  	v33 =	vld [tilespmem:s30+$0x1A4C0]  }
0x178: {  	v34 =	vld [tilespmem:s30+$0x1ACA0]  }
0x179: {  	v35 =	vld [tilespmem:s30+$0x1ACB0]  }
0x17a: {  	v53 =	vld [tilespmem:s30+$0x1A4D0];
	v31 =	vbroadcast v28, $0x0  }
0x17b: {  	v54 =	vld [tilespmem:s30+$0x1A0D0];
	v23 =	vbroadcast v28, $0x1  }
0x17c: {  	v59 =	vld [tilespmem:s30+$0x1A4E0];
	v17 =	vmul.f32 v17, v31  }
0x17d: {  	v37 =	vld [tilespmem:s30+$0x1B0B0];
	v19 =	vmul.f32 v19, v31;
	v36 =	vmul.f32 v21, v23  }
0x17e: {  	v38 =	vld [tilespmem:s30+$0x1A8C0];
	v21 =	vbroadcast v28, $0x2;
	v30 =	vmul.f32 v30, v23  }
0x17f: {  	v56 =	vld [tilespmem:s30+$0x1A8D0];
	v29 =	vmul.f32 v29, v31;
	v33 =	vmul.f32 v33, v23  }
0x180: {  	v63 =	vld [tilespmem:s30+$0x1A8E0];
	v44 =	vmul.f32 v54, v31;
	v45 =	vmul.f32 v53, v23  }
0x181: {  	v50 =	vld [tilespmem:s30+$0x1ACC0];
	v54 =	vmul.f32 v59, v23;
	v17 =	vadd.f32 $0.0e+00, v17;
	v19 =	vadd.f32 $0.0e+00, v19  }
0x182: {  	v41 =	vld [tilespmem:s30+$0x1B0C0];
	v24 =	vmul.f32 v24, v21;
	v32 =	vmul.f32 v32, v21;
	v29 =	vadd.f32 $0.0e+00, v29  }
0x183: {  	v42 =	vld [tilespmem:s30+$0x1ACD0];
	v55 =	vmul.f32 v38, v21;
	v36 =	vadd.f32 v36, v17;
	v17 =	vbroadcast v28, $0x3  }
0x184: {  	v59 =	vld [tilespmem:s30+$0x1A500];
	v46 =	vmul.f32 v56, v21;
	v30 =	vadd.f32 v30, v19;
	v19 =	vbroadcast v28, $0x4  }
0x185: {  	v56 =	vld [tilespmem:s30+$0x1A100];
	v29 =	vadd.f32 v33, v29;
	v33 =	vmul.f32 v63, v21;
	v34 =	vmul.f32 v34, v17  }
0x186: {  	v52 =	vld [tilespmem:s30+$0x1B0D0];
	v24 =	vadd.f32 v24, v36;
	v49 =	vmul.f32 v35, v17;
	v25 =	vmul.f32 v25, v19  }
0x187: {  	v30 =	vadd.f32 v32, v30;
	v51 =	vmul.f32 v37, v19;
	v58 =	vmul.f32 v50, v17  }
0x188: {  	v29 =	vadd.f32 v55, v29;
	v62 =	vmul.f32 v41, v19;
	v48 =	vmul.f32 v42, v17  }
0x189: {  	v39 =	vld [tilespmem:s30+$0x1B4D0];
	v42 =	vmul.f32 v59, v23;
	v34 =	vadd.f32 v34, v24;
	v24 =	vbroadcast v28, $0x5  }
0x18a: {  	v43 =	vld [tilespmem:s30+$0x1B0E0];
	v63 =	vmul.f32 v56, v31;
	v30 =	vadd.f32 v49, v30;
	v61 =	vadd.f32 v58, v29  }
0x18b: {  	v50 =	vld [tilespmem:s30+$0x1A4F0];
	v49 =	vmul.f32 v52, v19;
	v34 =	vadd.f32 v25, v34;
	v26 =	vmul.f32 v26, v24  }
0x18c: {  	v36 =	vld [tilespmem:s30+$0x1B4F0];
	v25 =	vbroadcast v28, $0x6;
	v30 =	vadd.f32 v51, v30;
	v27 =	vmul.f32 v27, v24  }
0x18d: {  	v28 =	vbroadcast v28, $0x7;
	v38 =	vmul.f32 v20, v24;
	v41 =	vadd.f32 v62, v61  }
0x18e: {  	v60 =	vld [tilespmem:s30+$0x1A0E0];
	v51 =	vmul.f32 v39, v24;
	v26 =	vadd.f32 v26, v34;
	v22 =	vmul.f32 v22, v25  }
0x18f: {  	v20 =	vmul.f32 v43, v19;
	v27 =	vadd.f32 v27, v30;
	v18 =	vmul.f32 v18, v25  }
0x190: {  	v58 =	vmul.f32 v50, v23;
	v15 =	vmul.f32 v15, v28;
	v22 =	vadd.f32 v22, v26  }
0x191: {  	v57 =	vld [tilespmem:s30+$0x1ACE0];
	v36 =	vmul.f32 v36, v24;
	v14 =	vmul.f32 v14, v28;
	v18 =	vadd.f32 v18, v27  }
0x192: {  	v40 =	vld [tilespmem:s30+$0x1B4E0];
	v16 =	vmul.f32 v16, v25;
	v12 =	vmul.f32 v12, v28;
	v15 =	vadd.f32 v15, v22  }
0x193: {  	v52 =	vld [tilespmem:s30+$0x1A0F0];
	v27 =	vadd.f32 $0.0e+00, v44;
	v14 =	vadd.f32 v14, v18;
	v22 =	vmul.f32 v60, v31  }
0x194: {  	v53 =	vld [tilespmem:s30+$0x1A8F0];
	v13 =	vmul.f32 v13, v25;
	v10 =	vmul.f32 v10, v28;
	[tilespmem:s30+$0x1CD20] =	vst v15;
	v15 =	vadd.f32 v38, v41  }
0x195: {  	v47 =	vld [tilespmem:s30+$0x1B0F0];
	v11 =	vmul.f32 v11, v25;
	[tilespmem:s30+$0x1CD30] =	vst v14;
	v14 =	vadd.f32 v45, v27;
	v22 =	vadd.f32 $0.0e+00, v22  }
0x196: {  	v9 =	vmul.f32 v9, v28;
	v26 =	vmul.f32 v57, v17;
	v57 =	vld [tilespmem:s30+$0x1A110];
	v15 =	vadd.f32 v16, v15  }
0x197: {  	v61 =	vld [tilespmem:s30+$0x1A510];
	v8 =	vmul.f32 v8, v25;
	v14 =	vadd.f32 v46, v14;
	v22 =	vadd.f32 v54, v22  }
0x198: {  	v55 =	vld [tilespmem:s30+$0x1ACF0];
	v7 =	vmul.f32 v7, v28;
	v16 =	vmul.f32 v52, v31;
	v12 =	vadd.f32 v12, v15  }
0x199: {  	v62 =	vld [tilespmem:s30+$0x1A900];
	v60 =	vmul.f32 v53, v21;
	v14 =	vadd.f32 v48, v14;
	v22 =	vadd.f32 v33, v22  }
0x19a: {  	v18 =	vmul.f32 v47, v19;
	v16 =	vadd.f32 $0.0e+00, v16;
	[tilespmem:s30+$0x1CD40] =	vst v12;
	v12 =	vmul.f32 v40, v24;
	v40 =	vld [tilespmem:s30+$0x1A910]  }
0x19b: {  	v41 =	vld [tilespmem:s30+$0x1AD00];
	v27 =	vmul.f32 v57, v31;
	v14 =	vadd.f32 v49, v14;
	v22 =	vadd.f32 v26, v22  }
0x19c: {  	v43 =	vld [tilespmem:s30+$0x1AD10];
	v45 =	vmul.f32 v61, v23;
	v16 =	vadd.f32 v58, v16;
	v26 =	vadd.f32 $0.0e+00, v63  }
0x19d: {  	v44 =	vld [tilespmem:s30+$0x1B100];
	v46 =	vadd.f32 $0.0e+00, v27;
	v15 =	vmul.f32 v55, v17;
	v14 =	vadd.f32 v51, v14  }
0x19e: {  	v47 =	vld [tilespmem:s30+$0x1B110];
	v48 =	vmul.f32 v62, v21;
	v16 =	vadd.f32 v60, v16;
	v26 =	vadd.f32 v42, v26  }
0x19f: {  	v35 =	vld [tilespmem:s30+$0x1B500];
	v13 =	vadd.f32 v13, v14;
	v14 =	vadd.f32 v45, v46;
	v49 =	vmul.f32 v40, v21  }
0x1a0: {  	v50 =	vmul.f32 v41, v17;
	v51 =	vld [tilespmem:s30+$0x1B510];
	v26 =	vadd.f32 v48, v26;
	v15 =	vadd.f32 v15, v16  }
0x1a1: {  	v52 =	vmul.f32 v43, v17;
	v10 =	vadd.f32 v10, v13;
	v13 =	vadd.f32 v49, v14  }
0x1a2: {  	v54 =	vmul.f32 v44, v19;
	v55 =	vld [tilespmem:s30+$0x1B910];
	v53 =	vadd.f32 v20, v22;
	v56 =	vadd.f32 v50, v26  }
0x1a3: {  	v57 =	vmul.f32 v47, v19;
	v15 =	vadd.f32 v18, v15;
	[tilespmem:s30+$0x1CD50] =	vst v10;
	v10 =	vadd.f32 v52, v13  }
0x1a4: {  	v58 =	vmul.f32 v35, v24;
	v12 =	vadd.f32 v12, v53;
	v59 =	vadd.f32 v54, v56  }
0x1a5: {  	v60 =	vmul.f32 v51, v24;
	v15 =	vadd.f32 v36, v15;
	v10 =	vadd.f32 v57, v10  }
0x1a6: {  	v6 =	vmul.f32 v6, v25;
	v11 =	vadd.f32 v11, v12;
	v61 =	vadd.f32 v58, v59  }
0x1a7: {  	v62 =	vmul.f32 v55, v25;
	v8 =	vadd.f32 v8, v15;
	v10 =	vadd.f32 v60, v10  }
0x1a8: {  	v5 =	vmul.f32 v5, v28;
	v9 =	vadd.f32 v9, v11;
	v6 =	vadd.f32 v6, v61  }
0x1a9: {  	v4 =	vmul.f32 v4, v28;
	v7 =	vadd.f32 v7, v8;
	v63 =	vadd.f32 v62, v10  }
0x1aa: {  	[tilespmem:s30+$0x1CD60] =	vst v9;
	v5 =	vadd.f32 v5, v6  }
0x1ab: {  	s26 =	sadd.s32 $0x1, s26;
	[tilespmem:s30+$0x1CD70] =	vst v7;
	v4 =	vadd.f32 v4, v63  }
0x1ac: {  	p0 =	sne.s32 s26, $0x4E2;
	[tilespmem:s30+$0x1CD80] =	vst v5  }
.Ltmp4:
0x1ad: {  	[tilespmem:s30+$0x1CD90] =	vst v4;
	(pc) =	sbr.rel @p0 .LBB2_8-.Ltmp4, $4  }
0x1ae: {  	[spmem:s4] =	stream.indirect.scatter.add.f32 [tilespmem:s24], [sflag:$0x1], $0x80, s29, s18, $0xb8;
	[tilespmem:$0x1D920] =	vst v63  }
0x1af: {  	_ =	swait.ge [sflag:s21], $0x400  }
0x1b0: {  	[sflag:s21] =	ssyncset.done $0x0  }
0x1b1: {  	[sflag:s21] =	ssyncadd.s32 $0xFFFFFC00  }
0x1b2: {  	s0 =	sadd.s32 $0x0, s5  }
0x1b3: {  	[bflag:$0x0] =	sbarrier.arrive $0xFFFF;
	p0 =	sgt.u32 s0, $0x4E1  }
0x1b4: {  	s0 =	simm.s32 @!p0 $0x1D520;
	s3 =	simm.s32 @!p0 $0x2;
	p0 =	por p0, p0  }
0x1b5: {  	[tilespmem:s0], [sflag:$0x2] =	stream.linear.gather @!p0 [spmem:s16], $0x400, $0x38;
	[tilespmem:$0x1D920] =	vst v63  }
0x1b6: {  	_ =	swait.ge @!p0 [sflag:s3], $0x400  }
0x1b7: {  	s14 =	simm.s32 $0x20;
	s19 =	simm.s32 @!p0 $0x1;
	[sflag:s3] =	ssyncset.done @!p0 $0x0  }
0x1b8: {  	s4 =	rddreg [dreg:$0x9];
	[sflag:s3] =	ssyncadd.s32 @!p0 $0xFFFFFC00;
	s3 =	simm.s32 @!p0 $0x0  }
0x1b9: {  	[hbm4b:s4+s3] =	stream.linear.scatter @!p0 [tilespmem:s0], [sflag:$0x1], $0x400, $0x38;
	[tilespmem:$0x1D920] =	vst v63  }
0x1ba: {  	s31 =	sadd.s32 $0x10, s5;
	s25 =	sadd.s32 $0x4000, s16;
	_ =	swait.ge @!p0 [sflag:s19], $0x400  }
0x1bb: {  	p1 =	sgt.u32 s31, $0x4E1;
	s0 =	sadd.s32 $0x800, s4;
	[sflag:s19] =	ssyncset.done @!p0 $0x0  }
.LBB2_12:
0x1bc: {  	s3 =	simm.s32 @!p1 $0x1D520;
	s4 =	simm.s32 @!p1 $0x2;
	[sflag:s19] =	ssyncadd.s32 @!p0 $0xFFFFFC00  }
0x1bd: {  	s26 =	smov.u32 s14;
	p0 =	por p1, p1;
	s14 =	sadd.s32 $0x10, s14  }
0x1be: {  	[tilespmem:s3], [sflag:$0x2] =	stream.linear.gather @!p0 [spmem:s25], $0x400, $0x38;
	[tilespmem:$0x1D920] =	vst v63  }
0x1bf: {  	p2 =	sne.s32 s14, $0x4F0;
	_ =	swait.ge @!p0 [sflag:s4], $0x400  }
.Ltmp5:
0x1c0: {  	[sflag:s4] =	ssyncset.done @!p0 $0x0;
	(pc) =	sbr.rel @p2 .LBB2_12-.Ltmp5, $4  }
0x1c1: {  	s19 =	simm.s32 @!p0 $0x1;
	[sflag:s4] =	ssyncadd.s32 @!p0 $0xFFFFFC00;
	s4 =	simm.s32 @!p0 $0x0  }
0x1c2: {  	[hbm4b:s0+s4] =	stream.linear.scatter @!p0 [tilespmem:s3], [sflag:$0x1], $0x400, $0x38;
	[tilespmem:$0x1D920] =	vst v63  }
0x1c3: {  	s3 =	sadd.s32 s26, s5;
	s0 =	sadd.s32 $0x800, s0;
	_ =	swait.ge @!p0 [sflag:s19], $0x400  }
0x1c4: {  	s25 =	sadd.s32 $0x4000, s25;
	p1 =	sgt.u32 s3, $0x4E1;
	[sflag:s19] =	ssyncset.done @!p0 $0x0  }
0x1c5: {  	s3 =	simm.s32 @!p1 $0x1D520  }
0x1c6: {  	s4 =	simm.s32 @!p1 $0x2;
	[sflag:s19] =	ssyncadd.s32 @!p0 $0xFFFFFC00;
	p0 =	por p1, p1  }
0x1c7: {  	[tilespmem:s3], [sflag:$0x2] =	stream.linear.gather @!p0 [spmem:s25], $0x400, $0x38;
	[tilespmem:$0x1D920] =	vst v63  }
0x1c8: {  	_ =	swait.ge @!p0 [sflag:s4], $0x400  }
0x1c9: {  	[sflag:s4] =	ssyncset.done @!p0 $0x0  }
0x1ca: {  	s14 =	simm.s32 @!p0 $0x1;
	[sflag:s4] =	ssyncadd.s32 @!p0 $0xFFFFFC00;
	s4 =	simm.s32 @!p0 $0x0  }
0x1cb: {  	[hbm4b:s0+s4] =	stream.linear.scatter @!p0 [tilespmem:s3], [sflag:$0x1], $0x400, $0x38;
	[tilespmem:$0x1D920] =	vst v63  }
0x1cc: {  	_ =	swait.ge @!p0 [sflag:s14], $0x400  }
0x1cd: {  	s30 =	rddreg [dreg:$0x6]  }
0x1ce: {  	s31 =	rddreg [dreg:$0x7];
	s19 =	sadd.s32 $0x1, s30  }
0x1cf: {  	p1 =	sne.s32 s19, s31  }
.Ltmp6:
0x1d0: {  	_ = 	snop;
	(pc) =	sbr.rel @p1 .LBB2_1-.Ltmp6, $3  }
0x1d1: {  	_ =	sdelay $0x1  }
0x1d2: {  	[sflag:s14] =	ssyncset.done @!p0 $0x0  }
0x1d3: {  	[sflag:s14] =	ssyncadd.s32 @!p0 $0xFFFFFC00  }
0x1d4: {  	_ =	sfence.sel $0x180000  }
0x1d5: {  	[bflag:$0x0] =	sbarrier.arrive $0xFFFF  }
0x1d6: {  	_ =	strace $0x90000047  }
0x1d7: {  	[bflag:$0x2] =	sbarrier.arrive $0xFFFF  }
0x1d8: {  	p0 =	sne.s32 s5, $0x0;
	s0 =	rddreg [dreg:$0x5]  }
0x1d9: {  	s0 =	sadd.s32 @!p0 $0x100000, s0  }
0x1da: {  	[sflag:s0] =	ssyncadd.tile.s32 @!p0 $0x1;
	_ =	shalt  }
.Lfunc_end2:
_tile_overlayer_lowered:
.L_overlay_start_2:
0x1db: {  	(tag) =	ssettag $0x2  }
0x1dc: {  	s0 =	rddreg [dreg:$0x0];
	s2 =	stileid.u32  }
0x1dd: {  	s1 =	rddreg [dreg:$0x1];
	p0 =	sne.s32 s2, $0x0  }
0x1de: {  	s3 =	rddreg [dreg:$0x2];
	[bflag:$0x3] =	sbarrier.arrive $0xFFFF;
	s2 =	simm.s32 @!p0 $0x1C01  }
0x1df: {  	[timem:s3], [sflag:s2] =	dma.local @!p0 [hbm:s0], s1  }
0x1e0: {  	s0 =	simm.s32 @!p0 $0x1  }
0x1e1: {  	_ =	swait.ge @!p0 [sflag:s0], s1  }
0x1e2: {  	s1 =	ssub.s32 @!p0 $0x0, s1;
	[sflag:s0] =	ssyncset.done @!p0 $0x0  }
0x1e3: {  	[sflag:s0] =	ssyncadd.s32 @!p0 s1  }
0x1e4: {  	[bflag:$0x3] =	sbarrier.arrive $0xFFFF  }
0x1e5: {  	_ =	shalt  }

</sc_bundles>
